<compile_context>
chip_gen: v7x
topology: tpu7x:2x2x1
jax: 0.10.2.dev20260603
libtpu: 0.0.44.dev20260713+nightly
codegen_flags: <defaults>
</compile_context>

<pallas_src>
import functools

import jax
import jax.numpy as jnp
from jax import lax
from jax.experimental import pallas as pl
from jax.experimental.pallas import tpu as pltpu
from jax.experimental.pallas import tpu_sc as plsc

N = 10000
E = 320000
D = 128
H = 256
LH = 256

NC = 2
NS = 16
NW = NC * NS
GROUP = 80
ROWS = E // GROUP
RPT = ROWS // NW
NPT = 624
NTAIL = N - NS * NPT
NBUF = 5
GLOOP = RPT // NBUF
GA = 40
ROWSA = E // GA
RPTA = ROWSA // NW
CH = 25
NCHUNK = RPTA // CH


def _sc_aggregate(x, srcA, dstA, zeros_nd, zeros_n, ones_g):
    mesh = plsc.VectorSubcoreMesh(core_axis_name="c", subcore_axis_name="s")

    @functools.partial(
        pl.kernel,
        mesh=mesh,
        out_type=[
            jax.ShapeDtypeStruct((NC, N, D), jnp.float32),
            jax.ShapeDtypeStruct((NC, N), jnp.float32),
        ],
        scratch_types=[
            [pltpu.VMEM((CH, GA), jnp.int32)] * 2,
            [pltpu.VMEM((CH, GA), jnp.int32)] * 2,
            [pltpu.VMEM((GA, D), jnp.float32)] * NBUF,
            pltpu.VMEM((GA,), jnp.float32),
            pltpu.VMEM_SHARED((N, D), jnp.float32),
            pltpu.VMEM_SHARED((N,), jnp.float32),
            [pltpu.SemaphoreType.DMA] * NBUF,
            [pltpu.SemaphoreType.DMA] * NBUF,
            [pltpu.SemaphoreType.DMA] * 2,
        ],
    )
    def kern(x_hbm, src_hbm, dst_hbm, z2_hbm, z1_hbm, ones_hbm,
             agg_hbm, deg_hbm,
             idx_s2, idx_d2, rows, ones_v, agg_sh, deg_sh, gsem,
             ssem, isem):
        c = lax.axis_index("c")
        s = lax.axis_index("s")
        w = c * NS + s
        nbase = pl.multiple_of(s * NPT, 8)
        pltpu.sync_copy(z2_hbm.at[pl.ds(nbase, NPT)],
                        agg_sh.at[pl.ds(nbase, NPT)])

        @pl.when(s == 0)
        def _():
            pltpu.sync_copy(z2_hbm.at[pl.ds(NS * NPT, NTAIL)],
                            agg_sh.at[pl.ds(NS * NPT, NTAIL)])
            pltpu.sync_copy(z1_hbm, deg_sh)

        pltpu.sync_copy(ones_hbm, ones_v)

        def load_chunk(u, p):
            pltpu.async_copy(src_hbm.at[w, u], idx_s2[p], isem[p])
            pltpu.async_copy(dst_hbm.at[w, u], idx_d2[p], isem[p])

        def wait_chunk(u, p):
            pltpu.make_async_copy(src_hbm.at[w, u], idx_s2[p],
                                  isem[p]).wait()
            pltpu.make_async_copy(dst_hbm.at[w, u], idx_d2[p],
                                  isem[p]).wait()

        load_chunk(0, 0)
        wait_chunk(0, 0)
        load_chunk(1, 1)
        plsc.subcore_barrier()

        def start_gather(ix, r, b):
            pltpu.async_copy(x_hbm.at[ix.at[r]], rows[b], gsem[b])

        def wait_gather(ix, r, b):
            pltpu.make_async_copy(x_hbm.at[ix.at[r]], rows[b],
                                  gsem[b]).wait()

        def start_scatter(ix, r, b):
            pltpu.async_copy(rows[b], agg_sh.at[ix.at[r]], ssem[b],
                             add=True)
            pltpu.async_copy(ones_v, deg_sh.at[ix.at[r]], ssem[b],
                             add=True)

        def wait_scatter(ix, r, b):
            pltpu.make_async_copy(rows[b], agg_sh.at[ix.at[r]],
                                  ssem[b]).wait()
            pltpu.make_async_copy(ones_v, deg_sh.at[ix.at[r]],
                                  ssem[b]).wait()

        for b in range(3):
            start_gather(idx_s2[0], b, b)

        def pair_body(q, carry):
            for p in range(2):
                u = q * 2 + p
                isC, idC = idx_s2[p], idx_d2[p]
                isN, idN = idx_s2[1 - p], idx_d2[1 - p]
                for loc in (0, 1):
                    wait_gather(isC, loc, loc)
                    start_scatter(idC, loc, loc)
                    if p == 1:
                        wait_scatter(idN, 23 + loc, 3 + loc)
                    else:
                        @pl.when(q > 0)
                        def _():
                            wait_scatter(idN, 23 + loc, 3 + loc)
                    start_gather(isC, loc + 3, loc + 3)
                if p == 1:
                    @pl.when(q < (NCHUNK // 2) - 1)
                    def _():
                        load_chunk(u + 1, 0)
                else:
                    @pl.when(q > 0)
                    def _():
                        load_chunk(u + 1, 1)
                def mid(g, carry2):
                    for b in range(NBUF):
                        loc = 2 + g * NBUF + b
                        rb = (2 + b) % NBUF
                        wait_gather(isC, loc, rb)
                        start_scatter(idC, loc, rb)
                        wait_scatter(idC, loc - 2, b)
                        start_gather(isC, loc + 3, b)
                    return carry2

                lax.fori_loop(0, 4, mid, 0)
                last = (p == 1)
                for k in range(3):
                    loc = 22 + k
                    if k == 0:
                        if last:
                            @pl.when(q < (NCHUNK // 2) - 1)
                            def _():
                                wait_chunk(u + 1, 1 - p)
                        else:
                            wait_chunk(u + 1, 1 - p)
                    wait_gather(isC, loc, loc - 20)
                    start_scatter(idC, loc, loc - 20)
                    wait_scatter(idC, loc - 2, k)
                    if last:
                        @pl.when(q < (NCHUNK // 2) - 1)
                        def _():
                            start_gather(isN, k, k)
                    else:
                        start_gather(isN, k, k)
            return carry

        lax.fori_loop(0, NCHUNK // 2, pair_body, 0)
        wait_scatter(idx_d2[1], 23, 3)
        wait_scatter(idx_d2[1], 24, 4)
        plsc.subcore_barrier()

        pltpu.sync_copy(agg_sh.at[pl.ds(nbase, NPT)],
                        agg_hbm.at[c, pl.ds(nbase, NPT)])

        @pl.when(s == 0)
        def _():
            pltpu.sync_copy(agg_sh.at[pl.ds(NS * NPT, NTAIL)],
                            agg_hbm.at[c, pl.ds(NS * NPT, NTAIL)])
            pltpu.sync_copy(deg_sh, deg_hbm.at[c])

    return kern(x, srcA, dstA, zeros_nd, zeros_n, ones_g)


def _sc_edge_scalar(svec, src2d, dst2d, zeros_n):
    mesh = plsc.VectorSubcoreMesh(core_axis_name="c", subcore_axis_name="s")

    @functools.partial(
        pl.kernel,
        mesh=mesh,
        out_type=jax.ShapeDtypeStruct((NC, N), jnp.float32),
        scratch_types=[
            pltpu.VMEM((RPT, GROUP), jnp.int32),
            pltpu.VMEM((RPT, GROUP), jnp.int32),
            [pltpu.VMEM((GROUP,), jnp.float32)] * NBUF,
            pltpu.VMEM_SHARED((N,), jnp.float32),
            pltpu.VMEM_SHARED((N,), jnp.float32),
            [pltpu.SemaphoreType.DMA] * NBUF,
            [pltpu.SemaphoreType.DMA] * NBUF,
        ],
    )
    def kern(s_hbm, src_hbm, dst_hbm, z1_hbm, t_hbm,
             idx_s, idx_d, vals, s_sp, t_sh, gsem, ssem):
        c = lax.axis_index("c")
        s = lax.axis_index("s")
        w = c * NS + s

        @pl.when(s == 0)
        def _():
            pltpu.sync_copy(z1_hbm, t_sh)

        @pl.when(s == 1)
        def _():
            pltpu.sync_copy(s_hbm, s_sp)

        pltpu.sync_copy(src_hbm.at[w], idx_s)
        pltpu.sync_copy(dst_hbm.at[w], idx_d)
        plsc.subcore_barrier()

        def start_gather(j, b):
            pltpu.async_copy(s_sp.at[idx_s.at[j]], vals[b], gsem[b])

        def wait_gather(j, b):
            pltpu.make_async_copy(s_sp.at[idx_s.at[j]], vals[b],
                                  gsem[b]).wait()

        def start_scatter(j, b):
            pltpu.async_copy(vals[b], t_sh.at[idx_d.at[j]], ssem[b],
                             add=True)

        def wait_scatter(j, b):
            pltpu.make_async_copy(vals[b], t_sh.at[idx_d.at[j]],
                                  ssem[b]).wait()

        for b in range(3):
            start_gather(b, b)

        def round_body(g, carry):
            for b in range(NBUF):
                j = g * NBUF + b
                wait_gather(j, b)
                start_scatter(j, b)
                if b >= 2:
                    wait_scatter(j - 2, b - 2)
                else:
                    @pl.when(g > 0)
                    def _():
                        wait_scatter(j - 2, (b - 2) % NBUF)
                if b < 2:
                    start_gather(j + 3, (b + 3) % NBUF)
                else:
                    @pl.when(g < GLOOP - 1)
                    def _():
                        start_gather(j + 3, (b + 3) % NBUF)
            return carry

        lax.fori_loop(0, GLOOP, round_body, 0)
        wait_scatter(RPT - 2, (RPT - 2) % NBUF)
        wait_scatter(RPT - 1, (RPT - 1) % NBUF)
        plsc.subcore_barrier()

        @pl.when(s == 0)
        def _():
            pltpu.sync_copy(t_sh, t_hbm.at[c])

    return kern(svec, src2d, dst2d, zeros_n)


BN = 1000


def _tc_dense0(x, w1rt, b1l_r):
    def body(x_r, w1r_r, b1l_r_, xr_r):
        xr_r[...] = (jnp.dot(x_r[...], w1r_r[...],
                             preferred_element_type=jnp.float32)
                     + b1l_r_[...])

    return pl.pallas_call(
        body,
        grid=(N // BN,),
        in_specs=[
            pl.BlockSpec((BN, D), lambda i: (i, 0)),
            pl.BlockSpec((D, H), lambda i: (0, 0)),
            pl.BlockSpec((1, H), lambda i: (0, 0)),
        ],
        out_specs=pl.BlockSpec((BN, H), lambda i: (i, 0)),
        out_shape=jax.ShapeDtypeStruct((N, H), jnp.float32),
    )(x, w1rt, b1l_r)


def _tc_dense1(agg2, deg, xr, w1lt, w2s):
    def body(agg_r, deg_r, xr_r, w1l_r, w2s_r, sh_r, degc_r):
        degc = jnp.maximum(deg_r[0] + deg_r[1], 1.0)
        mean = (agg_r[0] + agg_r[1]) / degc
        h = (jnp.dot(mean, w1l_r[...], preferred_element_type=jnp.float32)
             + xr_r[...])
        h = jnp.maximum(h, 0.0)
        sh_r[...] = jnp.dot(h, w2s_r[...], preferred_element_type=jnp.float32)
        degc_r[...] = degc

    grid = (N // BN,)
    return pl.pallas_call(
        body,
        grid=grid,
        in_specs=[
            pl.BlockSpec((NC, BN, D), lambda i: (0, i, 0)),
            pl.BlockSpec((NC, BN, 1), lambda i: (0, i, 0)),
            pl.BlockSpec((BN, H), lambda i: (i, 0)),
            pl.BlockSpec((D, H), lambda i: (0, 0)),
            pl.BlockSpec((H, 2), lambda i: (0, 0)),
        ],
        out_specs=[
            pl.BlockSpec((BN, 2), lambda i: (i, 0)),
            pl.BlockSpec((BN, 1), lambda i: (i, 0)),
        ],
        out_shape=[
            jax.ShapeDtypeStruct((N, 2), jnp.float32),
            jax.ShapeDtypeStruct((N, 1), jnp.float32),
        ],
    )(agg2, deg, xr, w1lt, w2s)


def _tc_dense2(t0, t1, degc, hr, b2, wfc1, bfc1, wfc2, bfc2):
    def body(t0_r, t1_r, degc_r, hr_r, b2_r, wfc1_r, bfc1_r, wfc2_r, bfc2_r,
             p_r):
        v = jnp.maximum((t0_r[...] + t1_r[...]) / degc_r[...]
                        + b2_r[0, 0] + hr_r[...], 0.0)
        z = (jnp.dot(wfc1_r[...], v, preferred_element_type=jnp.float32)
             + bfc1_r[...])
        p_r[...] = (jnp.dot(wfc2_r[...], z,
                            preferred_element_type=jnp.float32)
                    + bfc2_r[...])

    return pl.pallas_call(
        body,
        out_shape=jax.ShapeDtypeStruct((1, 1), jnp.float32),
    )(t0, t1, degc, hr, b2, wfc1, bfc1, wfc2, bfc2)


def kernel(x, edge_index, W1l, b1l, W1r, W2l, b2l, W2r, Wfc1, bfc1, Wfc2, bfc2):
    src2d = edge_index[0].reshape(NW, RPT, GROUP)
    dst2d = edge_index[1].reshape(NW, RPT, GROUP)
    srcA = edge_index[0].reshape(NW, NCHUNK, CH, GA)
    dstA = edge_index[1].reshape(NW, NCHUNK, CH, GA)
    zeros_nd = jnp.zeros((N, D), jnp.float32)
    zeros_n = jnp.zeros((N,), jnp.float32)
    ones_g = jnp.ones((GA,), jnp.float32)

    agg2, deg = _sc_aggregate(x, srcA, dstA, zeros_nd, zeros_n, ones_g)
    xr = _tc_dense0(x, W1r.T, b1l.reshape(1, H))

    sh, degc = _tc_dense1(
        agg2, deg.reshape(NC, N, 1),
        xr, W1l.T,
        jnp.concatenate([W2l, W2r], axis=0).T,
    )

    s_vec = sh[:, 0]
    hr = sh[:, 1:2]

    t2 = _sc_edge_scalar(s_vec, src2d, dst2d, zeros_n)

    p = _tc_dense2(
        t2[0].reshape(N, 1), t2[1].reshape(N, 1), degc, hr,
        b2l.reshape(1, 1), Wfc1, bfc1.reshape(LH, 1), Wfc2,
        bfc2.reshape(1, 1),
    )
    return jnp.reshape(p, ())

# --- scband reference (transcript-rebuilt; emitter-appended) ---
"""Pipeline reference for scband-gcnmodel-75874892251953 (READ-ONLY COPY).

The authoritative reference and input builder live on the scoring server;
editing this copy changes nothing except your own understanding.
"""

import jax, jax.numpy as jnp
import numpy as np

N = 10000
E = 320000
D = 128
H = 256
LH = 256


def setup_inputs(seed: int = 0) -> dict:
    key = jax.random.key(seed)
    ks = jax.random.split(key, 16)
    x = jax.random.normal(ks[0], (N, D), dtype=jnp.float32)
    edge_index = jax.random.randint(ks[1], (2, E), 0, N, dtype=jnp.int32)
    # SAGEConv1: lin_l (neighbors, with bias), lin_r (root, no bias)
    W1l = jax.random.normal(ks[2], (H, D), dtype=jnp.float32) / np.sqrt(D)
    b1l = jnp.zeros((H,), dtype=jnp.float32)
    W1r = jax.random.normal(ks[3], (H, D), dtype=jnp.float32) / np.sqrt(D)
    # SAGEConv2: hidden -> 1
    W2l = jax.random.normal(ks[4], (1, H), dtype=jnp.float32) / np.sqrt(H)
    b2l = jnp.zeros((1,), dtype=jnp.float32)
    W2r = jax.random.normal(ks[5], (1, H), dtype=jnp.float32) / np.sqrt(H)
    # fc1: LazyLinear materializes to in_features = N (input is the squeezed [N] vector)
    Wfc1 = jax.random.normal(ks[6], (LH, N), dtype=jnp.float32) / np.sqrt(N)
    bfc1 = jnp.zeros((LH,), dtype=jnp.float32)
    Wfc2 = jax.random.normal(ks[7], (1, LH), dtype=jnp.float32) / np.sqrt(LH)
    bfc2 = jnp.zeros((1,), dtype=jnp.float32)
    return {"x": x, "edge_index": edge_index, "W1l": W1l, "b1l": b1l, "W1r": W1r,
            "W2l": W2l, "b2l": b2l, "W2r": W2r,
            "Wfc1": Wfc1, "bfc1": bfc1, "Wfc2": Wfc2, "bfc2": bfc2}


def _sage_conv(x, src, dst, Wl, bl, Wr):
    # PyG SAGEConv with mean aggregation: out = lin_l(mean_j x_j) + lin_r(x_i)
    msgs = x[src]  # gather source-node features per edge
    agg = jax.ops.segment_sum(msgs, dst, num_segments=N)
    deg = jax.ops.segment_sum(jnp.ones((src.shape[0], 1), x.dtype), dst, num_segments=N)
    mean = agg / jnp.clip(deg, 1.0)
    return mean @ Wl.T + bl + x @ Wr.T


def reference(x, edge_index, W1l, b1l, W1r, W2l, b2l, W2r, Wfc1, bfc1, Wfc2, bfc2):
    src = edge_index[0]
    dst = edge_index[1]
    h = _sage_conv(x, src, dst, W1l, b1l, W1r)
    h = jax.nn.relu(h)
    # dropout is identity at inference
    h = _sage_conv(h, src, dst, W2l, b2l, W2r)  # [N, 1]
    h = jax.nn.relu(h)
    v = jnp.squeeze(h, 1)  # [N]
    z = Wfc1 @ v + bfc1    # [LH]
    p = Wfc2 @ z + bfc2    # [1]
    return jnp.squeeze(p)  # scalar

if __name__ == "__main__":
    import jax
    _d = setup_inputs()
    print(jax.jit(kernel)(*tuple(_d.values())))

</pallas_src>

<mosaic_0001>
#map = affine_map<(d0, d1) -> (0, 0)>
#map1 = affine_map<(d0, d1) -> (0, 0, 0, 0)>
#map2 = affine_map<(d0, d1) -> (0)>
#map3 = affine_map<(d0, d1) -> (0, 0, 0)>
module attributes {stable_mosaic.version = 14 : i64} {
  func.func @kern(%arg0: i32, %arg1: i32, %arg2: memref<10000x128xf32, #tpu.memory_space<hbm>>, %arg3: memref<32x10x25x40xi32, #tpu.memory_space<hbm>>, %arg4: memref<32x10x25x40xi32, #tpu.memory_space<hbm>>, %arg5: memref<10000x128xf32, #tpu.memory_space<hbm>>, %arg6: memref<10000xf32, #tpu.memory_space<hbm>>, %arg7: memref<40xf32, #tpu.memory_space<hbm>>, %arg8: memref<2x10000x128xf32, #tpu.memory_space<hbm>>, %arg9: memref<2x10000xf32, #tpu.memory_space<hbm>>, %arg10: memref<25x40xi32, #tpu.memory_space<vmem>>, %arg11: memref<25x40xi32, #tpu.memory_space<vmem>>, %arg12: memref<25x40xi32, #tpu.memory_space<vmem>>, %arg13: memref<25x40xi32, #tpu.memory_space<vmem>>, %arg14: memref<40x128xf32, #tpu.memory_space<vmem>>, %arg15: memref<40x128xf32, #tpu.memory_space<vmem>>, %arg16: memref<40x128xf32, #tpu.memory_space<vmem>>, %arg17: memref<40x128xf32, #tpu.memory_space<vmem>>, %arg18: memref<40x128xf32, #tpu.memory_space<vmem>>, %arg19: memref<40xf32, #tpu.memory_space<vmem>>, %arg20: memref<10000x128xf32, #tpu.memory_space<vmem_shared>>, %arg21: memref<10000xf32, #tpu.memory_space<vmem_shared>>, %arg22: memref<!tpu.dma_semaphore, #tpu.memory_space<semaphore_mem>>, %arg23: memref<!tpu.dma_semaphore, #tpu.memory_space<semaphore_mem>>, %arg24: memref<!tpu.dma_semaphore, #tpu.memory_space<semaphore_mem>>, %arg25: memref<!tpu.dma_semaphore, #tpu.memory_space<semaphore_mem>>, %arg26: memref<!tpu.dma_semaphore, #tpu.memory_space<semaphore_mem>>, %arg27: memref<!tpu.dma_semaphore, #tpu.memory_space<semaphore_mem>>, %arg28: memref<!tpu.dma_semaphore, #tpu.memory_space<semaphore_mem>>, %arg29: memref<!tpu.dma_semaphore, #tpu.memory_space<semaphore_mem>>, %arg30: memref<!tpu.dma_semaphore, #tpu.memory_space<semaphore_mem>>, %arg31: memref<!tpu.dma_semaphore, #tpu.memory_space<semaphore_mem>>, %arg32: memref<!tpu.dma_semaphore, #tpu.memory_space<semaphore_mem>>, %arg33: memref<!tpu.dma_semaphore, #tpu.memory_space<semaphore_mem>>) attributes {dimension_semantics = [#tpu.dimension_semantics<core_parallel>, #tpu.dimension_semantics<subcore_parallel>], iteration_bounds = array<i64: 2, 16>, scalar_prefetch = 0 : i64, scratch_operands = 24 : i64, tpu.core_type = #tpu.core_type<sc_vector_subcore>, window_params = [{transform_indices = #map}, {transform_indices = #map1}, {transform_indices = #map1}, {transform_indices = #map}, {transform_indices = #map2}, {transform_indices = #map2}, {transform_indices = #map3}, {transform_indices = #map}]} {
    %mul3A = arith.constant 16 : i32
    %mul3A_0 = arith.muli %arg0, %mul3A : i32
    %add3A = arith.addi %mul3A_0, %arg1 : i32
    %mul3A_1 = arith.constant 624 : i32
    %mul3A_2 = arith.muli %arg1, %mul3A_1 : i32
    %multiple_of3A = tpu.assume_multiple %mul3A_2, 8 : i32
    "tpu.region"() ({
      %run_scoped3A = tpu.sem_alloc : memref<!tpu.dma_semaphore, #tpu.memory_space<semaphore_mem>>
      %dma_start3A_115 = arith.constant 0 : i32
      %dma_start3A_116 = tpu.memref_slice %arg20[%multiple_of3A, %dma_start3A_115] : memref<10000x128xf32, #tpu.memory_space<vmem_shared>> -> memref<624x128xf32, #tpu.memory_space<vmem_shared>>
      %dma_start3A_117 = arith.constant 0 : i32
      %dma_start3A_118 = tpu.memref_slice %arg5[%multiple_of3A, %dma_start3A_117] : memref<10000x128xf32, #tpu.memory_space<hbm>> -> memref<624x128xf32, #tpu.memory_space<hbm>>
      tpu.enqueue_dma source(%dma_start3A_118 : memref<624x128xf32, #tpu.memory_space<hbm>>) target(%dma_start3A_116 : memref<624x128xf32, #tpu.memory_space<vmem_shared>>) target_semaphore(%run_scoped3A : memref<!tpu.dma_semaphore, #tpu.memory_space<semaphore_mem>>)
      %dma_wait3A_119 = arith.constant 0 : i32
      %dma_wait3A_120 = tpu.memref_slice %arg20[%multiple_of3A, %dma_wait3A_119] : memref<10000x128xf32, #tpu.memory_space<vmem_shared>> -> memref<624x128xf32, #tpu.memory_space<vmem_shared>>
      %dma_wait3A_121 = arith.constant 0 : i32
      %dma_wait3A_122 = tpu.memref_slice %arg5[%multiple_of3A, %dma_wait3A_121] : memref<10000x128xf32, #tpu.memory_space<hbm>> -> memref<624x128xf32, #tpu.memory_space<hbm>>
      tpu.wait_dma2 semaphore(%run_scoped3A : memref<!tpu.dma_semaphore, #tpu.memory_space<semaphore_mem>>) src(%dma_wait3A_122 : memref<624x128xf32, #tpu.memory_space<hbm>>) dst(%dma_wait3A_120 : memref<624x128xf32, #tpu.memory_space<vmem_shared>>)
      tpu.yield
    }) : () -> ()
    %eq3A = arith.constant 0 : i32
    %eq3A_3 = arith.cmpi eq, %arg1, %eq3A : i32
    %convert_element_type3A = arith.extui %eq3A_3 : i1 to i32
    %cond3A = arith.constant 0 : i32
    %cond3A_4 = arith.cmpi ne, %convert_element_type3A, %cond3A : i32
    scf.if %cond3A_4 {
      "tpu.region"() ({
        %run_scoped3A = tpu.sem_alloc : memref<!tpu.dma_semaphore, #tpu.memory_space<semaphore_mem>>
        %dma_start3A_115 = arith.constant 9984 : i32
        %dma_start3A_116 = arith.constant 0 : i32
        %dma_start3A_117 = tpu.memref_slice %arg20[%dma_start3A_115, %dma_start3A_116] : memref<10000x128xf32, #tpu.memory_space<vmem_shared>> -> memref<16x128xf32, #tpu.memory_space<vmem_shared>>
        %dma_start3A_118 = arith.constant 9984 : i32
        %dma_start3A_119 = arith.constant 0 : i32
        %dma_start3A_120 = tpu.memref_slice %arg5[%dma_start3A_118, %dma_start3A_119] : memref<10000x128xf32, #tpu.memory_space<hbm>> -> memref<16x128xf32, #tpu.memory_space<hbm>>
        tpu.enqueue_dma source(%dma_start3A_120 : memref<16x128xf32, #tpu.memory_space<hbm>>) target(%dma_start3A_117 : memref<16x128xf32, #tpu.memory_space<vmem_shared>>) target_semaphore(%run_scoped3A : memref<!tpu.dma_semaphore, #tpu.memory_space<semaphore_mem>>)
        %dma_wait3A_121 = arith.constant 9984 : i32
        %dma_wait3A_122 = arith.constant 0 : i32
        %dma_wait3A_123 = tpu.memref_slice %arg20[%dma_wait3A_121, %dma_wait3A_122] : memref<10000x128xf32, #tpu.memory_space<vmem_shared>> -> memref<16x128xf32, #tpu.memory_space<vmem_shared>>
        %dma_wait3A_124 = arith.constant 9984 : i32
        %dma_wait3A_125 = arith.constant 0 : i32
        %dma_wait3A_126 = tpu.memref_slice %arg5[%dma_wait3A_124, %dma_wait3A_125] : memref<10000x128xf32, #tpu.memory_space<hbm>> -> memref<16x128xf32, #tpu.memory_space<hbm>>
        tpu.wait_dma2 semaphore(%run_scoped3A : memref<!tpu.dma_semaphore, #tpu.memory_space<semaphore_mem>>) src(%dma_wait3A_126 : memref<16x128xf32, #tpu.memory_space<hbm>>) dst(%dma_wait3A_123 : memref<16x128xf32, #tpu.memory_space<vmem_shared>>)
        tpu.yield
      }) : () -> ()
      "tpu.region"() ({
        %run_scoped3A = tpu.sem_alloc : memref<!tpu.dma_semaphore, #tpu.memory_space<semaphore_mem>>
        tpu.enqueue_dma source(%arg6 : memref<10000xf32, #tpu.memory_space<hbm>>) target(%arg21 : memref<10000xf32, #tpu.memory_space<vmem_shared>>) target_semaphore(%run_scoped3A : memref<!tpu.dma_semaphore, #tpu.memory_space<semaphore_mem>>)
        tpu.wait_dma2 semaphore(%run_scoped3A : memref<!tpu.dma_semaphore, #tpu.memory_space<semaphore_mem>>) src(%arg6 : memref<10000xf32, #tpu.memory_space<hbm>>) dst(%arg21 : memref<10000xf32, #tpu.memory_space<vmem_shared>>)
        tpu.yield
      }) : () -> ()
    } else {
    }
    "tpu.region"() ({
      %run_scoped3A = tpu.sem_alloc : memref<!tpu.dma_semaphore, #tpu.memory_space<semaphore_mem>>
      tpu.enqueue_dma source(%arg7 : memref<40xf32, #tpu.memory_space<hbm>>) target(%arg19 : memref<40xf32, #tpu.memory_space<vmem>>) target_semaphore(%run_scoped3A : memref<!tpu.dma_semaphore, #tpu.memory_space<semaphore_mem>>)
      tpu.wait_dma2 semaphore(%run_scoped3A : memref<!tpu.dma_semaphore, #tpu.memory_space<semaphore_mem>>) src(%arg7 : memref<40xf32, #tpu.memory_space<hbm>>) dst(%arg19 : memref<40xf32, #tpu.memory_space<vmem>>)
      tpu.yield
    }) : () -> ()
    %dma_start3A = arith.constant 0 : i32
    %dma_start3A_5 = arith.constant 0 : i32
    %dma_start3A_6 = arith.constant 0 : i32
    %dma_start3A_7 = tpu.memref_slice %arg3[%add3A, %dma_start3A, %dma_start3A_5, %dma_start3A_6] : memref<32x10x25x40xi32, #tpu.memory_space<hbm>> -> memref<1x1x25x40xi32, #tpu.memory_space<hbm>>
    %dma_start3A_8 = tpu.memref_squeeze %dma_start3A_7 : memref<1x1x25x40xi32, #tpu.memory_space<hbm>> -> memref<25x40xi32, #tpu.memory_space<hbm>>
    %dma_start3A_9 = arith.constant 0 : i32
    %dma_start3A_10 = arith.constant 0 : i32
    %dma_start3A_11 = tpu.memref_slice %arg3[%add3A, %dma_start3A, %dma_start3A_9, %dma_start3A_10] : memref<32x10x25x40xi32, #tpu.memory_space<hbm>> -> memref<1x1x25x40xi32, #tpu.memory_space<hbm>>
    %dma_start3A_12 = tpu.memref_squeeze %dma_start3A_11 : memref<1x1x25x40xi32, #tpu.memory_space<hbm>> -> memref<25x40xi32, #tpu.memory_space<hbm>>
    tpu.enqueue_dma source(%dma_start3A_12 : memref<25x40xi32, #tpu.memory_space<hbm>>) target(%arg10 : memref<25x40xi32, #tpu.memory_space<vmem>>) target_semaphore(%arg32 : memref<!tpu.dma_semaphore, #tpu.memory_space<semaphore_mem>>)
    %dma_start3A_13 = arith.constant 0 : i32
    %dma_start3A_14 = arith.constant 0 : i32
    %dma_start3A_15 = arith.constant 0 : i32
    %dma_start3A_16 = tpu.memref_slice %arg4[%add3A, %dma_start3A_13, %dma_start3A_14, %dma_start3A_15] : memref<32x10x25x40xi32, #tpu.memory_space<hbm>> -> memref<1x1x25x40xi32, #tpu.memory_space<hbm>>
    %dma_start3A_17 = tpu.memref_squeeze %dma_start3A_16 : memref<1x1x25x40xi32, #tpu.memory_space<hbm>> -> memref<25x40xi32, #tpu.memory_space<hbm>>
    %dma_start3A_18 = arith.constant 0 : i32
    %dma_start3A_19 = arith.constant 0 : i32
    %dma_start3A_20 = tpu.memref_slice %arg4[%add3A, %dma_start3A_13, %dma_start3A_18, %dma_start3A_19] : memref<32x10x25x40xi32, #tpu.memory_space<hbm>> -> memref<1x1x25x40xi32, #tpu.memory_space<hbm>>
    %dma_start3A_21 = tpu.memref_squeeze %dma_start3A_20 : memref<1x1x25x40xi32, #tpu.memory_space<hbm>> -> memref<25x40xi32, #tpu.memory_space<hbm>>
    tpu.enqueue_dma source(%dma_start3A_21 : memref<25x40xi32, #tpu.memory_space<hbm>>) target(%arg12 : memref<25x40xi32, #tpu.memory_space<vmem>>) target_semaphore(%arg32 : memref<!tpu.dma_semaphore, #tpu.memory_space<semaphore_mem>>)
    %dma_wait3A = arith.constant 0 : i32
    %dma_wait3A_22 = arith.constant 0 : i32
    %dma_wait3A_23 = arith.constant 0 : i32
    %dma_wait3A_24 = tpu.memref_slice %arg3[%add3A, %dma_wait3A, %dma_wait3A_22, %dma_wait3A_23] : memref<32x10x25x40xi32, #tpu.memory_space<hbm>> -> memref<1x1x25x40xi32, #tpu.memory_space<hbm>>
    %dma_wait3A_25 = tpu.memref_squeeze %dma_wait3A_24 : memref<1x1x25x40xi32, #tpu.memory_space<hbm>> -> memref<25x40xi32, #tpu.memory_space<hbm>>
    %dma_wait3A_26 = arith.constant 0 : i32
    %dma_wait3A_27 = arith.constant 0 : i32
    %dma_wait3A_28 = tpu.memref_slice %arg3[%add3A, %dma_wait3A, %dma_wait3A_26, %dma_wait3A_27] : memref<32x10x25x40xi32, #tpu.memory_space<hbm>> -> memref<1x1x25x40xi32, #tpu.memory_space<hbm>>
    %dma_wait3A_29 = tpu.memref_squeeze %dma_wait3A_28 : memref<1x1x25x40xi32, #tpu.memory_space<hbm>> -> memref<25x40xi32, #tpu.memory_space<hbm>>
    tpu.wait_dma2 semaphore(%arg32 : memref<!tpu.dma_semaphore, #tpu.memory_space<semaphore_mem>>) src(%dma_wait3A_29 : memref<25x40xi32, #tpu.memory_space<hbm>>) dst(%arg10 : memref<25x40xi32, #tpu.memory_space<vmem>>)
    %dma_wait3A_30 = arith.constant 0 : i32
    %dma_wait3A_31 = arith.constant 0 : i32
    %dma_wait3A_32 = arith.constant 0 : i32
    %dma_wait3A_33 = tpu.memref_slice %arg4[%add3A, %dma_wait3A_30, %dma_wait3A_31, %dma_wait3A_32] : memref<32x10x25x40xi32, #tpu.memory_space<hbm>> -> memref<1x1x25x40xi32, #tpu.memory_space<hbm>>
    %dma_wait3A_34 = tpu.memref_squeeze %dma_wait3A_33 : memref<1x1x25x40xi32, #tpu.memory_space<hbm>> -> memref<25x40xi32, #tpu.memory_space<hbm>>
    %dma_wait3A_35 = arith.constant 0 : i32
    %dma_wait3A_36 = arith.constant 0 : i32
    %dma_wait3A_37 = tpu.memref_slice %arg4[%add3A, %dma_wait3A_30, %dma_wait3A_35, %dma_wait3A_36] : memref<32x10x25x40xi32, #tpu.memory_space<hbm>> -> memref<1x1x25x40xi32, #tpu.memory_space<hbm>>
    %dma_wait3A_38 = tpu.memref_squeeze %dma_wait3A_37 : memref<1x1x25x40xi32, #tpu.memory_space<hbm>> -> memref<25x40xi32, #tpu.memory_space<hbm>>
    tpu.wait_dma2 semaphore(%arg32 : memref<!tpu.dma_semaphore, #tpu.memory_space<semaphore_mem>>) src(%dma_wait3A_38 : memref<25x40xi32, #tpu.memory_space<hbm>>) dst(%arg12 : memref<25x40xi32, #tpu.memory_space<vmem>>)
    %dma_start3A_39 = arith.constant 1 : i32
    %dma_start3A_40 = arith.constant 0 : i32
    %dma_start3A_41 = arith.constant 0 : i32
    %dma_start3A_42 = tpu.memref_slice %arg3[%add3A, %dma_start3A_39, %dma_start3A_40, %dma_start3A_41] : memref<32x10x25x40xi32, #tpu.memory_space<hbm>> -> memref<1x1x25x40xi32, #tpu.memory_space<hbm>>
    %dma_start3A_43 = tpu.memref_squeeze %dma_start3A_42 : memref<1x1x25x40xi32, #tpu.memory_space<hbm>> -> memref<25x40xi32, #tpu.memory_space<hbm>>
    %dma_start3A_44 = arith.constant 0 : i32
    %dma_start3A_45 = arith.constant 0 : i32
    %dma_start3A_46 = tpu.memref_slice %arg3[%add3A, %dma_start3A_39, %dma_start3A_44, %dma_start3A_45] : memref<32x10x25x40xi32, #tpu.memory_space<hbm>> -> memref<1x1x25x40xi32, #tpu.memory_space<hbm>>
    %dma_start3A_47 = tpu.memref_squeeze %dma_start3A_46 : memref<1x1x25x40xi32, #tpu.memory_space<hbm>> -> memref<25x40xi32, #tpu.memory_space<hbm>>
    tpu.enqueue_dma source(%dma_start3A_47 : memref<25x40xi32, #tpu.memory_space<hbm>>) target(%arg11 : memref<25x40xi32, #tpu.memory_space<vmem>>) target_semaphore(%arg33 : memref<!tpu.dma_semaphore, #tpu.memory_space<semaphore_mem>>)
    %dma_start3A_48 = arith.constant 1 : i32
    %dma_start3A_49 = arith.constant 0 : i32
    %dma_start3A_50 = arith.constant 0 : i32
    %dma_start3A_51 = tpu.memref_slice %arg4[%add3A, %dma_start3A_48, %dma_start3A_49, %dma_start3A_50] : memref<32x10x25x40xi32, #tpu.memory_space<hbm>> -> memref<1x1x25x40xi32, #tpu.memory_space<hbm>>
    %dma_start3A_52 = tpu.memref_squeeze %dma_start3A_51 : memref<1x1x25x40xi32, #tpu.memory_space<hbm>> -> memref<25x40xi32, #tpu.memory_space<hbm>>
    %dma_start3A_53 = arith.constant 0 : i32
    %dma_start3A_54 = arith.constant 0 : i32
    %dma_start3A_55 = tpu.memref_slice %arg4[%add3A, %dma_start3A_48, %dma_start3A_53, %dma_start3A_54] : memref<32x10x25x40xi32, #tpu.memory_space<hbm>> -> memref<1x1x25x40xi32, #tpu.memory_space<hbm>>
    %dma_start3A_56 = tpu.memref_squeeze %dma_start3A_55 : memref<1x1x25x40xi32, #tpu.memory_space<hbm>> -> memref<25x40xi32, #tpu.memory_space<hbm>>
    tpu.enqueue_dma source(%dma_start3A_56 : memref<25x40xi32, #tpu.memory_space<hbm>>) target(%arg13 : memref<25x40xi32, #tpu.memory_space<vmem>>) target_semaphore(%arg33 : memref<!tpu.dma_semaphore, #tpu.memory_space<semaphore_mem>>)
    %barrier3A = arith.constant 0 : index
    tpu.barrier barrier_id(%barrier3A)
    %dma_start3A_57 = arith.constant 0 : i32
    %dma_start3A_58 = arith.constant 0 : i32
    %dma_start3A_59 = tpu.memref_slice %arg10[%dma_start3A_57, %dma_start3A_58] : memref<25x40xi32, #tpu.memory_space<vmem>> -> memref<1x40xi32, #tpu.memory_space<vmem>>
    %dma_start3A_60 = tpu.memref_squeeze %dma_start3A_59 : memref<1x40xi32, #tpu.memory_space<vmem>> -> memref<40xi32, #tpu.memory_space<vmem>>
    %dma_start3A_61 = arith.constant 0 : i32
    %dma_start3A_62 = arith.constant 0 : i32
    %dma_start3A_63 = tpu.memref_slice %arg2[%dma_start3A_61, %dma_start3A_62] : memref<10000x128xf32, #tpu.memory_space<hbm>> -> memref<10000x128xf32, #tpu.memory_space<hbm>>
    tpu.enqueue_indirect_dma source(%dma_start3A_63 : memref<10000x128xf32, #tpu.memory_space<hbm>>) target(%arg14 : memref<40x128xf32, #tpu.memory_space<vmem>>) offsets(%dma_start3A_60 : memref<40xi32, #tpu.memory_space<vmem>>) semaphore(%arg22 : memref<!tpu.dma_semaphore, #tpu.memory_space<semaphore_mem>>)
    %dma_start3A_64 = arith.constant 1 : i32
    %dma_start3A_65 = arith.constant 0 : i32
    %dma_start3A_66 = tpu.memref_slice %arg10[%dma_start3A_64, %dma_start3A_65] : memref<25x40xi32, #tpu.memory_space<vmem>> -> memref<1x40xi32, #tpu.memory_space<vmem>>
    %dma_start3A_67 = tpu.memref_squeeze %dma_start3A_66 : memref<1x40xi32, #tpu.memory_space<vmem>> -> memref<40xi32, #tpu.memory_space<vmem>>
    %dma_start3A_68 = arith.constant 0 : i32
    %dma_start3A_69 = arith.constant 0 : i32
    %dma_start3A_70 = tpu.memref_slice %arg2[%dma_start3A_68, %dma_start3A_69] : memref<10000x128xf32, #tpu.memory_space<hbm>> -> memref<10000x128xf32, #tpu.memory_space<hbm>>
    tpu.enqueue_indirect_dma source(%dma_start3A_70 : memref<10000x128xf32, #tpu.memory_space<hbm>>) target(%arg15 : memref<40x128xf32, #tpu.memory_space<vmem>>) offsets(%dma_start3A_67 : memref<40xi32, #tpu.memory_space<vmem>>) semaphore(%arg23 : memref<!tpu.dma_semaphore, #tpu.memory_space<semaphore_mem>>)
    %dma_start3A_71 = arith.constant 2 : i32
    %dma_start3A_72 = arith.constant 0 : i32
    %dma_start3A_73 = tpu.memref_slice %arg10[%dma_start3A_71, %dma_start3A_72] : memref<25x40xi32, #tpu.memory_space<vmem>> -> memref<1x40xi32, #tpu.memory_space<vmem>>
    %dma_start3A_74 = tpu.memref_squeeze %dma_start3A_73 : memref<1x40xi32, #tpu.memory_space<vmem>> -> memref<40xi32, #tpu.memory_space<vmem>>
    %dma_start3A_75 = arith.constant 0 : i32
    %dma_start3A_76 = arith.constant 0 : i32
    %dma_start3A_77 = tpu.memref_slice %arg2[%dma_start3A_75, %dma_start3A_76] : memref<10000x128xf32, #tpu.memory_space<hbm>> -> memref<10000x128xf32, #tpu.memory_space<hbm>>
    tpu.enqueue_indirect_dma source(%dma_start3A_77 : memref<10000x128xf32, #tpu.memory_space<hbm>>) target(%arg16 : memref<40x128xf32, #tpu.memory_space<vmem>>) offsets(%dma_start3A_74 : memref<40xi32, #tpu.memory_space<vmem>>) semaphore(%arg24 : memref<!tpu.dma_semaphore, #tpu.memory_space<semaphore_mem>>)
    %scan3A = arith.constant 0 : i32
    %scan3A_78 = arith.constant 0 : i32
    %scan3A_79 = arith.constant 5 : i32
    %scan3A_80 = arith.addi %scan3A_78, %scan3A_79 : i32
    %scan3A_81 = arith.constant 1 : i32
    scf.for %scan3A_115 = %scan3A_78 to %scan3A_80 step %scan3A_81  : i32 {
      %mul3A_116 = arith.constant 2 : i32
      %mul3A_117 = arith.muli %scan3A_115, %mul3A_116 : i32
      %add3A_118 = arith.constant 0 : i32
      %add3A_119 = arith.addi %mul3A_117, %add3A_118 : i32
      %dma_wait3A_120 = arith.constant 0 : i32
      %dma_wait3A_121 = arith.constant 0 : i32
      %dma_wait3A_122 = tpu.memref_slice %arg10[%dma_wait3A_120, %dma_wait3A_121] : memref<25x40xi32, #tpu.memory_space<vmem>> -> memref<1x40xi32, #tpu.memory_space<vmem>>
      %dma_wait3A_123 = tpu.memref_squeeze %dma_wait3A_122 : memref<1x40xi32, #tpu.memory_space<vmem>> -> memref<40xi32, #tpu.memory_space<vmem>>
      %dma_wait3A_124 = arith.constant 0 : i32
      %dma_wait3A_125 = arith.constant 0 : i32
      %dma_wait3A_126 = tpu.memref_slice %arg2[%dma_wait3A_124, %dma_wait3A_125] : memref<10000x128xf32, #tpu.memory_space<hbm>> -> memref<10000x128xf32, #tpu.memory_space<hbm>>
      tpu.wait_indirect_dma semaphore(%arg22 : memref<!tpu.dma_semaphore, #tpu.memory_space<semaphore_mem>>) src(%dma_wait3A_126 : memref<10000x128xf32, #tpu.memory_space<hbm>>) dst(%arg14 : memref<40x128xf32, #tpu.memory_space<vmem>>)
      %dma_start3A_127 = arith.constant 0 : i32
      %dma_start3A_128 = arith.constant 0 : i32
      %dma_start3A_129 = tpu.memref_slice %arg12[%dma_start3A_127, %dma_start3A_128] : memref<25x40xi32, #tpu.memory_space<vmem>> -> memref<1x40xi32, #tpu.memory_space<vmem>>
      %dma_start3A_130 = tpu.memref_squeeze %dma_start3A_129 : memref<1x40xi32, #tpu.memory_space<vmem>> -> memref<40xi32, #tpu.memory_space<vmem>>
      %dma_start3A_131 = arith.constant 0 : i32
      %dma_start3A_132 = arith.constant 0 : i32
      %dma_start3A_133 = tpu.memref_slice %arg20[%dma_start3A_131, %dma_start3A_132] : memref<10000x128xf32, #tpu.memory_space<vmem_shared>> -> memref<10000x128xf32, #tpu.memory_space<vmem_shared>>
      tpu.enqueue_indirect_dma source(%arg14 : memref<40x128xf32, #tpu.memory_space<vmem>>) target(%dma_start3A_133 : memref<10000x128xf32, #tpu.memory_space<vmem_shared>>) offsets(%dma_start3A_130 : memref<40xi32, #tpu.memory_space<vmem>>) semaphore(%arg27 : memref<!tpu.dma_semaphore, #tpu.memory_space<semaphore_mem>>) {add = true}
      %dma_start3A_134 = arith.constant 0 : i32
      %dma_start3A_135 = arith.constant 0 : i32
      %dma_start3A_136 = tpu.memref_slice %arg12[%dma_start3A_134, %dma_start3A_135] : memref<25x40xi32, #tpu.memory_space<vmem>> -> memref<1x40xi32, #tpu.memory_space<vmem>>
      %dma_start3A_137 = tpu.memref_squeeze %dma_start3A_136 : memref<1x40xi32, #tpu.memory_space<vmem>> -> memref<40xi32, #tpu.memory_space<vmem>>
      %dma_start3A_138 = arith.constant 0 : i32
      %dma_start3A_139 = tpu.memref_slice %arg21[%dma_start3A_138] : memref<10000xf32, #tpu.memory_space<vmem_shared>> -> memref<10000xf32, #tpu.memory_space<vmem_shared>>
      tpu.enqueue_indirect_dma source(%arg19 : memref<40xf32, #tpu.memory_space<vmem>>) target(%dma_start3A_139 : memref<10000xf32, #tpu.memory_space<vmem_shared>>) offsets(%dma_start3A_137 : memref<40xi32, #tpu.memory_space<vmem>>) semaphore(%arg27 : memref<!tpu.dma_semaphore, #tpu.memory_space<semaphore_mem>>) {add = true}
      %gt3A = arith.constant 0 : i32
      %gt3A_140 = arith.cmpi sgt, %scan3A_115, %gt3A : i32
      %convert_element_type3A_141 = arith.extui %gt3A_140 : i1 to i32
      %cond3A_142 = arith.constant 0 : i32
      %cond3A_143 = arith.cmpi ne, %convert_element_type3A_141, %cond3A_142 : i32
      scf.if %cond3A_143 {
        %dma_wait3A_545 = arith.constant 23 : i32
        %dma_wait3A_546 = arith.constant 0 : i32
        %dma_wait3A_547 = tpu.memref_slice %arg13[%dma_wait3A_545, %dma_wait3A_546] : memref<25x40xi32, #tpu.memory_space<vmem>> -> memref<1x40xi32, #tpu.memory_space<vmem>>
        %dma_wait3A_548 = tpu.memref_squeeze %dma_wait3A_547 : memref<1x40xi32, #tpu.memory_space<vmem>> -> memref<40xi32, #tpu.memory_space<vmem>>
        %dma_wait3A_549 = arith.constant 0 : i32
        %dma_wait3A_550 = arith.constant 0 : i32
        %dma_wait3A_551 = tpu.memref_slice %arg20[%dma_wait3A_549, %dma_wait3A_550] : memref<10000x128xf32, #tpu.memory_space<vmem_shared>> -> memref<10000x128xf32, #tpu.memory_space<vmem_shared>>
        tpu.wait_indirect_dma semaphore(%arg30 : memref<!tpu.dma_semaphore, #tpu.memory_space<semaphore_mem>>) src(%arg17 : memref<40x128xf32, #tpu.memory_space<vmem>>) dst(%dma_wait3A_551 : memref<10000x128xf32, #tpu.memory_space<vmem_shared>>)
        %dma_wait3A_552 = arith.constant 23 : i32
        %dma_wait3A_553 = arith.constant 0 : i32
        %dma_wait3A_554 = tpu.memref_slice %arg13[%dma_wait3A_552, %dma_wait3A_553] : memref<25x40xi32, #tpu.memory_space<vmem>> -> memref<1x40xi32, #tpu.memory_space<vmem>>
        %dma_wait3A_555 = tpu.memref_squeeze %dma_wait3A_554 : memref<1x40xi32, #tpu.memory_space<vmem>> -> memref<40xi32, #tpu.memory_space<vmem>>
        %dma_wait3A_556 = arith.constant 0 : i32
        %dma_wait3A_557 = tpu.memref_slice %arg21[%dma_wait3A_556] : memref<10000xf32, #tpu.memory_space<vmem_shared>> -> memref<10000xf32, #tpu.memory_space<vmem_shared>>
        tpu.wait_indirect_dma semaphore(%arg30 : memref<!tpu.dma_semaphore, #tpu.memory_space<semaphore_mem>>) src(%arg19 : memref<40xf32, #tpu.memory_space<vmem>>) dst(%dma_wait3A_557 : memref<10000xf32, #tpu.memory_space<vmem_shared>>)
      } else {
      }
      %dma_start3A_144 = arith.constant 3 : i32
      %dma_start3A_145 = arith.constant 0 : i32
      %dma_start3A_146 = tpu.memref_slice %arg10[%dma_start3A_144, %dma_start3A_145] : memref<25x40xi32, #tpu.memory_space<vmem>> -> memref<1x40xi32, #tpu.memory_space<vmem>>
      %dma_start3A_147 = tpu.memref_squeeze %dma_start3A_146 : memref<1x40xi32, #tpu.memory_space<vmem>> -> memref<40xi32, #tpu.memory_space<vmem>>
      %dma_start3A_148 = arith.constant 0 : i32
      %dma_start3A_149 = arith.constant 0 : i32
      %dma_start3A_150 = tpu.memref_slice %arg2[%dma_start3A_148, %dma_start3A_149] : memref<10000x128xf32, #tpu.memory_space<hbm>> -> memref<10000x128xf32, #tpu.memory_space<hbm>>
      tpu.enqueue_indirect_dma source(%dma_start3A_150 : memref<10000x128xf32, #tpu.memory_space<hbm>>) target(%arg17 : memref<40x128xf32, #tpu.memory_space<vmem>>) offsets(%dma_start3A_147 : memref<40xi32, #tpu.memory_space<vmem>>) semaphore(%arg25 : memref<!tpu.dma_semaphore, #tpu.memory_space<semaphore_mem>>)
      %dma_wait3A_151 = arith.constant 1 : i32
      %dma_wait3A_152 = arith.constant 0 : i32
      %dma_wait3A_153 = tpu.memref_slice %arg10[%dma_wait3A_151, %dma_wait3A_152] : memref<25x40xi32, #tpu.memory_space<vmem>> -> memref<1x40xi32, #tpu.memory_space<vmem>>
      %dma_wait3A_154 = tpu.memref_squeeze %dma_wait3A_153 : memref<1x40xi32, #tpu.memory_space<vmem>> -> memref<40xi32, #tpu.memory_space<vmem>>
      %dma_wait3A_155 = arith.constant 0 : i32
      %dma_wait3A_156 = arith.constant 0 : i32
      %dma_wait3A_157 = tpu.memref_slice %arg2[%dma_wait3A_155, %dma_wait3A_156] : memref<10000x128xf32, #tpu.memory_space<hbm>> -> memref<10000x128xf32, #tpu.memory_space<hbm>>
      tpu.wait_indirect_dma semaphore(%arg23 : memref<!tpu.dma_semaphore, #tpu.memory_space<semaphore_mem>>) src(%dma_wait3A_157 : memref<10000x128xf32, #tpu.memory_space<hbm>>) dst(%arg15 : memref<40x128xf32, #tpu.memory_space<vmem>>)
      %dma_start3A_158 = arith.constant 1 : i32
      %dma_start3A_159 = arith.constant 0 : i32
      %dma_start3A_160 = tpu.memref_slice %arg12[%dma_start3A_158, %dma_start3A_159] : memref<25x40xi32, #tpu.memory_space<vmem>> -> memref<1x40xi32, #tpu.memory_space<vmem>>
      %dma_start3A_161 = tpu.memref_squeeze %dma_start3A_160 : memref<1x40xi32, #tpu.memory_space<vmem>> -> memref<40xi32, #tpu.memory_space<vmem>>
      %dma_start3A_162 = arith.constant 0 : i32
      %dma_start3A_163 = arith.constant 0 : i32
      %dma_start3A_164 = tpu.memref_slice %arg20[%dma_start3A_162, %dma_start3A_163] : memref<10000x128xf32, #tpu.memory_space<vmem_shared>> -> memref<10000x128xf32, #tpu.memory_space<vmem_shared>>
      tpu.enqueue_indirect_dma source(%arg15 : memref<40x128xf32, #tpu.memory_space<vmem>>) target(%dma_start3A_164 : memref<10000x128xf32, #tpu.memory_space<vmem_shared>>) offsets(%dma_start3A_161 : memref<40xi32, #tpu.memory_space<vmem>>) semaphore(%arg28 : memref<!tpu.dma_semaphore, #tpu.memory_space<semaphore_mem>>) {add = true}
      %dma_start3A_165 = arith.constant 1 : i32
      %dma_start3A_166 = arith.constant 0 : i32
      %dma_start3A_167 = tpu.memref_slice %arg12[%dma_start3A_165, %dma_start3A_166] : memref<25x40xi32, #tpu.memory_space<vmem>> -> memref<1x40xi32, #tpu.memory_space<vmem>>
      %dma_start3A_168 = tpu.memref_squeeze %dma_start3A_167 : memref<1x40xi32, #tpu.memory_space<vmem>> -> memref<40xi32, #tpu.memory_space<vmem>>
      %dma_start3A_169 = arith.constant 0 : i32
      %dma_start3A_170 = tpu.memref_slice %arg21[%dma_start3A_169] : memref<10000xf32, #tpu.memory_space<vmem_shared>> -> memref<10000xf32, #tpu.memory_space<vmem_shared>>
      tpu.enqueue_indirect_dma source(%arg19 : memref<40xf32, #tpu.memory_space<vmem>>) target(%dma_start3A_170 : memref<10000xf32, #tpu.memory_space<vmem_shared>>) offsets(%dma_start3A_168 : memref<40xi32, #tpu.memory_space<vmem>>) semaphore(%arg28 : memref<!tpu.dma_semaphore, #tpu.memory_space<semaphore_mem>>) {add = true}
      %gt3A_171 = arith.constant 0 : i32
      %gt3A_172 = arith.cmpi sgt, %scan3A_115, %gt3A_171 : i32
      %convert_element_type3A_173 = arith.extui %gt3A_172 : i1 to i32
      %cond3A_174 = arith.constant 0 : i32
      %cond3A_175 = arith.cmpi ne, %convert_element_type3A_173, %cond3A_174 : i32
      scf.if %cond3A_175 {
        %dma_wait3A_545 = arith.constant 24 : i32
        %dma_wait3A_546 = arith.constant 0 : i32
        %dma_wait3A_547 = tpu.memref_slice %arg13[%dma_wait3A_545, %dma_wait3A_546] : memref<25x40xi32, #tpu.memory_space<vmem>> -> memref<1x40xi32, #tpu.memory_space<vmem>>
        %dma_wait3A_548 = tpu.memref_squeeze %dma_wait3A_547 : memref<1x40xi32, #tpu.memory_space<vmem>> -> memref<40xi32, #tpu.memory_space<vmem>>
        %dma_wait3A_549 = arith.constant 0 : i32
        %dma_wait3A_550 = arith.constant 0 : i32
        %dma_wait3A_551 = tpu.memref_slice %arg20[%dma_wait3A_549, %dma_wait3A_550] : memref<10000x128xf32, #tpu.memory_space<vmem_shared>> -> memref<10000x128xf32, #tpu.memory_space<vmem_shared>>
        tpu.wait_indirect_dma semaphore(%arg31 : memref<!tpu.dma_semaphore, #tpu.memory_space<semaphore_mem>>) src(%arg18 : memref<40x128xf32, #tpu.memory_space<vmem>>) dst(%dma_wait3A_551 : memref<10000x128xf32, #tpu.memory_space<vmem_shared>>)
        %dma_wait3A_552 = arith.constant 24 : i32
        %dma_wait3A_553 = arith.constant 0 : i32
        %dma_wait3A_554 = tpu.memref_slice %arg13[%dma_wait3A_552, %dma_wait3A_553] : memref<25x40xi32, #tpu.memory_space<vmem>> -> memref<1x40xi32, #tpu.memory_space<vmem>>
        %dma_wait3A_555 = tpu.memref_squeeze %dma_wait3A_554 : memref<1x40xi32, #tpu.memory_space<vmem>> -> memref<40xi32, #tpu.memory_space<vmem>>
        %dma_wait3A_556 = arith.constant 0 : i32
        %dma_wait3A_557 = tpu.memref_slice %arg21[%dma_wait3A_556] : memref<10000xf32, #tpu.memory_space<vmem_shared>> -> memref<10000xf32, #tpu.memory_space<vmem_shared>>
        tpu.wait_indirect_dma semaphore(%arg31 : memref<!tpu.dma_semaphore, #tpu.memory_space<semaphore_mem>>) src(%arg19 : memref<40xf32, #tpu.memory_space<vmem>>) dst(%dma_wait3A_557 : memref<10000xf32, #tpu.memory_space<vmem_shared>>)
      } else {
      }
      %dma_start3A_176 = arith.constant 4 : i32
      %dma_start3A_177 = arith.constant 0 : i32
      %dma_start3A_178 = tpu.memref_slice %arg10[%dma_start3A_176, %dma_start3A_177] : memref<25x40xi32, #tpu.memory_space<vmem>> -> memref<1x40xi32, #tpu.memory_space<vmem>>
      %dma_start3A_179 = tpu.memref_squeeze %dma_start3A_178 : memref<1x40xi32, #tpu.memory_space<vmem>> -> memref<40xi32, #tpu.memory_space<vmem>>
      %dma_start3A_180 = arith.constant 0 : i32
      %dma_start3A_181 = arith.constant 0 : i32
      %dma_start3A_182 = tpu.memref_slice %arg2[%dma_start3A_180, %dma_start3A_181] : memref<10000x128xf32, #tpu.memory_space<hbm>> -> memref<10000x128xf32, #tpu.memory_space<hbm>>
      tpu.enqueue_indirect_dma source(%dma_start3A_182 : memref<10000x128xf32, #tpu.memory_space<hbm>>) target(%arg18 : memref<40x128xf32, #tpu.memory_space<vmem>>) offsets(%dma_start3A_179 : memref<40xi32, #tpu.memory_space<vmem>>) semaphore(%arg26 : memref<!tpu.dma_semaphore, #tpu.memory_space<semaphore_mem>>)
      %gt3A_183 = arith.constant 0 : i32
      %gt3A_184 = arith.cmpi sgt, %scan3A_115, %gt3A_183 : i32
      %convert_element_type3A_185 = arith.extui %gt3A_184 : i1 to i32
      %cond3A_186 = arith.constant 0 : i32
      %cond3A_187 = arith.cmpi ne, %convert_element_type3A_185, %cond3A_186 : i32
      scf.if %cond3A_187 {
        %add3A_545 = arith.constant 1 : i32
        %add3A_546 = arith.addi %add3A_119, %add3A_545 : i32
        %dma_start3A_547 = arith.constant 0 : i32
        %dma_start3A_548 = arith.constant 0 : i32
        %dma_start3A_549 = tpu.memref_slice %arg3[%add3A, %add3A_546, %dma_start3A_547, %dma_start3A_548] : memref<32x10x25x40xi32, #tpu.memory_space<hbm>> -> memref<1x1x25x40xi32, #tpu.memory_space<hbm>>
        %dma_start3A_550 = tpu.memref_squeeze %dma_start3A_549 : memref<1x1x25x40xi32, #tpu.memory_space<hbm>> -> memref<25x40xi32, #tpu.memory_space<hbm>>
        %dma_start3A_551 = arith.constant 0 : i32
        %dma_start3A_552 = arith.constant 0 : i32
        %dma_start3A_553 = tpu.memref_slice %arg3[%add3A, %add3A_546, %dma_start3A_551, %dma_start3A_552] : memref<32x10x25x40xi32, #tpu.memory_space<hbm>> -> memref<1x1x25x40xi32, #tpu.memory_space<hbm>>
        %dma_start3A_554 = tpu.memref_squeeze %dma_start3A_553 : memref<1x1x25x40xi32, #tpu.memory_space<hbm>> -> memref<25x40xi32, #tpu.memory_space<hbm>>
        tpu.enqueue_dma source(%dma_start3A_554 : memref<25x40xi32, #tpu.memory_space<hbm>>) target(%arg11 : memref<25x40xi32, #tpu.memory_space<vmem>>) target_semaphore(%arg33 : memref<!tpu.dma_semaphore, #tpu.memory_space<semaphore_mem>>)
        %dma_start3A_555 = arith.constant 0 : i32
        %dma_start3A_556 = arith.constant 0 : i32
        %dma_start3A_557 = tpu.memref_slice %arg4[%add3A, %add3A_546, %dma_start3A_555, %dma_start3A_556] : memref<32x10x25x40xi32, #tpu.memory_space<hbm>> -> memref<1x1x25x40xi32, #tpu.memory_space<hbm>>
        %dma_start3A_558 = tpu.memref_squeeze %dma_start3A_557 : memref<1x1x25x40xi32, #tpu.memory_space<hbm>> -> memref<25x40xi32, #tpu.memory_space<hbm>>
        %dma_start3A_559 = arith.constant 0 : i32
        %dma_start3A_560 = arith.constant 0 : i32
        %dma_start3A_561 = tpu.memref_slice %arg4[%add3A, %add3A_546, %dma_start3A_559, %dma_start3A_560] : memref<32x10x25x40xi32, #tpu.memory_space<hbm>> -> memref<1x1x25x40xi32, #tpu.memory_space<hbm>>
        %dma_start3A_562 = tpu.memref_squeeze %dma_start3A_561 : memref<1x1x25x40xi32, #tpu.memory_space<hbm>> -> memref<25x40xi32, #tpu.memory_space<hbm>>
        tpu.enqueue_dma source(%dma_start3A_562 : memref<25x40xi32, #tpu.memory_space<hbm>>) target(%arg13 : memref<25x40xi32, #tpu.memory_space<vmem>>) target_semaphore(%arg33 : memref<!tpu.dma_semaphore, #tpu.memory_space<semaphore_mem>>)
      } else {
      }
      %scan3A_188 = arith.constant 0 : i32
      %scan3A_189 = arith.constant 0 : i32
      %scan3A_190 = arith.constant 4 : i32
      %scan3A_191 = arith.addi %scan3A_189, %scan3A_190 : i32
      %scan3A_192 = arith.constant 1 : i32
      scf.for %scan3A_545 = %scan3A_189 to %scan3A_191 step %scan3A_192  : i32 {
        %mul3A_546 = arith.constant 5 : i32
        %mul3A_547 = arith.muli %scan3A_545, %mul3A_546 : i32
        %add3A_548 = arith.constant 2 : i32
        %add3A_549 = arith.addi %add3A_548, %mul3A_547 : i32
        %add3A_550 = arith.constant 0 : i32
        %add3A_551 = arith.addi %add3A_549, %add3A_550 : i32
        %dma_wait3A_552 = arith.constant 0 : i32
        %dma_wait3A_553 = tpu.memref_slice %arg10[%add3A_551, %dma_wait3A_552] : memref<25x40xi32, #tpu.memory_space<vmem>> -> memref<1x40xi32, #tpu.memory_space<vmem>>
        %dma_wait3A_554 = tpu.memref_squeeze %dma_wait3A_553 : memref<1x40xi32, #tpu.memory_space<vmem>> -> memref<40xi32, #tpu.memory_space<vmem>>
        %dma_wait3A_555 = arith.constant 0 : i32
        %dma_wait3A_556 = arith.constant 0 : i32
        %dma_wait3A_557 = tpu.memref_slice %arg2[%dma_wait3A_555, %dma_wait3A_556] : memref<10000x128xf32, #tpu.memory_space<hbm>> -> memref<10000x128xf32, #tpu.memory_space<hbm>>
        tpu.wait_indirect_dma semaphore(%arg24 : memref<!tpu.dma_semaphore, #tpu.memory_space<semaphore_mem>>) src(%dma_wait3A_557 : memref<10000x128xf32, #tpu.memory_space<hbm>>) dst(%arg16 : memref<40x128xf32, #tpu.memory_space<vmem>>)
        %dma_start3A_558 = arith.constant 0 : i32
        %dma_start3A_559 = tpu.memref_slice %arg12[%add3A_551, %dma_start3A_558] : memref<25x40xi32, #tpu.memory_space<vmem>> -> memref<1x40xi32, #tpu.memory_space<vmem>>
        %dma_start3A_560 = tpu.memref_squeeze %dma_start3A_559 : memref<1x40xi32, #tpu.memory_space<vmem>> -> memref<40xi32, #tpu.memory_space<vmem>>
        %dma_start3A_561 = arith.constant 0 : i32
        %dma_start3A_562 = arith.constant 0 : i32
        %dma_start3A_563 = tpu.memref_slice %arg20[%dma_start3A_561, %dma_start3A_562] : memref<10000x128xf32, #tpu.memory_space<vmem_shared>> -> memref<10000x128xf32, #tpu.memory_space<vmem_shared>>
        tpu.enqueue_indirect_dma source(%arg16 : memref<40x128xf32, #tpu.memory_space<vmem>>) target(%dma_start3A_563 : memref<10000x128xf32, #tpu.memory_space<vmem_shared>>) offsets(%dma_start3A_560 : memref<40xi32, #tpu.memory_space<vmem>>) semaphore(%arg29 : memref<!tpu.dma_semaphore, #tpu.memory_space<semaphore_mem>>) {add = true}
        %dma_start3A_564 = arith.constant 0 : i32
        %dma_start3A_565 = tpu.memref_slice %arg12[%add3A_551, %dma_start3A_564] : memref<25x40xi32, #tpu.memory_space<vmem>> -> memref<1x40xi32, #tpu.memory_space<vmem>>
        %dma_start3A_566 = tpu.memref_squeeze %dma_start3A_565 : memref<1x40xi32, #tpu.memory_space<vmem>> -> memref<40xi32, #tpu.memory_space<vmem>>
        %dma_start3A_567 = arith.constant 0 : i32
        %dma_start3A_568 = tpu.memref_slice %arg21[%dma_start3A_567] : memref<10000xf32, #tpu.memory_space<vmem_shared>> -> memref<10000xf32, #tpu.memory_space<vmem_shared>>
        tpu.enqueue_indirect_dma source(%arg19 : memref<40xf32, #tpu.memory_space<vmem>>) target(%dma_start3A_568 : memref<10000xf32, #tpu.memory_space<vmem_shared>>) offsets(%dma_start3A_566 : memref<40xi32, #tpu.memory_space<vmem>>) semaphore(%arg29 : memref<!tpu.dma_semaphore, #tpu.memory_space<semaphore_mem>>) {add = true}
        %sub3A = arith.constant 2 : i32
        %sub3A_569 = arith.subi %add3A_551, %sub3A : i32
        %dma_wait3A_570 = arith.constant 0 : i32
        %dma_wait3A_571 = tpu.memref_slice %arg12[%sub3A_569, %dma_wait3A_570] : memref<25x40xi32, #tpu.memory_space<vmem>> -> memref<1x40xi32, #tpu.memory_space<vmem>>
        %dma_wait3A_572 = tpu.memref_squeeze %dma_wait3A_571 : memref<1x40xi32, #tpu.memory_space<vmem>> -> memref<40xi32, #tpu.memory_space<vmem>>
        %dma_wait3A_573 = arith.constant 0 : i32
        %dma_wait3A_574 = arith.constant 0 : i32
        %dma_wait3A_575 = tpu.memref_slice %arg20[%dma_wait3A_573, %dma_wait3A_574] : memref<10000x128xf32, #tpu.memory_space<vmem_shared>> -> memref<10000x128xf32, #tpu.memory_space<vmem_shared>>
        tpu.wait_indirect_dma semaphore(%arg27 : memref<!tpu.dma_semaphore, #tpu.memory_space<semaphore_mem>>) src(%arg14 : memref<40x128xf32, #tpu.memory_space<vmem>>) dst(%dma_wait3A_575 : memref<10000x128xf32, #tpu.memory_space<vmem_shared>>)
        %dma_wait3A_576 = arith.constant 0 : i32
        %dma_wait3A_577 = tpu.memref_slice %arg12[%sub3A_569, %dma_wait3A_576] : memref<25x40xi32, #tpu.memory_space<vmem>> -> memref<1x40xi32, #tpu.memory_space<vmem>>
        %dma_wait3A_578 = tpu.memref_squeeze %dma_wait3A_577 : memref<1x40xi32, #tpu.memory_space<vmem>> -> memref<40xi32, #tpu.memory_space<vmem>>
        %dma_wait3A_579 = arith.constant 0 : i32
        %dma_wait3A_580 = tpu.memref_slice %arg21[%dma_wait3A_579] : memref<10000xf32, #tpu.memory_space<vmem_shared>> -> memref<10000xf32, #tpu.memory_space<vmem_shared>>
        tpu.wait_indirect_dma semaphore(%arg27 : memref<!tpu.dma_semaphore, #tpu.memory_space<semaphore_mem>>) src(%arg19 : memref<40xf32, #tpu.memory_space<vmem>>) dst(%dma_wait3A_580 : memref<10000xf32, #tpu.memory_space<vmem_shared>>)
        %add3A_581 = arith.constant 3 : i32
        %add3A_582 = arith.addi %add3A_551, %add3A_581 : i32
        %dma_start3A_583 = arith.constant 0 : i32
        %dma_start3A_584 = tpu.memref_slice %arg10[%add3A_582, %dma_start3A_583] : memref<25x40xi32, #tpu.memory_space<vmem>> -> memref<1x40xi32, #tpu.memory_space<vmem>>
        %dma_start3A_585 = tpu.memref_squeeze %dma_start3A_584 : memref<1x40xi32, #tpu.memory_space<vmem>> -> memref<40xi32, #tpu.memory_space<vmem>>
        %dma_start3A_586 = arith.constant 0 : i32
        %dma_start3A_587 = arith.constant 0 : i32
        %dma_start3A_588 = tpu.memref_slice %arg2[%dma_start3A_586, %dma_start3A_587] : memref<10000x128xf32, #tpu.memory_space<hbm>> -> memref<10000x128xf32, #tpu.memory_space<hbm>>
        tpu.enqueue_indirect_dma source(%dma_start3A_588 : memref<10000x128xf32, #tpu.memory_space<hbm>>) target(%arg14 : memref<40x128xf32, #tpu.memory_space<vmem>>) offsets(%dma_start3A_585 : memref<40xi32, #tpu.memory_space<vmem>>) semaphore(%arg22 : memref<!tpu.dma_semaphore, #tpu.memory_space<semaphore_mem>>)
        %mul3A_589 = arith.constant 5 : i32
        %mul3A_590 = arith.muli %scan3A_545, %mul3A_589 : i32
        %add3A_591 = arith.constant 2 : i32
        %add3A_592 = arith.addi %add3A_591, %mul3A_590 : i32
        %add3A_593 = arith.constant 1 : i32
        %add3A_594 = arith.addi %add3A_592, %add3A_593 : i32
        %dma_wait3A_595 = arith.constant 0 : i32
        %dma_wait3A_596 = tpu.memref_slice %arg10[%add3A_594, %dma_wait3A_595] : memref<25x40xi32, #tpu.memory_space<vmem>> -> memref<1x40xi32, #tpu.memory_space<vmem>>
        %dma_wait3A_597 = tpu.memref_squeeze %dma_wait3A_596 : memref<1x40xi32, #tpu.memory_space<vmem>> -> memref<40xi32, #tpu.memory_space<vmem>>
        %dma_wait3A_598 = arith.constant 0 : i32
        %dma_wait3A_599 = arith.constant 0 : i32
        %dma_wait3A_600 = tpu.memref_slice %arg2[%dma_wait3A_598, %dma_wait3A_599] : memref<10000x128xf32, #tpu.memory_space<hbm>> -> memref<10000x128xf32, #tpu.memory_space<hbm>>
        tpu.wait_indirect_dma semaphore(%arg25 : memref<!tpu.dma_semaphore, #tpu.memory_space<semaphore_mem>>) src(%dma_wait3A_600 : memref<10000x128xf32, #tpu.memory_space<hbm>>) dst(%arg17 : memref<40x128xf32, #tpu.memory_space<vmem>>)
        %dma_start3A_601 = arith.constant 0 : i32
        %dma_start3A_602 = tpu.memref_slice %arg12[%add3A_594, %dma_start3A_601] : memref<25x40xi32, #tpu.memory_space<vmem>> -> memref<1x40xi32, #tpu.memory_space<vmem>>
        %dma_start3A_603 = tpu.memref_squeeze %dma_start3A_602 : memref<1x40xi32, #tpu.memory_space<vmem>> -> memref<40xi32, #tpu.memory_space<vmem>>
        %dma_start3A_604 = arith.constant 0 : i32
        %dma_start3A_605 = arith.constant 0 : i32
        %dma_start3A_606 = tpu.memref_slice %arg20[%dma_start3A_604, %dma_start3A_605] : memref<10000x128xf32, #tpu.memory_space<vmem_shared>> -> memref<10000x128xf32, #tpu.memory_space<vmem_shared>>
        tpu.enqueue_indirect_dma source(%arg17 : memref<40x128xf32, #tpu.memory_space<vmem>>) target(%dma_start3A_606 : memref<10000x128xf32, #tpu.memory_space<vmem_shared>>) offsets(%dma_start3A_603 : memref<40xi32, #tpu.memory_space<vmem>>) semaphore(%arg30 : memref<!tpu.dma_semaphore, #tpu.memory_space<semaphore_mem>>) {add = true}
        %dma_start3A_607 = arith.constant 0 : i32
        %dma_start3A_608 = tpu.memref_slice %arg12[%add3A_594, %dma_start3A_607] : memref<25x40xi32, #tpu.memory_space<vmem>> -> memref<1x40xi32, #tpu.memory_space<vmem>>
        %dma_start3A_609 = tpu.memref_squeeze %dma_start3A_608 : memref<1x40xi32, #tpu.memory_space<vmem>> -> memref<40xi32, #tpu.memory_space<vmem>>
        %dma_start3A_610 = arith.constant 0 : i32
        %dma_start3A_611 = tpu.memref_slice %arg21[%dma_start3A_610] : memref<10000xf32, #tpu.memory_space<vmem_shared>> -> memref<10000xf32, #tpu.memory_space<vmem_shared>>
        tpu.enqueue_indirect_dma source(%arg19 : memref<40xf32, #tpu.memory_space<vmem>>) target(%dma_start3A_611 : memref<10000xf32, #tpu.memory_space<vmem_shared>>) offsets(%dma_start3A_609 : memref<40xi32, #tpu.memory_space<vmem>>) semaphore(%arg30 : memref<!tpu.dma_semaphore, #tpu.memory_space<semaphore_mem>>) {add = true}
        %sub3A_612 = arith.constant 2 : i32
        %sub3A_613 = arith.subi %add3A_594, %sub3A_612 : i32
        %dma_wait3A_614 = arith.constant 0 : i32
        %dma_wait3A_615 = tpu.memref_slice %arg12[%sub3A_613, %dma_wait3A_614] : memref<25x40xi32, #tpu.memory_space<vmem>> -> memref<1x40xi32, #tpu.memory_space<vmem>>
        %dma_wait3A_616 = tpu.memref_squeeze %dma_wait3A_615 : memref<1x40xi32, #tpu.memory_space<vmem>> -> memref<40xi32, #tpu.memory_space<vmem>>
        %dma_wait3A_617 = arith.constant 0 : i32
        %dma_wait3A_618 = arith.constant 0 : i32
        %dma_wait3A_619 = tpu.memref_slice %arg20[%dma_wait3A_617, %dma_wait3A_618] : memref<10000x128xf32, #tpu.memory_space<vmem_shared>> -> memref<10000x128xf32, #tpu.memory_space<vmem_shared>>
        tpu.wait_indirect_dma semaphore(%arg28 : memref<!tpu.dma_semaphore, #tpu.memory_space<semaphore_mem>>) src(%arg15 : memref<40x128xf32, #tpu.memory_space<vmem>>) dst(%dma_wait3A_619 : memref<10000x128xf32, #tpu.memory_space<vmem_shared>>)
        %dma_wait3A_620 = arith.constant 0 : i32
        %dma_wait3A_621 = tpu.memref_slice %arg12[%sub3A_613, %dma_wait3A_620] : memref<25x40xi32, #tpu.memory_space<vmem>> -> memref<1x40xi32, #tpu.memory_space<vmem>>
        %dma_wait3A_622 = tpu.memref_squeeze %dma_wait3A_621 : memref<1x40xi32, #tpu.memory_space<vmem>> -> memref<40xi32, #tpu.memory_space<vmem>>
        %dma_wait3A_623 = arith.constant 0 : i32
        %dma_wait3A_624 = tpu.memref_slice %arg21[%dma_wait3A_623] : memref<10000xf32, #tpu.memory_space<vmem_shared>> -> memref<10000xf32, #tpu.memory_space<vmem_shared>>
        tpu.wait_indirect_dma semaphore(%arg28 : memref<!tpu.dma_semaphore, #tpu.memory_space<semaphore_mem>>) src(%arg19 : memref<40xf32, #tpu.memory_space<vmem>>) dst(%dma_wait3A_624 : memref<10000xf32, #tpu.memory_space<vmem_shared>>)
        %add3A_625 = arith.constant 3 : i32
        %add3A_626 = arith.addi %add3A_594, %add3A_625 : i32
        %dma_start3A_627 = arith.constant 0 : i32
        %dma_start3A_628 = tpu.memref_slice %arg10[%add3A_626, %dma_start3A_627] : memref<25x40xi32, #tpu.memory_space<vmem>> -> memref<1x40xi32, #tpu.memory_space<vmem>>
        %dma_start3A_629 = tpu.memref_squeeze %dma_start3A_628 : memref<1x40xi32, #tpu.memory_space<vmem>> -> memref<40xi32, #tpu.memory_space<vmem>>
        %dma_start3A_630 = arith.constant 0 : i32
        %dma_start3A_631 = arith.constant 0 : i32
        %dma_start3A_632 = tpu.memref_slice %arg2[%dma_start3A_630, %dma_start3A_631] : memref<10000x128xf32, #tpu.memory_space<hbm>> -> memref<10000x128xf32, #tpu.memory_space<hbm>>
        tpu.enqueue_indirect_dma source(%dma_start3A_632 : memref<10000x128xf32, #tpu.memory_space<hbm>>) target(%arg15 : memref<40x128xf32, #tpu.memory_space<vmem>>) offsets(%dma_start3A_629 : memref<40xi32, #tpu.memory_space<vmem>>) semaphore(%arg23 : memref<!tpu.dma_semaphore, #tpu.memory_space<semaphore_mem>>)
        %mul3A_633 = arith.constant 5 : i32
        %mul3A_634 = arith.muli %scan3A_545, %mul3A_633 : i32
        %add3A_635 = arith.constant 2 : i32
        %add3A_636 = arith.addi %add3A_635, %mul3A_634 : i32
        %add3A_637 = arith.constant 2 : i32
        %add3A_638 = arith.addi %add3A_636, %add3A_637 : i32
        %dma_wait3A_639 = arith.constant 0 : i32
        %dma_wait3A_640 = tpu.memref_slice %arg10[%add3A_638, %dma_wait3A_639] : memref<25x40xi32, #tpu.memory_space<vmem>> -> memref<1x40xi32, #tpu.memory_space<vmem>>
        %dma_wait3A_641 = tpu.memref_squeeze %dma_wait3A_640 : memref<1x40xi32, #tpu.memory_space<vmem>> -> memref<40xi32, #tpu.memory_space<vmem>>
        %dma_wait3A_642 = arith.constant 0 : i32
        %dma_wait3A_643 = arith.constant 0 : i32
        %dma_wait3A_644 = tpu.memref_slice %arg2[%dma_wait3A_642, %dma_wait3A_643] : memref<10000x128xf32, #tpu.memory_space<hbm>> -> memref<10000x128xf32, #tpu.memory_space<hbm>>
        tpu.wait_indirect_dma semaphore(%arg26 : memref<!tpu.dma_semaphore, #tpu.memory_space<semaphore_mem>>) src(%dma_wait3A_644 : memref<10000x128xf32, #tpu.memory_space<hbm>>) dst(%arg18 : memref<40x128xf32, #tpu.memory_space<vmem>>)
        %dma_start3A_645 = arith.constant 0 : i32
        %dma_start3A_646 = tpu.memref_slice %arg12[%add3A_638, %dma_start3A_645] : memref<25x40xi32, #tpu.memory_space<vmem>> -> memref<1x40xi32, #tpu.memory_space<vmem>>
        %dma_start3A_647 = tpu.memref_squeeze %dma_start3A_646 : memref<1x40xi32, #tpu.memory_space<vmem>> -> memref<40xi32, #tpu.memory_space<vmem>>
        %dma_start3A_648 = arith.constant 0 : i32
        %dma_start3A_649 = arith.constant 0 : i32
        %dma_start3A_650 = tpu.memref_slice %arg20[%dma_start3A_648, %dma_start3A_649] : memref<10000x128xf32, #tpu.memory_space<vmem_shared>> -> memref<10000x128xf32, #tpu.memory_space<vmem_shared>>
        tpu.enqueue_indirect_dma source(%arg18 : memref<40x128xf32, #tpu.memory_space<vmem>>) target(%dma_start3A_650 : memref<10000x128xf32, #tpu.memory_space<vmem_shared>>) offsets(%dma_start3A_647 : memref<40xi32, #tpu.memory_space<vmem>>) semaphore(%arg31 : memref<!tpu.dma_semaphore, #tpu.memory_space<semaphore_mem>>) {add = true}
        %dma_start3A_651 = arith.constant 0 : i32
        %dma_start3A_652 = tpu.memref_slice %arg12[%add3A_638, %dma_start3A_651] : memref<25x40xi32, #tpu.memory_space<vmem>> -> memref<1x40xi32, #tpu.memory_space<vmem>>
        %dma_start3A_653 = tpu.memref_squeeze %dma_start3A_652 : memref<1x40xi32, #tpu.memory_space<vmem>> -> memref<40xi32, #tpu.memory_space<vmem>>
        %dma_start3A_654 = arith.constant 0 : i32
        %dma_start3A_655 = tpu.memref_slice %arg21[%dma_start3A_654] : memref<10000xf32, #tpu.memory_space<vmem_shared>> -> memref<10000xf32, #tpu.memory_space<vmem_shared>>
        tpu.enqueue_indirect_dma source(%arg19 : memref<40xf32, #tpu.memory_space<vmem>>) target(%dma_start3A_655 : memref<10000xf32, #tpu.memory_space<vmem_shared>>) offsets(%dma_start3A_653 : memref<40xi32, #tpu.memory_space<vmem>>) semaphore(%arg31 : memref<!tpu.dma_semaphore, #tpu.memory_space<semaphore_mem>>) {add = true}
        %sub3A_656 = arith.constant 2 : i32
        %sub3A_657 = arith.subi %add3A_638, %sub3A_656 : i32
        %dma_wait3A_658 = arith.constant 0 : i32
        %dma_wait3A_659 = tpu.memref_slice %arg12[%sub3A_657, %dma_wait3A_658] : memref<25x40xi32, #tpu.memory_space<vmem>> -> memref<1x40xi32, #tpu.memory_space<vmem>>
        %dma_wait3A_660 = tpu.memref_squeeze %dma_wait3A_659 : memref<1x40xi32, #tpu.memory_space<vmem>> -> memref<40xi32, #tpu.memory_space<vmem>>
        %dma_wait3A_661 = arith.constant 0 : i32
        %dma_wait3A_662 = arith.constant 0 : i32
        %dma_wait3A_663 = tpu.memref_slice %arg20[%dma_wait3A_661, %dma_wait3A_662] : memref<10000x128xf32, #tpu.memory_space<vmem_shared>> -> memref<10000x128xf32, #tpu.memory_space<vmem_shared>>
        tpu.wait_indirect_dma semaphore(%arg29 : memref<!tpu.dma_semaphore, #tpu.memory_space<semaphore_mem>>) src(%arg16 : memref<40x128xf32, #tpu.memory_space<vmem>>) dst(%dma_wait3A_663 : memref<10000x128xf32, #tpu.memory_space<vmem_shared>>)
        %dma_wait3A_664 = arith.constant 0 : i32
        %dma_wait3A_665 = tpu.memref_slice %arg12[%sub3A_657, %dma_wait3A_664] : memref<25x40xi32, #tpu.memory_space<vmem>> -> memref<1x40xi32, #tpu.memory_space<vmem>>
        %dma_wait3A_666 = tpu.memref_squeeze %dma_wait3A_665 : memref<1x40xi32, #tpu.memory_space<vmem>> -> memref<40xi32, #tpu.memory_space<vmem>>
        %dma_wait3A_667 = arith.constant 0 : i32
        %dma_wait3A_668 = tpu.memref_slice %arg21[%dma_wait3A_667] : memref<10000xf32, #tpu.memory_space<vmem_shared>> -> memref<10000xf32, #tpu.memory_space<vmem_shared>>
        tpu.wait_indirect_dma semaphore(%arg29 : memref<!tpu.dma_semaphore, #tpu.memory_space<semaphore_mem>>) src(%arg19 : memref<40xf32, #tpu.memory_space<vmem>>) dst(%dma_wait3A_668 : memref<10000xf32, #tpu.memory_space<vmem_shared>>)
        %add3A_669 = arith.constant 3 : i32
        %add3A_670 = arith.addi %add3A_638, %add3A_669 : i32
        %dma_start3A_671 = arith.constant 0 : i32
        %dma_start3A_672 = tpu.memref_slice %arg10[%add3A_670, %dma_start3A_671] : memref<25x40xi32, #tpu.memory_space<vmem>> -> memref<1x40xi32, #tpu.memory_space<vmem>>
        %dma_start3A_673 = tpu.memref_squeeze %dma_start3A_672 : memref<1x40xi32, #tpu.memory_space<vmem>> -> memref<40xi32, #tpu.memory_space<vmem>>
        %dma_start3A_674 = arith.constant 0 : i32
        %dma_start3A_675 = arith.constant 0 : i32
        %dma_start3A_676 = tpu.memref_slice %arg2[%dma_start3A_674, %dma_start3A_675] : memref<10000x128xf32, #tpu.memory_space<hbm>> -> memref<10000x128xf32, #tpu.memory_space<hbm>>
        tpu.enqueue_indirect_dma source(%dma_start3A_676 : memref<10000x128xf32, #tpu.memory_space<hbm>>) target(%arg16 : memref<40x128xf32, #tpu.memory_space<vmem>>) offsets(%dma_start3A_673 : memref<40xi32, #tpu.memory_space<vmem>>) semaphore(%arg24 : memref<!tpu.dma_semaphore, #tpu.memory_space<semaphore_mem>>)
        %mul3A_677 = arith.constant 5 : i32
        %mul3A_678 = arith.muli %scan3A_545, %mul3A_677 : i32
        %add3A_679 = arith.constant 2 : i32
        %add3A_680 = arith.addi %add3A_679, %mul3A_678 : i32
        %add3A_681 = arith.constant 3 : i32
        %add3A_682 = arith.addi %add3A_680, %add3A_681 : i32
        %dma_wait3A_683 = arith.constant 0 : i32
        %dma_wait3A_684 = tpu.memref_slice %arg10[%add3A_682, %dma_wait3A_683] : memref<25x40xi32, #tpu.memory_space<vmem>> -> memref<1x40xi32, #tpu.memory_space<vmem>>
        %dma_wait3A_685 = tpu.memref_squeeze %dma_wait3A_684 : memref<1x40xi32, #tpu.memory_space<vmem>> -> memref<40xi32, #tpu.memory_space<vmem>>
        %dma_wait3A_686 = arith.constant 0 : i32
        %dma_wait3A_687 = arith.constant 0 : i32
        %dma_wait3A_688 = tpu.memref_slice %arg2[%dma_wait3A_686, %dma_wait3A_687] : memref<10000x128xf32, #tpu.memory_space<hbm>> -> memref<10000x128xf32, #tpu.memory_space<hbm>>
        tpu.wait_indirect_dma semaphore(%arg22 : memref<!tpu.dma_semaphore, #tpu.memory_space<semaphore_mem>>) src(%dma_wait3A_688 : memref<10000x128xf32, #tpu.memory_space<hbm>>) dst(%arg14 : memref<40x128xf32, #tpu.memory_space<vmem>>)
        %dma_start3A_689 = arith.constant 0 : i32
        %dma_start3A_690 = tpu.memref_slice %arg12[%add3A_682, %dma_start3A_689] : memref<25x40xi32, #tpu.memory_space<vmem>> -> memref<1x40xi32, #tpu.memory_space<vmem>>
        %dma_start3A_691 = tpu.memref_squeeze %dma_start3A_690 : memref<1x40xi32, #tpu.memory_space<vmem>> -> memref<40xi32, #tpu.memory_space<vmem>>
        %dma_start3A_692 = arith.constant 0 : i32
        %dma_start3A_693 = arith.constant 0 : i32
        %dma_start3A_694 = tpu.memref_slice %arg20[%dma_start3A_692, %dma_start3A_693] : memref<10000x128xf32, #tpu.memory_space<vmem_shared>> -> memref<10000x128xf32, #tpu.memory_space<vmem_shared>>
        tpu.enqueue_indirect_dma source(%arg14 : memref<40x128xf32, #tpu.memory_space<vmem>>) target(%dma_start3A_694 : memref<10000x128xf32, #tpu.memory_space<vmem_shared>>) offsets(%dma_start3A_691 : memref<40xi32, #tpu.memory_space<vmem>>) semaphore(%arg27 : memref<!tpu.dma_semaphore, #tpu.memory_space<semaphore_mem>>) {add = true}
        %dma_start3A_695 = arith.constant 0 : i32
        %dma_start3A_696 = tpu.memref_slice %arg12[%add3A_682, %dma_start3A_695] : memref<25x40xi32, #tpu.memory_space<vmem>> -> memref<1x40xi32, #tpu.memory_space<vmem>>
        %dma_start3A_697 = tpu.memref_squeeze %dma_start3A_696 : memref<1x40xi32, #tpu.memory_space<vmem>> -> memref<40xi32, #tpu.memory_space<vmem>>
        %dma_start3A_698 = arith.constant 0 : i32
        %dma_start3A_699 = tpu.memref_slice %arg21[%dma_start3A_698] : memref<10000xf32, #tpu.memory_space<vmem_shared>> -> memref<10000xf32, #tpu.memory_space<vmem_shared>>
        tpu.enqueue_indirect_dma source(%arg19 : memref<40xf32, #tpu.memory_space<vmem>>) target(%dma_start3A_699 : memref<10000xf32, #tpu.memory_space<vmem_shared>>) offsets(%dma_start3A_697 : memref<40xi32, #tpu.memory_space<vmem>>) semaphore(%arg27 : memref<!tpu.dma_semaphore, #tpu.memory_space<semaphore_mem>>) {add = true}
        %sub3A_700 = arith.constant 2 : i32
        %sub3A_701 = arith.subi %add3A_682, %sub3A_700 : i32
        %dma_wait3A_702 = arith.constant 0 : i32
        %dma_wait3A_703 = tpu.memref_slice %arg12[%sub3A_701, %dma_wait3A_702] : memref<25x40xi32, #tpu.memory_space<vmem>> -> memref<1x40xi32, #tpu.memory_space<vmem>>
        %dma_wait3A_704 = tpu.memref_squeeze %dma_wait3A_703 : memref<1x40xi32, #tpu.memory_space<vmem>> -> memref<40xi32, #tpu.memory_space<vmem>>
        %dma_wait3A_705 = arith.constant 0 : i32
        %dma_wait3A_706 = arith.constant 0 : i32
        %dma_wait3A_707 = tpu.memref_slice %arg20[%dma_wait3A_705, %dma_wait3A_706] : memref<10000x128xf32, #tpu.memory_space<vmem_shared>> -> memref<10000x128xf32, #tpu.memory_space<vmem_shared>>
        tpu.wait_indirect_dma semaphore(%arg30 : memref<!tpu.dma_semaphore, #tpu.memory_space<semaphore_mem>>) src(%arg17 : memref<40x128xf32, #tpu.memory_space<vmem>>) dst(%dma_wait3A_707 : memref<10000x128xf32, #tpu.memory_space<vmem_shared>>)
        %dma_wait3A_708 = arith.constant 0 : i32
        %dma_wait3A_709 = tpu.memref_slice %arg12[%sub3A_701, %dma_wait3A_708] : memref<25x40xi32, #tpu.memory_space<vmem>> -> memref<1x40xi32, #tpu.memory_space<vmem>>
        %dma_wait3A_710 = tpu.memref_squeeze %dma_wait3A_709 : memref<1x40xi32, #tpu.memory_space<vmem>> -> memref<40xi32, #tpu.memory_space<vmem>>
        %dma_wait3A_711 = arith.constant 0 : i32
        %dma_wait3A_712 = tpu.memref_slice %arg21[%dma_wait3A_711] : memref<10000xf32, #tpu.memory_space<vmem_shared>> -> memref<10000xf32, #tpu.memory_space<vmem_shared>>
        tpu.wait_indirect_dma semaphore(%arg30 : memref<!tpu.dma_semaphore, #tpu.memory_space<semaphore_mem>>) src(%arg19 : memref<40xf32, #tpu.memory_space<vmem>>) dst(%dma_wait3A_712 : memref<10000xf32, #tpu.memory_space<vmem_shared>>)
        %add3A_713 = arith.constant 3 : i32
        %add3A_714 = arith.addi %add3A_682, %add3A_713 : i32
        %dma_start3A_715 = arith.constant 0 : i32
        %dma_start3A_716 = tpu.memref_slice %arg10[%add3A_714, %dma_start3A_715] : memref<25x40xi32, #tpu.memory_space<vmem>> -> memref<1x40xi32, #tpu.memory_space<vmem>>
        %dma_start3A_717 = tpu.memref_squeeze %dma_start3A_716 : memref<1x40xi32, #tpu.memory_space<vmem>> -> memref<40xi32, #tpu.memory_space<vmem>>
        %dma_start3A_718 = arith.constant 0 : i32
        %dma_start3A_719 = arith.constant 0 : i32
        %dma_start3A_720 = tpu.memref_slice %arg2[%dma_start3A_718, %dma_start3A_719] : memref<10000x128xf32, #tpu.memory_space<hbm>> -> memref<10000x128xf32, #tpu.memory_space<hbm>>
        tpu.enqueue_indirect_dma source(%dma_start3A_720 : memref<10000x128xf32, #tpu.memory_space<hbm>>) target(%arg17 : memref<40x128xf32, #tpu.memory_space<vmem>>) offsets(%dma_start3A_717 : memref<40xi32, #tpu.memory_space<vmem>>) semaphore(%arg25 : memref<!tpu.dma_semaphore, #tpu.memory_space<semaphore_mem>>)
        %mul3A_721 = arith.constant 5 : i32
        %mul3A_722 = arith.muli %scan3A_545, %mul3A_721 : i32
        %add3A_723 = arith.constant 2 : i32
        %add3A_724 = arith.addi %add3A_723, %mul3A_722 : i32
        %add3A_725 = arith.constant 4 : i32
        %add3A_726 = arith.addi %add3A_724, %add3A_725 : i32
        %dma_wait3A_727 = arith.constant 0 : i32
        %dma_wait3A_728 = tpu.memref_slice %arg10[%add3A_726, %dma_wait3A_727] : memref<25x40xi32, #tpu.memory_space<vmem>> -> memref<1x40xi32, #tpu.memory_space<vmem>>
        %dma_wait3A_729 = tpu.memref_squeeze %dma_wait3A_728 : memref<1x40xi32, #tpu.memory_space<vmem>> -> memref<40xi32, #tpu.memory_space<vmem>>
        %dma_wait3A_730 = arith.constant 0 : i32
        %dma_wait3A_731 = arith.constant 0 : i32
        %dma_wait3A_732 = tpu.memref_slice %arg2[%dma_wait3A_730, %dma_wait3A_731] : memref<10000x128xf32, #tpu.memory_space<hbm>> -> memref<10000x128xf32, #tpu.memory_space<hbm>>
        tpu.wait_indirect_dma semaphore(%arg23 : memref<!tpu.dma_semaphore, #tpu.memory_space<semaphore_mem>>) src(%dma_wait3A_732 : memref<10000x128xf32, #tpu.memory_space<hbm>>) dst(%arg15 : memref<40x128xf32, #tpu.memory_space<vmem>>)
        %dma_start3A_733 = arith.constant 0 : i32
        %dma_start3A_734 = tpu.memref_slice %arg12[%add3A_726, %dma_start3A_733] : memref<25x40xi32, #tpu.memory_space<vmem>> -> memref<1x40xi32, #tpu.memory_space<vmem>>
        %dma_start3A_735 = tpu.memref_squeeze %dma_start3A_734 : memref<1x40xi32, #tpu.memory_space<vmem>> -> memref<40xi32, #tpu.memory_space<vmem>>
        %dma_start3A_736 = arith.constant 0 : i32
        %dma_start3A_737 = arith.constant 0 : i32
        %dma_start3A_738 = tpu.memref_slice %arg20[%dma_start3A_736, %dma_start3A_737] : memref<10000x128xf32, #tpu.memory_space<vmem_shared>> -> memref<10000x128xf32, #tpu.memory_space<vmem_shared>>
        tpu.enqueue_indirect_dma source(%arg15 : memref<40x128xf32, #tpu.memory_space<vmem>>) target(%dma_start3A_738 : memref<10000x128xf32, #tpu.memory_space<vmem_shared>>) offsets(%dma_start3A_735 : memref<40xi32, #tpu.memory_space<vmem>>) semaphore(%arg28 : memref<!tpu.dma_semaphore, #tpu.memory_space<semaphore_mem>>) {add = true}
        %dma_start3A_739 = arith.constant 0 : i32
        %dma_start3A_740 = tpu.memref_slice %arg12[%add3A_726, %dma_start3A_739] : memref<25x40xi32, #tpu.memory_space<vmem>> -> memref<1x40xi32, #tpu.memory_space<vmem>>
        %dma_start3A_741 = tpu.memref_squeeze %dma_start3A_740 : memref<1x40xi32, #tpu.memory_space<vmem>> -> memref<40xi32, #tpu.memory_space<vmem>>
        %dma_start3A_742 = arith.constant 0 : i32
        %dma_start3A_743 = tpu.memref_slice %arg21[%dma_start3A_742] : memref<10000xf32, #tpu.memory_space<vmem_shared>> -> memref<10000xf32, #tpu.memory_space<vmem_shared>>
        tpu.enqueue_indirect_dma source(%arg19 : memref<40xf32, #tpu.memory_space<vmem>>) target(%dma_start3A_743 : memref<10000xf32, #tpu.memory_space<vmem_shared>>) offsets(%dma_start3A_741 : memref<40xi32, #tpu.memory_space<vmem>>) semaphore(%arg28 : memref<!tpu.dma_semaphore, #tpu.memory_space<semaphore_mem>>) {add = true}
        %sub3A_744 = arith.constant 2 : i32
        %sub3A_745 = arith.subi %add3A_726, %sub3A_744 : i32
        %dma_wait3A_746 = arith.constant 0 : i32
        %dma_wait3A_747 = tpu.memref_slice %arg12[%sub3A_745, %dma_wait3A_746] : memref<25x40xi32, #tpu.memory_space<vmem>> -> memref<1x40xi32, #tpu.memory_space<vmem>>
        %dma_wait3A_748 = tpu.memref_squeeze %dma_wait3A_747 : memref<1x40xi32, #tpu.memory_space<vmem>> -> memref<40xi32, #tpu.memory_space<vmem>>
        %dma_wait3A_749 = arith.constant 0 : i32
        %dma_wait3A_750 = arith.constant 0 : i32
        %dma_wait3A_751 = tpu.memref_slice %arg20[%dma_wait3A_749, %dma_wait3A_750] : memref<10000x128xf32, #tpu.memory_space<vmem_shared>> -> memref<10000x128xf32, #tpu.memory_space<vmem_shared>>
        tpu.wait_indirect_dma semaphore(%arg31 : memref<!tpu.dma_semaphore, #tpu.memory_space<semaphore_mem>>) src(%arg18 : memref<40x128xf32, #tpu.memory_space<vmem>>) dst(%dma_wait3A_751 : memref<10000x128xf32, #tpu.memory_space<vmem_shared>>)
        %dma_wait3A_752 = arith.constant 0 : i32
        %dma_wait3A_753 = tpu.memref_slice %arg12[%sub3A_745, %dma_wait3A_752] : memref<25x40xi32, #tpu.memory_space<vmem>> -> memref<1x40xi32, #tpu.memory_space<vmem>>
        %dma_wait3A_754 = tpu.memref_squeeze %dma_wait3A_753 : memref<1x40xi32, #tpu.memory_space<vmem>> -> memref<40xi32, #tpu.memory_space<vmem>>
        %dma_wait3A_755 = arith.constant 0 : i32
        %dma_wait3A_756 = tpu.memref_slice %arg21[%dma_wait3A_755] : memref<10000xf32, #tpu.memory_space<vmem_shared>> -> memref<10000xf32, #tpu.memory_space<vmem_shared>>
        tpu.wait_indirect_dma semaphore(%arg31 : memref<!tpu.dma_semaphore, #tpu.memory_space<semaphore_mem>>) src(%arg19 : memref<40xf32, #tpu.memory_space<vmem>>) dst(%dma_wait3A_756 : memref<10000xf32, #tpu.memory_space<vmem_shared>>)
        %add3A_757 = arith.constant 3 : i32
        %add3A_758 = arith.addi %add3A_726, %add3A_757 : i32
        %dma_start3A_759 = arith.constant 0 : i32
        %dma_start3A_760 = tpu.memref_slice %arg10[%add3A_758, %dma_start3A_759] : memref<25x40xi32, #tpu.memory_space<vmem>> -> memref<1x40xi32, #tpu.memory_space<vmem>>
        %dma_start3A_761 = tpu.memref_squeeze %dma_start3A_760 : memref<1x40xi32, #tpu.memory_space<vmem>> -> memref<40xi32, #tpu.memory_space<vmem>>
        %dma_start3A_762 = arith.constant 0 : i32
        %dma_start3A_763 = arith.constant 0 : i32
        %dma_start3A_764 = tpu.memref_slice %arg2[%dma_start3A_762, %dma_start3A_763] : memref<10000x128xf32, #tpu.memory_space<hbm>> -> memref<10000x128xf32, #tpu.memory_space<hbm>>
        tpu.enqueue_indirect_dma source(%dma_start3A_764 : memref<10000x128xf32, #tpu.memory_space<hbm>>) target(%arg18 : memref<40x128xf32, #tpu.memory_space<vmem>>) offsets(%dma_start3A_761 : memref<40xi32, #tpu.memory_space<vmem>>) semaphore(%arg26 : memref<!tpu.dma_semaphore, #tpu.memory_space<semaphore_mem>>)
      }
      %scan3A_193 = arith.constant 4 : i32
      %add3A_194 = arith.constant 1 : i32
      %add3A_195 = arith.addi %add3A_119, %add3A_194 : i32
      %dma_wait3A_196 = arith.constant 0 : i32
      %dma_wait3A_197 = arith.constant 0 : i32
      %dma_wait3A_198 = tpu.memref_slice %arg3[%add3A, %add3A_195, %dma_wait3A_196, %dma_wait3A_197] : memref<32x10x25x40xi32, #tpu.memory_space<hbm>> -> memref<1x1x25x40xi32, #tpu.memory_space<hbm>>
      %dma_wait3A_199 = tpu.memref_squeeze %dma_wait3A_198 : memref<1x1x25x40xi32, #tpu.memory_space<hbm>> -> memref<25x40xi32, #tpu.memory_space<hbm>>
      %dma_wait3A_200 = arith.constant 0 : i32
      %dma_wait3A_201 = arith.constant 0 : i32
      %dma_wait3A_202 = tpu.memref_slice %arg3[%add3A, %add3A_195, %dma_wait3A_200, %dma_wait3A_201] : memref<32x10x25x40xi32, #tpu.memory_space<hbm>> -> memref<1x1x25x40xi32, #tpu.memory_space<hbm>>
      %dma_wait3A_203 = tpu.memref_squeeze %dma_wait3A_202 : memref<1x1x25x40xi32, #tpu.memory_space<hbm>> -> memref<25x40xi32, #tpu.memory_space<hbm>>
      tpu.wait_dma2 semaphore(%arg33 : memref<!tpu.dma_semaphore, #tpu.memory_space<semaphore_mem>>) src(%dma_wait3A_203 : memref<25x40xi32, #tpu.memory_space<hbm>>) dst(%arg11 : memref<25x40xi32, #tpu.memory_space<vmem>>)
      %dma_wait3A_204 = arith.constant 0 : i32
      %dma_wait3A_205 = arith.constant 0 : i32
      %dma_wait3A_206 = tpu.memref_slice %arg4[%add3A, %add3A_195, %dma_wait3A_204, %dma_wait3A_205] : memref<32x10x25x40xi32, #tpu.memory_space<hbm>> -> memref<1x1x25x40xi32, #tpu.memory_space<hbm>>
      %dma_wait3A_207 = tpu.memref_squeeze %dma_wait3A_206 : memref<1x1x25x40xi32, #tpu.memory_space<hbm>> -> memref<25x40xi32, #tpu.memory_space<hbm>>
      %dma_wait3A_208 = arith.constant 0 : i32
      %dma_wait3A_209 = arith.constant 0 : i32
      %dma_wait3A_210 = tpu.memref_slice %arg4[%add3A, %add3A_195, %dma_wait3A_208, %dma_wait3A_209] : memref<32x10x25x40xi32, #tpu.memory_space<hbm>> -> memref<1x1x25x40xi32, #tpu.memory_space<hbm>>
      %dma_wait3A_211 = tpu.memref_squeeze %dma_wait3A_210 : memref<1x1x25x40xi32, #tpu.memory_space<hbm>> -> memref<25x40xi32, #tpu.memory_space<hbm>>
      tpu.wait_dma2 semaphore(%arg33 : memref<!tpu.dma_semaphore, #tpu.memory_space<semaphore_mem>>) src(%dma_wait3A_211 : memref<25x40xi32, #tpu.memory_space<hbm>>) dst(%arg13 : memref<25x40xi32, #tpu.memory_space<vmem>>)
      %dma_wait3A_212 = arith.constant 22 : i32
      %dma_wait3A_213 = arith.constant 0 : i32
      %dma_wait3A_214 = tpu.memref_slice %arg10[%dma_wait3A_212, %dma_wait3A_213] : memref<25x40xi32, #tpu.memory_space<vmem>> -> memref<1x40xi32, #tpu.memory_space<vmem>>
      %dma_wait3A_215 = tpu.memref_squeeze %dma_wait3A_214 : memref<1x40xi32, #tpu.memory_space<vmem>> -> memref<40xi32, #tpu.memory_space<vmem>>
      %dma_wait3A_216 = arith.constant 0 : i32
      %dma_wait3A_217 = arith.constant 0 : i32
      %dma_wait3A_218 = tpu.memref_slice %arg2[%dma_wait3A_216, %dma_wait3A_217] : memref<10000x128xf32, #tpu.memory_space<hbm>> -> memref<10000x128xf32, #tpu.memory_space<hbm>>
      tpu.wait_indirect_dma semaphore(%arg24 : memref<!tpu.dma_semaphore, #tpu.memory_space<semaphore_mem>>) src(%dma_wait3A_218 : memref<10000x128xf32, #tpu.memory_space<hbm>>) dst(%arg16 : memref<40x128xf32, #tpu.memory_space<vmem>>)
      %dma_start3A_219 = arith.constant 22 : i32
      %dma_start3A_220 = arith.constant 0 : i32
      %dma_start3A_221 = tpu.memref_slice %arg12[%dma_start3A_219, %dma_start3A_220] : memref<25x40xi32, #tpu.memory_space<vmem>> -> memref<1x40xi32, #tpu.memory_space<vmem>>
      %dma_start3A_222 = tpu.memref_squeeze %dma_start3A_221 : memref<1x40xi32, #tpu.memory_space<vmem>> -> memref<40xi32, #tpu.memory_space<vmem>>
      %dma_start3A_223 = arith.constant 0 : i32
      %dma_start3A_224 = arith.constant 0 : i32
      %dma_start3A_225 = tpu.memref_slice %arg20[%dma_start3A_223, %dma_start3A_224] : memref<10000x128xf32, #tpu.memory_space<vmem_shared>> -> memref<10000x128xf32, #tpu.memory_space<vmem_shared>>
      tpu.enqueue_indirect_dma source(%arg16 : memref<40x128xf32, #tpu.memory_space<vmem>>) target(%dma_start3A_225 : memref<10000x128xf32, #tpu.memory_space<vmem_shared>>) offsets(%dma_start3A_222 : memref<40xi32, #tpu.memory_space<vmem>>) semaphore(%arg29 : memref<!tpu.dma_semaphore, #tpu.memory_space<semaphore_mem>>) {add = true}
      %dma_start3A_226 = arith.constant 22 : i32
      %dma_start3A_227 = arith.constant 0 : i32
      %dma_start3A_228 = tpu.memref_slice %arg12[%dma_start3A_226, %dma_start3A_227] : memref<25x40xi32, #tpu.memory_space<vmem>> -> memref<1x40xi32, #tpu.memory_space<vmem>>
      %dma_start3A_229 = tpu.memref_squeeze %dma_start3A_228 : memref<1x40xi32, #tpu.memory_space<vmem>> -> memref<40xi32, #tpu.memory_space<vmem>>
      %dma_start3A_230 = arith.constant 0 : i32
      %dma_start3A_231 = tpu.memref_slice %arg21[%dma_start3A_230] : memref<10000xf32, #tpu.memory_space<vmem_shared>> -> memref<10000xf32, #tpu.memory_space<vmem_shared>>
      tpu.enqueue_indirect_dma source(%arg19 : memref<40xf32, #tpu.memory_space<vmem>>) target(%dma_start3A_231 : memref<10000xf32, #tpu.memory_space<vmem_shared>>) offsets(%dma_start3A_229 : memref<40xi32, #tpu.memory_space<vmem>>) semaphore(%arg29 : memref<!tpu.dma_semaphore, #tpu.memory_space<semaphore_mem>>) {add = true}
      %dma_wait3A_232 = arith.constant 20 : i32
      %dma_wait3A_233 = arith.constant 0 : i32
      %dma_wait3A_234 = tpu.memref_slice %arg12[%dma_wait3A_232, %dma_wait3A_233] : memref<25x40xi32, #tpu.memory_space<vmem>> -> memref<1x40xi32, #tpu.memory_space<vmem>>
      %dma_wait3A_235 = tpu.memref_squeeze %dma_wait3A_234 : memref<1x40xi32, #tpu.memory_space<vmem>> -> memref<40xi32, #tpu.memory_space<vmem>>
      %dma_wait3A_236 = arith.constant 0 : i32
      %dma_wait3A_237 = arith.constant 0 : i32
      %dma_wait3A_238 = tpu.memref_slice %arg20[%dma_wait3A_236, %dma_wait3A_237] : memref<10000x128xf32, #tpu.memory_space<vmem_shared>> -> memref<10000x128xf32, #tpu.memory_space<vmem_shared>>
      tpu.wait_indirect_dma semaphore(%arg27 : memref<!tpu.dma_semaphore, #tpu.memory_space<semaphore_mem>>) src(%arg14 : memref<40x128xf32, #tpu.memory_space<vmem>>) dst(%dma_wait3A_238 : memref<10000x128xf32, #tpu.memory_space<vmem_shared>>)
      %dma_wait3A_239 = arith.constant 20 : i32
      %dma_wait3A_240 = arith.constant 0 : i32
      %dma_wait3A_241 = tpu.memref_slice %arg12[%dma_wait3A_239, %dma_wait3A_240] : memref<25x40xi32, #tpu.memory_space<vmem>> -> memref<1x40xi32, #tpu.memory_space<vmem>>
      %dma_wait3A_242 = tpu.memref_squeeze %dma_wait3A_241 : memref<1x40xi32, #tpu.memory_space<vmem>> -> memref<40xi32, #tpu.memory_space<vmem>>
      %dma_wait3A_243 = arith.constant 0 : i32
      %dma_wait3A_244 = tpu.memref_slice %arg21[%dma_wait3A_243] : memref<10000xf32, #tpu.memory_space<vmem_shared>> -> memref<10000xf32, #tpu.memory_space<vmem_shared>>
      tpu.wait_indirect_dma semaphore(%arg27 : memref<!tpu.dma_semaphore, #tpu.memory_space<semaphore_mem>>) src(%arg19 : memref<40xf32, #tpu.memory_space<vmem>>) dst(%dma_wait3A_244 : memref<10000xf32, #tpu.memory_space<vmem_shared>>)
      %dma_start3A_245 = arith.constant 0 : i32
      %dma_start3A_246 = arith.constant 0 : i32
      %dma_start3A_247 = tpu.memref_slice %arg11[%dma_start3A_245, %dma_start3A_246] : memref<25x40xi32, #tpu.memory_space<vmem>> -> memref<1x40xi32, #tpu.memory_space<vmem>>
      %dma_start3A_248 = tpu.memref_squeeze %dma_start3A_247 : memref<1x40xi32, #tpu.memory_space<vmem>> -> memref<40xi32, #tpu.memory_space<vmem>>
      %dma_start3A_249 = arith.constant 0 : i32
      %dma_start3A_250 = arith.constant 0 : i32
      %dma_start3A_251 = tpu.memref_slice %arg2[%dma_start3A_249, %dma_start3A_250] : memref<10000x128xf32, #tpu.memory_space<hbm>> -> memref<10000x128xf32, #tpu.memory_space<hbm>>
      tpu.enqueue_indirect_dma source(%dma_start3A_251 : memref<10000x128xf32, #tpu.memory_space<hbm>>) target(%arg14 : memref<40x128xf32, #tpu.memory_space<vmem>>) offsets(%dma_start3A_248 : memref<40xi32, #tpu.memory_space<vmem>>) semaphore(%arg22 : memref<!tpu.dma_semaphore, #tpu.memory_space<semaphore_mem>>)
      %dma_wait3A_252 = arith.constant 23 : i32
      %dma_wait3A_253 = arith.constant 0 : i32
      %dma_wait3A_254 = tpu.memref_slice %arg10[%dma_wait3A_252, %dma_wait3A_253] : memref<25x40xi32, #tpu.memory_space<vmem>> -> memref<1x40xi32, #tpu.memory_space<vmem>>
      %dma_wait3A_255 = tpu.memref_squeeze %dma_wait3A_254 : memref<1x40xi32, #tpu.memory_space<vmem>> -> memref<40xi32, #tpu.memory_space<vmem>>
      %dma_wait3A_256 = arith.constant 0 : i32
      %dma_wait3A_257 = arith.constant 0 : i32
      %dma_wait3A_258 = tpu.memref_slice %arg2[%dma_wait3A_256, %dma_wait3A_257] : memref<10000x128xf32, #tpu.memory_space<hbm>> -> memref<10000x128xf32, #tpu.memory_space<hbm>>
      tpu.wait_indirect_dma semaphore(%arg25 : memref<!tpu.dma_semaphore, #tpu.memory_space<semaphore_mem>>) src(%dma_wait3A_258 : memref<10000x128xf32, #tpu.memory_space<hbm>>) dst(%arg17 : memref<40x128xf32, #tpu.memory_space<vmem>>)
      %dma_start3A_259 = arith.constant 23 : i32
      %dma_start3A_260 = arith.constant 0 : i32
      %dma_start3A_261 = tpu.memref_slice %arg12[%dma_start3A_259, %dma_start3A_260] : memref<25x40xi32, #tpu.memory_space<vmem>> -> memref<1x40xi32, #tpu.memory_space<vmem>>
      %dma_start3A_262 = tpu.memref_squeeze %dma_start3A_261 : memref<1x40xi32, #tpu.memory_space<vmem>> -> memref<40xi32, #tpu.memory_space<vmem>>
      %dma_start3A_263 = arith.constant 0 : i32
      %dma_start3A_264 = arith.constant 0 : i32
      %dma_start3A_265 = tpu.memref_slice %arg20[%dma_start3A_263, %dma_start3A_264] : memref<10000x128xf32, #tpu.memory_space<vmem_shared>> -> memref<10000x128xf32, #tpu.memory_space<vmem_shared>>
      tpu.enqueue_indirect_dma source(%arg17 : memref<40x128xf32, #tpu.memory_space<vmem>>) target(%dma_start3A_265 : memref<10000x128xf32, #tpu.memory_space<vmem_shared>>) offsets(%dma_start3A_262 : memref<40xi32, #tpu.memory_space<vmem>>) semaphore(%arg30 : memref<!tpu.dma_semaphore, #tpu.memory_space<semaphore_mem>>) {add = true}
      %dma_start3A_266 = arith.constant 23 : i32
      %dma_start3A_267 = arith.constant 0 : i32
      %dma_start3A_268 = tpu.memref_slice %arg12[%dma_start3A_266, %dma_start3A_267] : memref<25x40xi32, #tpu.memory_space<vmem>> -> memref<1x40xi32, #tpu.memory_space<vmem>>
      %dma_start3A_269 = tpu.memref_squeeze %dma_start3A_268 : memref<1x40xi32, #tpu.memory_space<vmem>> -> memref<40xi32, #tpu.memory_space<vmem>>
      %dma_start3A_270 = arith.constant 0 : i32
      %dma_start3A_271 = tpu.memref_slice %arg21[%dma_start3A_270] : memref<10000xf32, #tpu.memory_space<vmem_shared>> -> memref<10000xf32, #tpu.memory_space<vmem_shared>>
      tpu.enqueue_indirect_dma source(%arg19 : memref<40xf32, #tpu.memory_space<vmem>>) target(%dma_start3A_271 : memref<10000xf32, #tpu.memory_space<vmem_shared>>) offsets(%dma_start3A_269 : memref<40xi32, #tpu.memory_space<vmem>>) semaphore(%arg30 : memref<!tpu.dma_semaphore, #tpu.memory_space<semaphore_mem>>) {add = true}
      %dma_wait3A_272 = arith.constant 21 : i32
      %dma_wait3A_273 = arith.constant 0 : i32
      %dma_wait3A_274 = tpu.memref_slice %arg12[%dma_wait3A_272, %dma_wait3A_273] : memref<25x40xi32, #tpu.memory_space<vmem>> -> memref<1x40xi32, #tpu.memory_space<vmem>>
      %dma_wait3A_275 = tpu.memref_squeeze %dma_wait3A_274 : memref<1x40xi32, #tpu.memory_space<vmem>> -> memref<40xi32, #tpu.memory_space<vmem>>
      %dma_wait3A_276 = arith.constant 0 : i32
      %dma_wait3A_277 = arith.constant 0 : i32
      %dma_wait3A_278 = tpu.memref_slice %arg20[%dma_wait3A_276, %dma_wait3A_277] : memref<10000x128xf32, #tpu.memory_space<vmem_shared>> -> memref<10000x128xf32, #tpu.memory_space<vmem_shared>>
      tpu.wait_indirect_dma semaphore(%arg28 : memref<!tpu.dma_semaphore, #tpu.memory_space<semaphore_mem>>) src(%arg15 : memref<40x128xf32, #tpu.memory_space<vmem>>) dst(%dma_wait3A_278 : memref<10000x128xf32, #tpu.memory_space<vmem_shared>>)
      %dma_wait3A_279 = arith.constant 21 : i32
      %dma_wait3A_280 = arith.constant 0 : i32
      %dma_wait3A_281 = tpu.memref_slice %arg12[%dma_wait3A_279, %dma_wait3A_280] : memref<25x40xi32, #tpu.memory_space<vmem>> -> memref<1x40xi32, #tpu.memory_space<vmem>>
      %dma_wait3A_282 = tpu.memref_squeeze %dma_wait3A_281 : memref<1x40xi32, #tpu.memory_space<vmem>> -> memref<40xi32, #tpu.memory_space<vmem>>
      %dma_wait3A_283 = arith.constant 0 : i32
      %dma_wait3A_284 = tpu.memref_slice %arg21[%dma_wait3A_283] : memref<10000xf32, #tpu.memory_space<vmem_shared>> -> memref<10000xf32, #tpu.memory_space<vmem_shared>>
      tpu.wait_indirect_dma semaphore(%arg28 : memref<!tpu.dma_semaphore, #tpu.memory_space<semaphore_mem>>) src(%arg19 : memref<40xf32, #tpu.memory_space<vmem>>) dst(%dma_wait3A_284 : memref<10000xf32, #tpu.memory_space<vmem_shared>>)
      %dma_start3A_285 = arith.constant 1 : i32
      %dma_start3A_286 = arith.constant 0 : i32
      %dma_start3A_287 = tpu.memref_slice %arg11[%dma_start3A_285, %dma_start3A_286] : memref<25x40xi32, #tpu.memory_space<vmem>> -> memref<1x40xi32, #tpu.memory_space<vmem>>
      %dma_start3A_288 = tpu.memref_squeeze %dma_start3A_287 : memref<1x40xi32, #tpu.memory_space<vmem>> -> memref<40xi32, #tpu.memory_space<vmem>>
      %dma_start3A_289 = arith.constant 0 : i32
      %dma_start3A_290 = arith.constant 0 : i32
      %dma_start3A_291 = tpu.memref_slice %arg2[%dma_start3A_289, %dma_start3A_290] : memref<10000x128xf32, #tpu.memory_space<hbm>> -> memref<10000x128xf32, #tpu.memory_space<hbm>>
      tpu.enqueue_indirect_dma source(%dma_start3A_291 : memref<10000x128xf32, #tpu.memory_space<hbm>>) target(%arg15 : memref<40x128xf32, #tpu.memory_space<vmem>>) offsets(%dma_start3A_288 : memref<40xi32, #tpu.memory_space<vmem>>) semaphore(%arg23 : memref<!tpu.dma_semaphore, #tpu.memory_space<semaphore_mem>>)
      %dma_wait3A_292 = arith.constant 24 : i32
      %dma_wait3A_293 = arith.constant 0 : i32
      %dma_wait3A_294 = tpu.memref_slice %arg10[%dma_wait3A_292, %dma_wait3A_293] : memref<25x40xi32, #tpu.memory_space<vmem>> -> memref<1x40xi32, #tpu.memory_space<vmem>>
      %dma_wait3A_295 = tpu.memref_squeeze %dma_wait3A_294 : memref<1x40xi32, #tpu.memory_space<vmem>> -> memref<40xi32, #tpu.memory_space<vmem>>
      %dma_wait3A_296 = arith.constant 0 : i32
      %dma_wait3A_297 = arith.constant 0 : i32
      %dma_wait3A_298 = tpu.memref_slice %arg2[%dma_wait3A_296, %dma_wait3A_297] : memref<10000x128xf32, #tpu.memory_space<hbm>> -> memref<10000x128xf32, #tpu.memory_space<hbm>>
      tpu.wait_indirect_dma semaphore(%arg26 : memref<!tpu.dma_semaphore, #tpu.memory_space<semaphore_mem>>) src(%dma_wait3A_298 : memref<10000x128xf32, #tpu.memory_space<hbm>>) dst(%arg18 : memref<40x128xf32, #tpu.memory_space<vmem>>)
      %dma_start3A_299 = arith.constant 24 : i32
      %dma_start3A_300 = arith.constant 0 : i32
      %dma_start3A_301 = tpu.memref_slice %arg12[%dma_start3A_299, %dma_start3A_300] : memref<25x40xi32, #tpu.memory_space<vmem>> -> memref<1x40xi32, #tpu.memory_space<vmem>>
      %dma_start3A_302 = tpu.memref_squeeze %dma_start3A_301 : memref<1x40xi32, #tpu.memory_space<vmem>> -> memref<40xi32, #tpu.memory_space<vmem>>
      %dma_start3A_303 = arith.constant 0 : i32
      %dma_start3A_304 = arith.constant 0 : i32
      %dma_start3A_305 = tpu.memref_slice %arg20[%dma_start3A_303, %dma_start3A_304] : memref<10000x128xf32, #tpu.memory_space<vmem_shared>> -> memref<10000x128xf32, #tpu.memory_space<vmem_shared>>
      tpu.enqueue_indirect_dma source(%arg18 : memref<40x128xf32, #tpu.memory_space<vmem>>) target(%dma_start3A_305 : memref<10000x128xf32, #tpu.memory_space<vmem_shared>>) offsets(%dma_start3A_302 : memref<40xi32, #tpu.memory_space<vmem>>) semaphore(%arg31 : memref<!tpu.dma_semaphore, #tpu.memory_space<semaphore_mem>>) {add = true}
      %dma_start3A_306 = arith.constant 24 : i32
      %dma_start3A_307 = arith.constant 0 : i32
      %dma_start3A_308 = tpu.memref_slice %arg12[%dma_start3A_306, %dma_start3A_307] : memref<25x40xi32, #tpu.memory_space<vmem>> -> memref<1x40xi32, #tpu.memory_space<vmem>>
      %dma_start3A_309 = tpu.memref_squeeze %dma_start3A_308 : memref<1x40xi32, #tpu.memory_space<vmem>> -> memref<40xi32, #tpu.memory_space<vmem>>
      %dma_start3A_310 = arith.constant 0 : i32
      %dma_start3A_311 = tpu.memref_slice %arg21[%dma_start3A_310] : memref<10000xf32, #tpu.memory_space<vmem_shared>> -> memref<10000xf32, #tpu.memory_space<vmem_shared>>
      tpu.enqueue_indirect_dma source(%arg19 : memref<40xf32, #tpu.memory_space<vmem>>) target(%dma_start3A_311 : memref<10000xf32, #tpu.memory_space<vmem_shared>>) offsets(%dma_start3A_309 : memref<40xi32, #tpu.memory_space<vmem>>) semaphore(%arg31 : memref<!tpu.dma_semaphore, #tpu.memory_space<semaphore_mem>>) {add = true}
      %dma_wait3A_312 = arith.constant 22 : i32
      %dma_wait3A_313 = arith.constant 0 : i32
      %dma_wait3A_314 = tpu.memref_slice %arg12[%dma_wait3A_312, %dma_wait3A_313] : memref<25x40xi32, #tpu.memory_space<vmem>> -> memref<1x40xi32, #tpu.memory_space<vmem>>
      %dma_wait3A_315 = tpu.memref_squeeze %dma_wait3A_314 : memref<1x40xi32, #tpu.memory_space<vmem>> -> memref<40xi32, #tpu.memory_space<vmem>>
      %dma_wait3A_316 = arith.constant 0 : i32
      %dma_wait3A_317 = arith.constant 0 : i32
      %dma_wait3A_318 = tpu.memref_slice %arg20[%dma_wait3A_316, %dma_wait3A_317] : memref<10000x128xf32, #tpu.memory_space<vmem_shared>> -> memref<10000x128xf32, #tpu.memory_space<vmem_shared>>
      tpu.wait_indirect_dma semaphore(%arg29 : memref<!tpu.dma_semaphore, #tpu.memory_space<semaphore_mem>>) src(%arg16 : memref<40x128xf32, #tpu.memory_space<vmem>>) dst(%dma_wait3A_318 : memref<10000x128xf32, #tpu.memory_space<vmem_shared>>)
      %dma_wait3A_319 = arith.constant 22 : i32
      %dma_wait3A_320 = arith.constant 0 : i32
      %dma_wait3A_321 = tpu.memref_slice %arg12[%dma_wait3A_319, %dma_wait3A_320] : memref<25x40xi32, #tpu.memory_space<vmem>> -> memref<1x40xi32, #tpu.memory_space<vmem>>
      %dma_wait3A_322 = tpu.memref_squeeze %dma_wait3A_321 : memref<1x40xi32, #tpu.memory_space<vmem>> -> memref<40xi32, #tpu.memory_space<vmem>>
      %dma_wait3A_323 = arith.constant 0 : i32
      %dma_wait3A_324 = tpu.memref_slice %arg21[%dma_wait3A_323] : memref<10000xf32, #tpu.memory_space<vmem_shared>> -> memref<10000xf32, #tpu.memory_space<vmem_shared>>
      tpu.wait_indirect_dma semaphore(%arg29 : memref<!tpu.dma_semaphore, #tpu.memory_space<semaphore_mem>>) src(%arg19 : memref<40xf32, #tpu.memory_space<vmem>>) dst(%dma_wait3A_324 : memref<10000xf32, #tpu.memory_space<vmem_shared>>)
      %dma_start3A_325 = arith.constant 2 : i32
      %dma_start3A_326 = arith.constant 0 : i32
      %dma_start3A_327 = tpu.memref_slice %arg11[%dma_start3A_325, %dma_start3A_326] : memref<25x40xi32, #tpu.memory_space<vmem>> -> memref<1x40xi32, #tpu.memory_space<vmem>>
      %dma_start3A_328 = tpu.memref_squeeze %dma_start3A_327 : memref<1x40xi32, #tpu.memory_space<vmem>> -> memref<40xi32, #tpu.memory_space<vmem>>
      %dma_start3A_329 = arith.constant 0 : i32
      %dma_start3A_330 = arith.constant 0 : i32
      %dma_start3A_331 = tpu.memref_slice %arg2[%dma_start3A_329, %dma_start3A_330] : memref<10000x128xf32, #tpu.memory_space<hbm>> -> memref<10000x128xf32, #tpu.memory_space<hbm>>
      tpu.enqueue_indirect_dma source(%dma_start3A_331 : memref<10000x128xf32, #tpu.memory_space<hbm>>) target(%arg16 : memref<40x128xf32, #tpu.memory_space<vmem>>) offsets(%dma_start3A_328 : memref<40xi32, #tpu.memory_space<vmem>>) semaphore(%arg24 : memref<!tpu.dma_semaphore, #tpu.memory_space<semaphore_mem>>)
      %mul3A_332 = arith.constant 2 : i32
      %mul3A_333 = arith.muli %scan3A_115, %mul3A_332 : i32
      %add3A_334 = arith.constant 1 : i32
      %add3A_335 = arith.addi %mul3A_333, %add3A_334 : i32
      %dma_wait3A_336 = arith.constant 0 : i32
      %dma_wait3A_337 = arith.constant 0 : i32
      %dma_wait3A_338 = tpu.memref_slice %arg11[%dma_wait3A_336, %dma_wait3A_337] : memref<25x40xi32, #tpu.memory_space<vmem>> -> memref<1x40xi32, #tpu.memory_space<vmem>>
      %dma_wait3A_339 = tpu.memref_squeeze %dma_wait3A_338 : memref<1x40xi32, #tpu.memory_space<vmem>> -> memref<40xi32, #tpu.memory_space<vmem>>
      %dma_wait3A_340 = arith.constant 0 : i32
      %dma_wait3A_341 = arith.constant 0 : i32
      %dma_wait3A_342 = tpu.memref_slice %arg2[%dma_wait3A_340, %dma_wait3A_341] : memref<10000x128xf32, #tpu.memory_space<hbm>> -> memref<10000x128xf32, #tpu.memory_space<hbm>>
      tpu.wait_indirect_dma semaphore(%arg22 : memref<!tpu.dma_semaphore, #tpu.memory_space<semaphore_mem>>) src(%dma_wait3A_342 : memref<10000x128xf32, #tpu.memory_space<hbm>>) dst(%arg14 : memref<40x128xf32, #tpu.memory_space<vmem>>)
      %dma_start3A_343 = arith.constant 0 : i32
      %dma_start3A_344 = arith.constant 0 : i32
      %dma_start3A_345 = tpu.memref_slice %arg13[%dma_start3A_343, %dma_start3A_344] : memref<25x40xi32, #tpu.memory_space<vmem>> -> memref<1x40xi32, #tpu.memory_space<vmem>>
      %dma_start3A_346 = tpu.memref_squeeze %dma_start3A_345 : memref<1x40xi32, #tpu.memory_space<vmem>> -> memref<40xi32, #tpu.memory_space<vmem>>
      %dma_start3A_347 = arith.constant 0 : i32
      %dma_start3A_348 = arith.constant 0 : i32
      %dma_start3A_349 = tpu.memref_slice %arg20[%dma_start3A_347, %dma_start3A_348] : memref<10000x128xf32, #tpu.memory_space<vmem_shared>> -> memref<10000x128xf32, #tpu.memory_space<vmem_shared>>
      tpu.enqueue_indirect_dma source(%arg14 : memref<40x128xf32, #tpu.memory_space<vmem>>) target(%dma_start3A_349 : memref<10000x128xf32, #tpu.memory_space<vmem_shared>>) offsets(%dma_start3A_346 : memref<40xi32, #tpu.memory_space<vmem>>) semaphore(%arg27 : memref<!tpu.dma_semaphore, #tpu.memory_space<semaphore_mem>>) {add = true}
      %dma_start3A_350 = arith.constant 0 : i32
      %dma_start3A_351 = arith.constant 0 : i32
      %dma_start3A_352 = tpu.memref_slice %arg13[%dma_start3A_350, %dma_start3A_351] : memref<25x40xi32, #tpu.memory_space<vmem>> -> memref<1x40xi32, #tpu.memory_space<vmem>>
      %dma_start3A_353 = tpu.memref_squeeze %dma_start3A_352 : memref<1x40xi32, #tpu.memory_space<vmem>> -> memref<40xi32, #tpu.memory_space<vmem>>
      %dma_start3A_354 = arith.constant 0 : i32
      %dma_start3A_355 = tpu.memref_slice %arg21[%dma_start3A_354] : memref<10000xf32, #tpu.memory_space<vmem_shared>> -> memref<10000xf32, #tpu.memory_space<vmem_shared>>
      tpu.enqueue_indirect_dma source(%arg19 : memref<40xf32, #tpu.memory_space<vmem>>) target(%dma_start3A_355 : memref<10000xf32, #tpu.memory_space<vmem_shared>>) offsets(%dma_start3A_353 : memref<40xi32, #tpu.memory_space<vmem>>) semaphore(%arg27 : memref<!tpu.dma_semaphore, #tpu.memory_space<semaphore_mem>>) {add = true}
      %dma_wait3A_356 = arith.constant 23 : i32
      %dma_wait3A_357 = arith.constant 0 : i32
      %dma_wait3A_358 = tpu.memref_slice %arg12[%dma_wait3A_356, %dma_wait3A_357] : memref<25x40xi32, #tpu.memory_space<vmem>> -> memref<1x40xi32, #tpu.memory_space<vmem>>
      %dma_wait3A_359 = tpu.memref_squeeze %dma_wait3A_358 : memref<1x40xi32, #tpu.memory_space<vmem>> -> memref<40xi32, #tpu.memory_space<vmem>>
      %dma_wait3A_360 = arith.constant 0 : i32
      %dma_wait3A_361 = arith.constant 0 : i32
      %dma_wait3A_362 = tpu.memref_slice %arg20[%dma_wait3A_360, %dma_wait3A_361] : memref<10000x128xf32, #tpu.memory_space<vmem_shared>> -> memref<10000x128xf32, #tpu.memory_space<vmem_shared>>
      tpu.wait_indirect_dma semaphore(%arg30 : memref<!tpu.dma_semaphore, #tpu.memory_space<semaphore_mem>>) src(%arg17 : memref<40x128xf32, #tpu.memory_space<vmem>>) dst(%dma_wait3A_362 : memref<10000x128xf32, #tpu.memory_space<vmem_shared>>)
      %dma_wait3A_363 = arith.constant 23 : i32
      %dma_wait3A_364 = arith.constant 0 : i32
      %dma_wait3A_365 = tpu.memref_slice %arg12[%dma_wait3A_363, %dma_wait3A_364] : memref<25x40xi32, #tpu.memory_space<vmem>> -> memref<1x40xi32, #tpu.memory_space<vmem>>
      %dma_wait3A_366 = tpu.memref_squeeze %dma_wait3A_365 : memref<1x40xi32, #tpu.memory_space<vmem>> -> memref<40xi32, #tpu.memory_space<vmem>>
      %dma_wait3A_367 = arith.constant 0 : i32
      %dma_wait3A_368 = tpu.memref_slice %arg21[%dma_wait3A_367] : memref<10000xf32, #tpu.memory_space<vmem_shared>> -> memref<10000xf32, #tpu.memory_space<vmem_shared>>
      tpu.wait_indirect_dma semaphore(%arg30 : memref<!tpu.dma_semaphore, #tpu.memory_space<semaphore_mem>>) src(%arg19 : memref<40xf32, #tpu.memory_space<vmem>>) dst(%dma_wait3A_368 : memref<10000xf32, #tpu.memory_space<vmem_shared>>)
      %dma_start3A_369 = arith.constant 3 : i32
      %dma_start3A_370 = arith.constant 0 : i32
      %dma_start3A_371 = tpu.memref_slice %arg11[%dma_start3A_369, %dma_start3A_370] : memref<25x40xi32, #tpu.memory_space<vmem>> -> memref<1x40xi32, #tpu.memory_space<vmem>>
      %dma_start3A_372 = tpu.memref_squeeze %dma_start3A_371 : memref<1x40xi32, #tpu.memory_space<vmem>> -> memref<40xi32, #tpu.memory_space<vmem>>
      %dma_start3A_373 = arith.constant 0 : i32
      %dma_start3A_374 = arith.constant 0 : i32
      %dma_start3A_375 = tpu.memref_slice %arg2[%dma_start3A_373, %dma_start3A_374] : memref<10000x128xf32, #tpu.memory_space<hbm>> -> memref<10000x128xf32, #tpu.memory_space<hbm>>
      tpu.enqueue_indirect_dma source(%dma_start3A_375 : memref<10000x128xf32, #tpu.memory_space<hbm>>) target(%arg17 : memref<40x128xf32, #tpu.memory_space<vmem>>) offsets(%dma_start3A_372 : memref<40xi32, #tpu.memory_space<vmem>>) semaphore(%arg25 : memref<!tpu.dma_semaphore, #tpu.memory_space<semaphore_mem>>)
      %dma_wait3A_376 = arith.constant 1 : i32
      %dma_wait3A_377 = arith.constant 0 : i32
      %dma_wait3A_378 = tpu.memref_slice %arg11[%dma_wait3A_376, %dma_wait3A_377] : memref<25x40xi32, #tpu.memory_space<vmem>> -> memref<1x40xi32, #tpu.memory_space<vmem>>
      %dma_wait3A_379 = tpu.memref_squeeze %dma_wait3A_378 : memref<1x40xi32, #tpu.memory_space<vmem>> -> memref<40xi32, #tpu.memory_space<vmem>>
      %dma_wait3A_380 = arith.constant 0 : i32
      %dma_wait3A_381 = arith.constant 0 : i32
      %dma_wait3A_382 = tpu.memref_slice %arg2[%dma_wait3A_380, %dma_wait3A_381] : memref<10000x128xf32, #tpu.memory_space<hbm>> -> memref<10000x128xf32, #tpu.memory_space<hbm>>
      tpu.wait_indirect_dma semaphore(%arg23 : memref<!tpu.dma_semaphore, #tpu.memory_space<semaphore_mem>>) src(%dma_wait3A_382 : memref<10000x128xf32, #tpu.memory_space<hbm>>) dst(%arg15 : memref<40x128xf32, #tpu.memory_space<vmem>>)
      %dma_start3A_383 = arith.constant 1 : i32
      %dma_start3A_384 = arith.constant 0 : i32
      %dma_start3A_385 = tpu.memref_slice %arg13[%dma_start3A_383, %dma_start3A_384] : memref<25x40xi32, #tpu.memory_space<vmem>> -> memref<1x40xi32, #tpu.memory_space<vmem>>
      %dma_start3A_386 = tpu.memref_squeeze %dma_start3A_385 : memref<1x40xi32, #tpu.memory_space<vmem>> -> memref<40xi32, #tpu.memory_space<vmem>>
      %dma_start3A_387 = arith.constant 0 : i32
      %dma_start3A_388 = arith.constant 0 : i32
      %dma_start3A_389 = tpu.memref_slice %arg20[%dma_start3A_387, %dma_start3A_388] : memref<10000x128xf32, #tpu.memory_space<vmem_shared>> -> memref<10000x128xf32, #tpu.memory_space<vmem_shared>>
      tpu.enqueue_indirect_dma source(%arg15 : memref<40x128xf32, #tpu.memory_space<vmem>>) target(%dma_start3A_389 : memref<10000x128xf32, #tpu.memory_space<vmem_shared>>) offsets(%dma_start3A_386 : memref<40xi32, #tpu.memory_space<vmem>>) semaphore(%arg28 : memref<!tpu.dma_semaphore, #tpu.memory_space<semaphore_mem>>) {add = true}
      %dma_start3A_390 = arith.constant 1 : i32
      %dma_start3A_391 = arith.constant 0 : i32
      %dma_start3A_392 = tpu.memref_slice %arg13[%dma_start3A_390, %dma_start3A_391] : memref<25x40xi32, #tpu.memory_space<vmem>> -> memref<1x40xi32, #tpu.memory_space<vmem>>
      %dma_start3A_393 = tpu.memref_squeeze %dma_start3A_392 : memref<1x40xi32, #tpu.memory_space<vmem>> -> memref<40xi32, #tpu.memory_space<vmem>>
      %dma_start3A_394 = arith.constant 0 : i32
      %dma_start3A_395 = tpu.memref_slice %arg21[%dma_start3A_394] : memref<10000xf32, #tpu.memory_space<vmem_shared>> -> memref<10000xf32, #tpu.memory_space<vmem_shared>>
      tpu.enqueue_indirect_dma source(%arg19 : memref<40xf32, #tpu.memory_space<vmem>>) target(%dma_start3A_395 : memref<10000xf32, #tpu.memory_space<vmem_shared>>) offsets(%dma_start3A_393 : memref<40xi32, #tpu.memory_space<vmem>>) semaphore(%arg28 : memref<!tpu.dma_semaphore, #tpu.memory_space<semaphore_mem>>) {add = true}
      %dma_wait3A_396 = arith.constant 24 : i32
      %dma_wait3A_397 = arith.constant 0 : i32
      %dma_wait3A_398 = tpu.memref_slice %arg12[%dma_wait3A_396, %dma_wait3A_397] : memref<25x40xi32, #tpu.memory_space<vmem>> -> memref<1x40xi32, #tpu.memory_space<vmem>>
      %dma_wait3A_399 = tpu.memref_squeeze %dma_wait3A_398 : memref<1x40xi32, #tpu.memory_space<vmem>> -> memref<40xi32, #tpu.memory_space<vmem>>
      %dma_wait3A_400 = arith.constant 0 : i32
      %dma_wait3A_401 = arith.constant 0 : i32
      %dma_wait3A_402 = tpu.memref_slice %arg20[%dma_wait3A_400, %dma_wait3A_401] : memref<10000x128xf32, #tpu.memory_space<vmem_shared>> -> memref<10000x128xf32, #tpu.memory_space<vmem_shared>>
      tpu.wait_indirect_dma semaphore(%arg31 : memref<!tpu.dma_semaphore, #tpu.memory_space<semaphore_mem>>) src(%arg18 : memref<40x128xf32, #tpu.memory_space<vmem>>) dst(%dma_wait3A_402 : memref<10000x128xf32, #tpu.memory_space<vmem_shared>>)
      %dma_wait3A_403 = arith.constant 24 : i32
      %dma_wait3A_404 = arith.constant 0 : i32
      %dma_wait3A_405 = tpu.memref_slice %arg12[%dma_wait3A_403, %dma_wait3A_404] : memref<25x40xi32, #tpu.memory_space<vmem>> -> memref<1x40xi32, #tpu.memory_space<vmem>>
      %dma_wait3A_406 = tpu.memref_squeeze %dma_wait3A_405 : memref<1x40xi32, #tpu.memory_space<vmem>> -> memref<40xi32, #tpu.memory_space<vmem>>
      %dma_wait3A_407 = arith.constant 0 : i32
      %dma_wait3A_408 = tpu.memref_slice %arg21[%dma_wait3A_407] : memref<10000xf32, #tpu.memory_space<vmem_shared>> -> memref<10000xf32, #tpu.memory_space<vmem_shared>>
      tpu.wait_indirect_dma semaphore(%arg31 : memref<!tpu.dma_semaphore, #tpu.memory_space<semaphore_mem>>) src(%arg19 : memref<40xf32, #tpu.memory_space<vmem>>) dst(%dma_wait3A_408 : memref<10000xf32, #tpu.memory_space<vmem_shared>>)
      %dma_start3A_409 = arith.constant 4 : i32
      %dma_start3A_410 = arith.constant 0 : i32
      %dma_start3A_411 = tpu.memref_slice %arg11[%dma_start3A_409, %dma_start3A_410] : memref<25x40xi32, #tpu.memory_space<vmem>> -> memref<1x40xi32, #tpu.memory_space<vmem>>
      %dma_start3A_412 = tpu.memref_squeeze %dma_start3A_411 : memref<1x40xi32, #tpu.memory_space<vmem>> -> memref<40xi32, #tpu.memory_space<vmem>>
      %dma_start3A_413 = arith.constant 0 : i32
      %dma_start3A_414 = arith.constant 0 : i32
      %dma_start3A_415 = tpu.memref_slice %arg2[%dma_start3A_413, %dma_start3A_414] : memref<10000x128xf32, #tpu.memory_space<hbm>> -> memref<10000x128xf32, #tpu.memory_space<hbm>>
      tpu.enqueue_indirect_dma source(%dma_start3A_415 : memref<10000x128xf32, #tpu.memory_space<hbm>>) target(%arg18 : memref<40x128xf32, #tpu.memory_space<vmem>>) offsets(%dma_start3A_412 : memref<40xi32, #tpu.memory_space<vmem>>) semaphore(%arg26 : memref<!tpu.dma_semaphore, #tpu.memory_space<semaphore_mem>>)
      %lt3A = arith.constant 4 : i32
      %lt3A_416 = arith.cmpi slt, %scan3A_115, %lt3A : i32
      %convert_element_type3A_417 = arith.extui %lt3A_416 : i1 to i32
      %cond3A_418 = arith.constant 0 : i32
      %cond3A_419 = arith.cmpi ne, %convert_element_type3A_417, %cond3A_418 : i32
      scf.if %cond3A_419 {
        %add3A_545 = arith.constant 1 : i32
        %add3A_546 = arith.addi %add3A_335, %add3A_545 : i32
        %dma_start3A_547 = arith.constant 0 : i32
        %dma_start3A_548 = arith.constant 0 : i32
        %dma_start3A_549 = tpu.memref_slice %arg3[%add3A, %add3A_546, %dma_start3A_547, %dma_start3A_548] : memref<32x10x25x40xi32, #tpu.memory_space<hbm>> -> memref<1x1x25x40xi32, #tpu.memory_space<hbm>>
        %dma_start3A_550 = tpu.memref_squeeze %dma_start3A_549 : memref<1x1x25x40xi32, #tpu.memory_space<hbm>> -> memref<25x40xi32, #tpu.memory_space<hbm>>
        %dma_start3A_551 = arith.constant 0 : i32
        %dma_start3A_552 = arith.constant 0 : i32
        %dma_start3A_553 = tpu.memref_slice %arg3[%add3A, %add3A_546, %dma_start3A_551, %dma_start3A_552] : memref<32x10x25x40xi32, #tpu.memory_space<hbm>> -> memref<1x1x25x40xi32, #tpu.memory_space<hbm>>
        %dma_start3A_554 = tpu.memref_squeeze %dma_start3A_553 : memref<1x1x25x40xi32, #tpu.memory_space<hbm>> -> memref<25x40xi32, #tpu.memory_space<hbm>>
        tpu.enqueue_dma source(%dma_start3A_554 : memref<25x40xi32, #tpu.memory_space<hbm>>) target(%arg10 : memref<25x40xi32, #tpu.memory_space<vmem>>) target_semaphore(%arg32 : memref<!tpu.dma_semaphore, #tpu.memory_space<semaphore_mem>>)
        %dma_start3A_555 = arith.constant 0 : i32
        %dma_start3A_556 = arith.constant 0 : i32
        %dma_start3A_557 = tpu.memref_slice %arg4[%add3A, %add3A_546, %dma_start3A_555, %dma_start3A_556] : memref<32x10x25x40xi32, #tpu.memory_space<hbm>> -> memref<1x1x25x40xi32, #tpu.memory_space<hbm>>
        %dma_start3A_558 = tpu.memref_squeeze %dma_start3A_557 : memref<1x1x25x40xi32, #tpu.memory_space<hbm>> -> memref<25x40xi32, #tpu.memory_space<hbm>>
        %dma_start3A_559 = arith.constant 0 : i32
        %dma_start3A_560 = arith.constant 0 : i32
        %dma_start3A_561 = tpu.memref_slice %arg4[%add3A, %add3A_546, %dma_start3A_559, %dma_start3A_560] : memref<32x10x25x40xi32, #tpu.memory_space<hbm>> -> memref<1x1x25x40xi32, #tpu.memory_space<hbm>>
        %dma_start3A_562 = tpu.memref_squeeze %dma_start3A_561 : memref<1x1x25x40xi32, #tpu.memory_space<hbm>> -> memref<25x40xi32, #tpu.memory_space<hbm>>
        tpu.enqueue_dma source(%dma_start3A_562 : memref<25x40xi32, #tpu.memory_space<hbm>>) target(%arg12 : memref<25x40xi32, #tpu.memory_space<vmem>>) target_semaphore(%arg32 : memref<!tpu.dma_semaphore, #tpu.memory_space<semaphore_mem>>)
      } else {
      }
      %scan3A_420 = arith.constant 0 : i32
      %scan3A_421 = arith.constant 0 : i32
      %scan3A_422 = arith.constant 4 : i32
      %scan3A_423 = arith.addi %scan3A_421, %scan3A_422 : i32
      %scan3A_424 = arith.constant 1 : i32
      scf.for %scan3A_545 = %scan3A_421 to %scan3A_423 step %scan3A_424  : i32 {
        %mul3A_546 = arith.constant 5 : i32
        %mul3A_547 = arith.muli %scan3A_545, %mul3A_546 : i32
        %add3A_548 = arith.constant 2 : i32
        %add3A_549 = arith.addi %add3A_548, %mul3A_547 : i32
        %add3A_550 = arith.constant 0 : i32
        %add3A_551 = arith.addi %add3A_549, %add3A_550 : i32
        %dma_wait3A_552 = arith.constant 0 : i32
        %dma_wait3A_553 = tpu.memref_slice %arg11[%add3A_551, %dma_wait3A_552] : memref<25x40xi32, #tpu.memory_space<vmem>> -> memref<1x40xi32, #tpu.memory_space<vmem>>
        %dma_wait3A_554 = tpu.memref_squeeze %dma_wait3A_553 : memref<1x40xi32, #tpu.memory_space<vmem>> -> memref<40xi32, #tpu.memory_space<vmem>>
        %dma_wait3A_555 = arith.constant 0 : i32
        %dma_wait3A_556 = arith.constant 0 : i32
        %dma_wait3A_557 = tpu.memref_slice %arg2[%dma_wait3A_555, %dma_wait3A_556] : memref<10000x128xf32, #tpu.memory_space<hbm>> -> memref<10000x128xf32, #tpu.memory_space<hbm>>
        tpu.wait_indirect_dma semaphore(%arg24 : memref<!tpu.dma_semaphore, #tpu.memory_space<semaphore_mem>>) src(%dma_wait3A_557 : memref<10000x128xf32, #tpu.memory_space<hbm>>) dst(%arg16 : memref<40x128xf32, #tpu.memory_space<vmem>>)
        %dma_start3A_558 = arith.constant 0 : i32
        %dma_start3A_559 = tpu.memref_slice %arg13[%add3A_551, %dma_start3A_558] : memref<25x40xi32, #tpu.memory_space<vmem>> -> memref<1x40xi32, #tpu.memory_space<vmem>>
        %dma_start3A_560 = tpu.memref_squeeze %dma_start3A_559 : memref<1x40xi32, #tpu.memory_space<vmem>> -> memref<40xi32, #tpu.memory_space<vmem>>
        %dma_start3A_561 = arith.constant 0 : i32
        %dma_start3A_562 = arith.constant 0 : i32
        %dma_start3A_563 = tpu.memref_slice %arg20[%dma_start3A_561, %dma_start3A_562] : memref<10000x128xf32, #tpu.memory_space<vmem_shared>> -> memref<10000x128xf32, #tpu.memory_space<vmem_shared>>
        tpu.enqueue_indirect_dma source(%arg16 : memref<40x128xf32, #tpu.memory_space<vmem>>) target(%dma_start3A_563 : memref<10000x128xf32, #tpu.memory_space<vmem_shared>>) offsets(%dma_start3A_560 : memref<40xi32, #tpu.memory_space<vmem>>) semaphore(%arg29 : memref<!tpu.dma_semaphore, #tpu.memory_space<semaphore_mem>>) {add = true}
        %dma_start3A_564 = arith.constant 0 : i32
        %dma_start3A_565 = tpu.memref_slice %arg13[%add3A_551, %dma_start3A_564] : memref<25x40xi32, #tpu.memory_space<vmem>> -> memref<1x40xi32, #tpu.memory_space<vmem>>
        %dma_start3A_566 = tpu.memref_squeeze %dma_start3A_565 : memref<1x40xi32, #tpu.memory_space<vmem>> -> memref<40xi32, #tpu.memory_space<vmem>>
        %dma_start3A_567 = arith.constant 0 : i32
        %dma_start3A_568 = tpu.memref_slice %arg21[%dma_start3A_567] : memref<10000xf32, #tpu.memory_space<vmem_shared>> -> memref<10000xf32, #tpu.memory_space<vmem_shared>>
        tpu.enqueue_indirect_dma source(%arg19 : memref<40xf32, #tpu.memory_space<vmem>>) target(%dma_start3A_568 : memref<10000xf32, #tpu.memory_space<vmem_shared>>) offsets(%dma_start3A_566 : memref<40xi32, #tpu.memory_space<vmem>>) semaphore(%arg29 : memref<!tpu.dma_semaphore, #tpu.memory_space<semaphore_mem>>) {add = true}
        %sub3A = arith.constant 2 : i32
        %sub3A_569 = arith.subi %add3A_551, %sub3A : i32
        %dma_wait3A_570 = arith.constant 0 : i32
        %dma_wait3A_571 = tpu.memref_slice %arg13[%sub3A_569, %dma_wait3A_570] : memref<25x40xi32, #tpu.memory_space<vmem>> -> memref<1x40xi32, #tpu.memory_space<vmem>>
        %dma_wait3A_572 = tpu.memref_squeeze %dma_wait3A_571 : memref<1x40xi32, #tpu.memory_space<vmem>> -> memref<40xi32, #tpu.memory_space<vmem>>
        %dma_wait3A_573 = arith.constant 0 : i32
        %dma_wait3A_574 = arith.constant 0 : i32
        %dma_wait3A_575 = tpu.memref_slice %arg20[%dma_wait3A_573, %dma_wait3A_574] : memref<10000x128xf32, #tpu.memory_space<vmem_shared>> -> memref<10000x128xf32, #tpu.memory_space<vmem_shared>>
        tpu.wait_indirect_dma semaphore(%arg27 : memref<!tpu.dma_semaphore, #tpu.memory_space<semaphore_mem>>) src(%arg14 : memref<40x128xf32, #tpu.memory_space<vmem>>) dst(%dma_wait3A_575 : memref<10000x128xf32, #tpu.memory_space<vmem_shared>>)
        %dma_wait3A_576 = arith.constant 0 : i32
        %dma_wait3A_577 = tpu.memref_slice %arg13[%sub3A_569, %dma_wait3A_576] : memref<25x40xi32, #tpu.memory_space<vmem>> -> memref<1x40xi32, #tpu.memory_space<vmem>>
        %dma_wait3A_578 = tpu.memref_squeeze %dma_wait3A_577 : memref<1x40xi32, #tpu.memory_space<vmem>> -> memref<40xi32, #tpu.memory_space<vmem>>
        %dma_wait3A_579 = arith.constant 0 : i32
        %dma_wait3A_580 = tpu.memref_slice %arg21[%dma_wait3A_579] : memref<10000xf32, #tpu.memory_space<vmem_shared>> -> memref<10000xf32, #tpu.memory_space<vmem_shared>>
        tpu.wait_indirect_dma semaphore(%arg27 : memref<!tpu.dma_semaphore, #tpu.memory_space<semaphore_mem>>) src(%arg19 : memref<40xf32, #tpu.memory_space<vmem>>) dst(%dma_wait3A_580 : memref<10000xf32, #tpu.memory_space<vmem_shared>>)
        %add3A_581 = arith.constant 3 : i32
        %add3A_582 = arith.addi %add3A_551, %add3A_581 : i32
        %dma_start3A_583 = arith.constant 0 : i32
        %dma_start3A_584 = tpu.memref_slice %arg11[%add3A_582, %dma_start3A_583] : memref<25x40xi32, #tpu.memory_space<vmem>> -> memref<1x40xi32, #tpu.memory_space<vmem>>
        %dma_start3A_585 = tpu.memref_squeeze %dma_start3A_584 : memref<1x40xi32, #tpu.memory_space<vmem>> -> memref<40xi32, #tpu.memory_space<vmem>>
        %dma_start3A_586 = arith.constant 0 : i32
        %dma_start3A_587 = arith.constant 0 : i32
        %dma_start3A_588 = tpu.memref_slice %arg2[%dma_start3A_586, %dma_start3A_587] : memref<10000x128xf32, #tpu.memory_space<hbm>> -> memref<10000x128xf32, #tpu.memory_space<hbm>>
        tpu.enqueue_indirect_dma source(%dma_start3A_588 : memref<10000x128xf32, #tpu.memory_space<hbm>>) target(%arg14 : memref<40x128xf32, #tpu.memory_space<vmem>>) offsets(%dma_start3A_585 : memref<40xi32, #tpu.memory_space<vmem>>) semaphore(%arg22 : memref<!tpu.dma_semaphore, #tpu.memory_space<semaphore_mem>>)
        %mul3A_589 = arith.constant 5 : i32
        %mul3A_590 = arith.muli %scan3A_545, %mul3A_589 : i32
        %add3A_591 = arith.constant 2 : i32
        %add3A_592 = arith.addi %add3A_591, %mul3A_590 : i32
        %add3A_593 = arith.constant 1 : i32
        %add3A_594 = arith.addi %add3A_592, %add3A_593 : i32
        %dma_wait3A_595 = arith.constant 0 : i32
        %dma_wait3A_596 = tpu.memref_slice %arg11[%add3A_594, %dma_wait3A_595] : memref<25x40xi32, #tpu.memory_space<vmem>> -> memref<1x40xi32, #tpu.memory_space<vmem>>
        %dma_wait3A_597 = tpu.memref_squeeze %dma_wait3A_596 : memref<1x40xi32, #tpu.memory_space<vmem>> -> memref<40xi32, #tpu.memory_space<vmem>>
        %dma_wait3A_598 = arith.constant 0 : i32
        %dma_wait3A_599 = arith.constant 0 : i32
        %dma_wait3A_600 = tpu.memref_slice %arg2[%dma_wait3A_598, %dma_wait3A_599] : memref<10000x128xf32, #tpu.memory_space<hbm>> -> memref<10000x128xf32, #tpu.memory_space<hbm>>
        tpu.wait_indirect_dma semaphore(%arg25 : memref<!tpu.dma_semaphore, #tpu.memory_space<semaphore_mem>>) src(%dma_wait3A_600 : memref<10000x128xf32, #tpu.memory_space<hbm>>) dst(%arg17 : memref<40x128xf32, #tpu.memory_space<vmem>>)
        %dma_start3A_601 = arith.constant 0 : i32
        %dma_start3A_602 = tpu.memref_slice %arg13[%add3A_594, %dma_start3A_601] : memref<25x40xi32, #tpu.memory_space<vmem>> -> memref<1x40xi32, #tpu.memory_space<vmem>>
        %dma_start3A_603 = tpu.memref_squeeze %dma_start3A_602 : memref<1x40xi32, #tpu.memory_space<vmem>> -> memref<40xi32, #tpu.memory_space<vmem>>
        %dma_start3A_604 = arith.constant 0 : i32
        %dma_start3A_605 = arith.constant 0 : i32
        %dma_start3A_606 = tpu.memref_slice %arg20[%dma_start3A_604, %dma_start3A_605] : memref<10000x128xf32, #tpu.memory_space<vmem_shared>> -> memref<10000x128xf32, #tpu.memory_space<vmem_shared>>
        tpu.enqueue_indirect_dma source(%arg17 : memref<40x128xf32, #tpu.memory_space<vmem>>) target(%dma_start3A_606 : memref<10000x128xf32, #tpu.memory_space<vmem_shared>>) offsets(%dma_start3A_603 : memref<40xi32, #tpu.memory_space<vmem>>) semaphore(%arg30 : memref<!tpu.dma_semaphore, #tpu.memory_space<semaphore_mem>>) {add = true}
        %dma_start3A_607 = arith.constant 0 : i32
        %dma_start3A_608 = tpu.memref_slice %arg13[%add3A_594, %dma_start3A_607] : memref<25x40xi32, #tpu.memory_space<vmem>> -> memref<1x40xi32, #tpu.memory_space<vmem>>
        %dma_start3A_609 = tpu.memref_squeeze %dma_start3A_608 : memref<1x40xi32, #tpu.memory_space<vmem>> -> memref<40xi32, #tpu.memory_space<vmem>>
        %dma_start3A_610 = arith.constant 0 : i32
        %dma_start3A_611 = tpu.memref_slice %arg21[%dma_start3A_610] : memref<10000xf32, #tpu.memory_space<vmem_shared>> -> memref<10000xf32, #tpu.memory_space<vmem_shared>>
        tpu.enqueue_indirect_dma source(%arg19 : memref<40xf32, #tpu.memory_space<vmem>>) target(%dma_start3A_611 : memref<10000xf32, #tpu.memory_space<vmem_shared>>) offsets(%dma_start3A_609 : memref<40xi32, #tpu.memory_space<vmem>>) semaphore(%arg30 : memref<!tpu.dma_semaphore, #tpu.memory_space<semaphore_mem>>) {add = true}
        %sub3A_612 = arith.constant 2 : i32
        %sub3A_613 = arith.subi %add3A_594, %sub3A_612 : i32
        %dma_wait3A_614 = arith.constant 0 : i32
        %dma_wait3A_615 = tpu.memref_slice %arg13[%sub3A_613, %dma_wait3A_614] : memref<25x40xi32, #tpu.memory_space<vmem>> -> memref<1x40xi32, #tpu.memory_space<vmem>>
        %dma_wait3A_616 = tpu.memref_squeeze %dma_wait3A_615 : memref<1x40xi32, #tpu.memory_space<vmem>> -> memref<40xi32, #tpu.memory_space<vmem>>
        %dma_wait3A_617 = arith.constant 0 : i32
        %dma_wait3A_618 = arith.constant 0 : i32
        %dma_wait3A_619 = tpu.memref_slice %arg20[%dma_wait3A_617, %dma_wait3A_618] : memref<10000x128xf32, #tpu.memory_space<vmem_shared>> -> memref<10000x128xf32, #tpu.memory_space<vmem_shared>>
        tpu.wait_indirect_dma semaphore(%arg28 : memref<!tpu.dma_semaphore, #tpu.memory_space<semaphore_mem>>) src(%arg15 : memref<40x128xf32, #tpu.memory_space<vmem>>) dst(%dma_wait3A_619 : memref<10000x128xf32, #tpu.memory_space<vmem_shared>>)
        %dma_wait3A_620 = arith.constant 0 : i32
        %dma_wait3A_621 = tpu.memref_slice %arg13[%sub3A_613, %dma_wait3A_620] : memref<25x40xi32, #tpu.memory_space<vmem>> -> memref<1x40xi32, #tpu.memory_space<vmem>>
        %dma_wait3A_622 = tpu.memref_squeeze %dma_wait3A_621 : memref<1x40xi32, #tpu.memory_space<vmem>> -> memref<40xi32, #tpu.memory_space<vmem>>
        %dma_wait3A_623 = arith.constant 0 : i32
        %dma_wait3A_624 = tpu.memref_slice %arg21[%dma_wait3A_623] : memref<10000xf32, #tpu.memory_space<vmem_shared>> -> memref<10000xf32, #tpu.memory_space<vmem_shared>>
        tpu.wait_indirect_dma semaphore(%arg28 : memref<!tpu.dma_semaphore, #tpu.memory_space<semaphore_mem>>) src(%arg19 : memref<40xf32, #tpu.memory_space<vmem>>) dst(%dma_wait3A_624 : memref<10000xf32, #tpu.memory_space<vmem_shared>>)
        %add3A_625 = arith.constant 3 : i32
        %add3A_626 = arith.addi %add3A_594, %add3A_625 : i32
        %dma_start3A_627 = arith.constant 0 : i32
        %dma_start3A_628 = tpu.memref_slice %arg11[%add3A_626, %dma_start3A_627] : memref<25x40xi32, #tpu.memory_space<vmem>> -> memref<1x40xi32, #tpu.memory_space<vmem>>
        %dma_start3A_629 = tpu.memref_squeeze %dma_start3A_628 : memref<1x40xi32, #tpu.memory_space<vmem>> -> memref<40xi32, #tpu.memory_space<vmem>>
        %dma_start3A_630 = arith.constant 0 : i32
        %dma_start3A_631 = arith.constant 0 : i32
        %dma_start3A_632 = tpu.memref_slice %arg2[%dma_start3A_630, %dma_start3A_631] : memref<10000x128xf32, #tpu.memory_space<hbm>> -> memref<10000x128xf32, #tpu.memory_space<hbm>>
        tpu.enqueue_indirect_dma source(%dma_start3A_632 : memref<10000x128xf32, #tpu.memory_space<hbm>>) target(%arg15 : memref<40x128xf32, #tpu.memory_space<vmem>>) offsets(%dma_start3A_629 : memref<40xi32, #tpu.memory_space<vmem>>) semaphore(%arg23 : memref<!tpu.dma_semaphore, #tpu.memory_space<semaphore_mem>>)
        %mul3A_633 = arith.constant 5 : i32
        %mul3A_634 = arith.muli %scan3A_545, %mul3A_633 : i32
        %add3A_635 = arith.constant 2 : i32
        %add3A_636 = arith.addi %add3A_635, %mul3A_634 : i32
        %add3A_637 = arith.constant 2 : i32
        %add3A_638 = arith.addi %add3A_636, %add3A_637 : i32
        %dma_wait3A_639 = arith.constant 0 : i32
        %dma_wait3A_640 = tpu.memref_slice %arg11[%add3A_638, %dma_wait3A_639] : memref<25x40xi32, #tpu.memory_space<vmem>> -> memref<1x40xi32, #tpu.memory_space<vmem>>
        %dma_wait3A_641 = tpu.memref_squeeze %dma_wait3A_640 : memref<1x40xi32, #tpu.memory_space<vmem>> -> memref<40xi32, #tpu.memory_space<vmem>>
        %dma_wait3A_642 = arith.constant 0 : i32
        %dma_wait3A_643 = arith.constant 0 : i32
        %dma_wait3A_644 = tpu.memref_slice %arg2[%dma_wait3A_642, %dma_wait3A_643] : memref<10000x128xf32, #tpu.memory_space<hbm>> -> memref<10000x128xf32, #tpu.memory_space<hbm>>
        tpu.wait_indirect_dma semaphore(%arg26 : memref<!tpu.dma_semaphore, #tpu.memory_space<semaphore_mem>>) src(%dma_wait3A_644 : memref<10000x128xf32, #tpu.memory_space<hbm>>) dst(%arg18 : memref<40x128xf32, #tpu.memory_space<vmem>>)
        %dma_start3A_645 = arith.constant 0 : i32
        %dma_start3A_646 = tpu.memref_slice %arg13[%add3A_638, %dma_start3A_645] : memref<25x40xi32, #tpu.memory_space<vmem>> -> memref<1x40xi32, #tpu.memory_space<vmem>>
        %dma_start3A_647 = tpu.memref_squeeze %dma_start3A_646 : memref<1x40xi32, #tpu.memory_space<vmem>> -> memref<40xi32, #tpu.memory_space<vmem>>
        %dma_start3A_648 = arith.constant 0 : i32
        %dma_start3A_649 = arith.constant 0 : i32
        %dma_start3A_650 = tpu.memref_slice %arg20[%dma_start3A_648, %dma_start3A_649] : memref<10000x128xf32, #tpu.memory_space<vmem_shared>> -> memref<10000x128xf32, #tpu.memory_space<vmem_shared>>
        tpu.enqueue_indirect_dma source(%arg18 : memref<40x128xf32, #tpu.memory_space<vmem>>) target(%dma_start3A_650 : memref<10000x128xf32, #tpu.memory_space<vmem_shared>>) offsets(%dma_start3A_647 : memref<40xi32, #tpu.memory_space<vmem>>) semaphore(%arg31 : memref<!tpu.dma_semaphore, #tpu.memory_space<semaphore_mem>>) {add = true}
        %dma_start3A_651 = arith.constant 0 : i32
        %dma_start3A_652 = tpu.memref_slice %arg13[%add3A_638, %dma_start3A_651] : memref<25x40xi32, #tpu.memory_space<vmem>> -> memref<1x40xi32, #tpu.memory_space<vmem>>
        %dma_start3A_653 = tpu.memref_squeeze %dma_start3A_652 : memref<1x40xi32, #tpu.memory_space<vmem>> -> memref<40xi32, #tpu.memory_space<vmem>>
        %dma_start3A_654 = arith.constant 0 : i32
        %dma_start3A_655 = tpu.memref_slice %arg21[%dma_start3A_654] : memref<10000xf32, #tpu.memory_space<vmem_shared>> -> memref<10000xf32, #tpu.memory_space<vmem_shared>>
        tpu.enqueue_indirect_dma source(%arg19 : memref<40xf32, #tpu.memory_space<vmem>>) target(%dma_start3A_655 : memref<10000xf32, #tpu.memory_space<vmem_shared>>) offsets(%dma_start3A_653 : memref<40xi32, #tpu.memory_space<vmem>>) semaphore(%arg31 : memref<!tpu.dma_semaphore, #tpu.memory_space<semaphore_mem>>) {add = true}
        %sub3A_656 = arith.constant 2 : i32
        %sub3A_657 = arith.subi %add3A_638, %sub3A_656 : i32
        %dma_wait3A_658 = arith.constant 0 : i32
        %dma_wait3A_659 = tpu.memref_slice %arg13[%sub3A_657, %dma_wait3A_658] : memref<25x40xi32, #tpu.memory_space<vmem>> -> memref<1x40xi32, #tpu.memory_space<vmem>>
        %dma_wait3A_660 = tpu.memref_squeeze %dma_wait3A_659 : memref<1x40xi32, #tpu.memory_space<vmem>> -> memref<40xi32, #tpu.memory_space<vmem>>
        %dma_wait3A_661 = arith.constant 0 : i32
        %dma_wait3A_662 = arith.constant 0 : i32
        %dma_wait3A_663 = tpu.memref_slice %arg20[%dma_wait3A_661, %dma_wait3A_662] : memref<10000x128xf32, #tpu.memory_space<vmem_shared>> -> memref<10000x128xf32, #tpu.memory_space<vmem_shared>>
        tpu.wait_indirect_dma semaphore(%arg29 : memref<!tpu.dma_semaphore, #tpu.memory_space<semaphore_mem>>) src(%arg16 : memref<40x128xf32, #tpu.memory_space<vmem>>) dst(%dma_wait3A_663 : memref<10000x128xf32, #tpu.memory_space<vmem_shared>>)
        %dma_wait3A_664 = arith.constant 0 : i32
        %dma_wait3A_665 = tpu.memref_slice %arg13[%sub3A_657, %dma_wait3A_664] : memref<25x40xi32, #tpu.memory_space<vmem>> -> memref<1x40xi32, #tpu.memory_space<vmem>>
        %dma_wait3A_666 = tpu.memref_squeeze %dma_wait3A_665 : memref<1x40xi32, #tpu.memory_space<vmem>> -> memref<40xi32, #tpu.memory_space<vmem>>
        %dma_wait3A_667 = arith.constant 0 : i32
        %dma_wait3A_668 = tpu.memref_slice %arg21[%dma_wait3A_667] : memref<10000xf32, #tpu.memory_space<vmem_shared>> -> memref<10000xf32, #tpu.memory_space<vmem_shared>>
        tpu.wait_indirect_dma semaphore(%arg29 : memref<!tpu.dma_semaphore, #tpu.memory_space<semaphore_mem>>) src(%arg19 : memref<40xf32, #tpu.memory_space<vmem>>) dst(%dma_wait3A_668 : memref<10000xf32, #tpu.memory_space<vmem_shared>>)
        %add3A_669 = arith.constant 3 : i32
        %add3A_670 = arith.addi %add3A_638, %add3A_669 : i32
        %dma_start3A_671 = arith.constant 0 : i32
        %dma_start3A_672 = tpu.memref_slice %arg11[%add3A_670, %dma_start3A_671] : memref<25x40xi32, #tpu.memory_space<vmem>> -> memref<1x40xi32, #tpu.memory_space<vmem>>
        %dma_start3A_673 = tpu.memref_squeeze %dma_start3A_672 : memref<1x40xi32, #tpu.memory_space<vmem>> -> memref<40xi32, #tpu.memory_space<vmem>>
        %dma_start3A_674 = arith.constant 0 : i32
        %dma_start3A_675 = arith.constant 0 : i32
        %dma_start3A_676 = tpu.memref_slice %arg2[%dma_start3A_674, %dma_start3A_675] : memref<10000x128xf32, #tpu.memory_space<hbm>> -> memref<10000x128xf32, #tpu.memory_space<hbm>>
        tpu.enqueue_indirect_dma source(%dma_start3A_676 : memref<10000x128xf32, #tpu.memory_space<hbm>>) target(%arg16 : memref<40x128xf32, #tpu.memory_space<vmem>>) offsets(%dma_start3A_673 : memref<40xi32, #tpu.memory_space<vmem>>) semaphore(%arg24 : memref<!tpu.dma_semaphore, #tpu.memory_space<semaphore_mem>>)
        %mul3A_677 = arith.constant 5 : i32
        %mul3A_678 = arith.muli %scan3A_545, %mul3A_677 : i32
        %add3A_679 = arith.constant 2 : i32
        %add3A_680 = arith.addi %add3A_679, %mul3A_678 : i32
        %add3A_681 = arith.constant 3 : i32
        %add3A_682 = arith.addi %add3A_680, %add3A_681 : i32
        %dma_wait3A_683 = arith.constant 0 : i32
        %dma_wait3A_684 = tpu.memref_slice %arg11[%add3A_682, %dma_wait3A_683] : memref<25x40xi32, #tpu.memory_space<vmem>> -> memref<1x40xi32, #tpu.memory_space<vmem>>
        %dma_wait3A_685 = tpu.memref_squeeze %dma_wait3A_684 : memref<1x40xi32, #tpu.memory_space<vmem>> -> memref<40xi32, #tpu.memory_space<vmem>>
        %dma_wait3A_686 = arith.constant 0 : i32
        %dma_wait3A_687 = arith.constant 0 : i32
        %dma_wait3A_688 = tpu.memref_slice %arg2[%dma_wait3A_686, %dma_wait3A_687] : memref<10000x128xf32, #tpu.memory_space<hbm>> -> memref<10000x128xf32, #tpu.memory_space<hbm>>
        tpu.wait_indirect_dma semaphore(%arg22 : memref<!tpu.dma_semaphore, #tpu.memory_space<semaphore_mem>>) src(%dma_wait3A_688 : memref<10000x128xf32, #tpu.memory_space<hbm>>) dst(%arg14 : memref<40x128xf32, #tpu.memory_space<vmem>>)
        %dma_start3A_689 = arith.constant 0 : i32
        %dma_start3A_690 = tpu.memref_slice %arg13[%add3A_682, %dma_start3A_689] : memref<25x40xi32, #tpu.memory_space<vmem>> -> memref<1x40xi32, #tpu.memory_space<vmem>>
        %dma_start3A_691 = tpu.memref_squeeze %dma_start3A_690 : memref<1x40xi32, #tpu.memory_space<vmem>> -> memref<40xi32, #tpu.memory_space<vmem>>
        %dma_start3A_692 = arith.constant 0 : i32
        %dma_start3A_693 = arith.constant 0 : i32
        %dma_start3A_694 = tpu.memref_slice %arg20[%dma_start3A_692, %dma_start3A_693] : memref<10000x128xf32, #tpu.memory_space<vmem_shared>> -> memref<10000x128xf32, #tpu.memory_space<vmem_shared>>
        tpu.enqueue_indirect_dma source(%arg14 : memref<40x128xf32, #tpu.memory_space<vmem>>) target(%dma_start3A_694 : memref<10000x128xf32, #tpu.memory_space<vmem_shared>>) offsets(%dma_start3A_691 : memref<40xi32, #tpu.memory_space<vmem>>) semaphore(%arg27 : memref<!tpu.dma_semaphore, #tpu.memory_space<semaphore_mem>>) {add = true}
        %dma_start3A_695 = arith.constant 0 : i32
        %dma_start3A_696 = tpu.memref_slice %arg13[%add3A_682, %dma_start3A_695] : memref<25x40xi32, #tpu.memory_space<vmem>> -> memref<1x40xi32, #tpu.memory_space<vmem>>
        %dma_start3A_697 = tpu.memref_squeeze %dma_start3A_696 : memref<1x40xi32, #tpu.memory_space<vmem>> -> memref<40xi32, #tpu.memory_space<vmem>>
        %dma_start3A_698 = arith.constant 0 : i32
        %dma_start3A_699 = tpu.memref_slice %arg21[%dma_start3A_698] : memref<10000xf32, #tpu.memory_space<vmem_shared>> -> memref<10000xf32, #tpu.memory_space<vmem_shared>>
        tpu.enqueue_indirect_dma source(%arg19 : memref<40xf32, #tpu.memory_space<vmem>>) target(%dma_start3A_699 : memref<10000xf32, #tpu.memory_space<vmem_shared>>) offsets(%dma_start3A_697 : memref<40xi32, #tpu.memory_space<vmem>>) semaphore(%arg27 : memref<!tpu.dma_semaphore, #tpu.memory_space<semaphore_mem>>) {add = true}
        %sub3A_700 = arith.constant 2 : i32
        %sub3A_701 = arith.subi %add3A_682, %sub3A_700 : i32
        %dma_wait3A_702 = arith.constant 0 : i32
        %dma_wait3A_703 = tpu.memref_slice %arg13[%sub3A_701, %dma_wait3A_702] : memref<25x40xi32, #tpu.memory_space<vmem>> -> memref<1x40xi32, #tpu.memory_space<vmem>>
        %dma_wait3A_704 = tpu.memref_squeeze %dma_wait3A_703 : memref<1x40xi32, #tpu.memory_space<vmem>> -> memref<40xi32, #tpu.memory_space<vmem>>
        %dma_wait3A_705 = arith.constant 0 : i32
        %dma_wait3A_706 = arith.constant 0 : i32
        %dma_wait3A_707 = tpu.memref_slice %arg20[%dma_wait3A_705, %dma_wait3A_706] : memref<10000x128xf32, #tpu.memory_space<vmem_shared>> -> memref<10000x128xf32, #tpu.memory_space<vmem_shared>>
        tpu.wait_indirect_dma semaphore(%arg30 : memref<!tpu.dma_semaphore, #tpu.memory_space<semaphore_mem>>) src(%arg17 : memref<40x128xf32, #tpu.memory_space<vmem>>) dst(%dma_wait3A_707 : memref<10000x128xf32, #tpu.memory_space<vmem_shared>>)
        %dma_wait3A_708 = arith.constant 0 : i32
        %dma_wait3A_709 = tpu.memref_slice %arg13[%sub3A_701, %dma_wait3A_708] : memref<25x40xi32, #tpu.memory_space<vmem>> -> memref<1x40xi32, #tpu.memory_space<vmem>>
        %dma_wait3A_710 = tpu.memref_squeeze %dma_wait3A_709 : memref<1x40xi32, #tpu.memory_space<vmem>> -> memref<40xi32, #tpu.memory_space<vmem>>
        %dma_wait3A_711 = arith.constant 0 : i32
        %dma_wait3A_712 = tpu.memref_slice %arg21[%dma_wait3A_711] : memref<10000xf32, #tpu.memory_space<vmem_shared>> -> memref<10000xf32, #tpu.memory_space<vmem_shared>>
        tpu.wait_indirect_dma semaphore(%arg30 : memref<!tpu.dma_semaphore, #tpu.memory_space<semaphore_mem>>) src(%arg19 : memref<40xf32, #tpu.memory_space<vmem>>) dst(%dma_wait3A_712 : memref<10000xf32, #tpu.memory_space<vmem_shared>>)
        %add3A_713 = arith.constant 3 : i32
        %add3A_714 = arith.addi %add3A_682, %add3A_713 : i32
        %dma_start3A_715 = arith.constant 0 : i32
        %dma_start3A_716 = tpu.memref_slice %arg11[%add3A_714, %dma_start3A_715] : memref<25x40xi32, #tpu.memory_space<vmem>> -> memref<1x40xi32, #tpu.memory_space<vmem>>
        %dma_start3A_717 = tpu.memref_squeeze %dma_start3A_716 : memref<1x40xi32, #tpu.memory_space<vmem>> -> memref<40xi32, #tpu.memory_space<vmem>>
        %dma_start3A_718 = arith.constant 0 : i32
        %dma_start3A_719 = arith.constant 0 : i32
        %dma_start3A_720 = tpu.memref_slice %arg2[%dma_start3A_718, %dma_start3A_719] : memref<10000x128xf32, #tpu.memory_space<hbm>> -> memref<10000x128xf32, #tpu.memory_space<hbm>>
        tpu.enqueue_indirect_dma source(%dma_start3A_720 : memref<10000x128xf32, #tpu.memory_space<hbm>>) target(%arg17 : memref<40x128xf32, #tpu.memory_space<vmem>>) offsets(%dma_start3A_717 : memref<40xi32, #tpu.memory_space<vmem>>) semaphore(%arg25 : memref<!tpu.dma_semaphore, #tpu.memory_space<semaphore_mem>>)
        %mul3A_721 = arith.constant 5 : i32
        %mul3A_722 = arith.muli %scan3A_545, %mul3A_721 : i32
        %add3A_723 = arith.constant 2 : i32
        %add3A_724 = arith.addi %add3A_723, %mul3A_722 : i32
        %add3A_725 = arith.constant 4 : i32
        %add3A_726 = arith.addi %add3A_724, %add3A_725 : i32
        %dma_wait3A_727 = arith.constant 0 : i32
        %dma_wait3A_728 = tpu.memref_slice %arg11[%add3A_726, %dma_wait3A_727] : memref<25x40xi32, #tpu.memory_space<vmem>> -> memref<1x40xi32, #tpu.memory_space<vmem>>
        %dma_wait3A_729 = tpu.memref_squeeze %dma_wait3A_728 : memref<1x40xi32, #tpu.memory_space<vmem>> -> memref<40xi32, #tpu.memory_space<vmem>>
        %dma_wait3A_730 = arith.constant 0 : i32
        %dma_wait3A_731 = arith.constant 0 : i32
        %dma_wait3A_732 = tpu.memref_slice %arg2[%dma_wait3A_730, %dma_wait3A_731] : memref<10000x128xf32, #tpu.memory_space<hbm>> -> memref<10000x128xf32, #tpu.memory_space<hbm>>
        tpu.wait_indirect_dma semaphore(%arg23 : memref<!tpu.dma_semaphore, #tpu.memory_space<semaphore_mem>>) src(%dma_wait3A_732 : memref<10000x128xf32, #tpu.memory_space<hbm>>) dst(%arg15 : memref<40x128xf32, #tpu.memory_space<vmem>>)
        %dma_start3A_733 = arith.constant 0 : i32
        %dma_start3A_734 = tpu.memref_slice %arg13[%add3A_726, %dma_start3A_733] : memref<25x40xi32, #tpu.memory_space<vmem>> -> memref<1x40xi32, #tpu.memory_space<vmem>>
        %dma_start3A_735 = tpu.memref_squeeze %dma_start3A_734 : memref<1x40xi32, #tpu.memory_space<vmem>> -> memref<40xi32, #tpu.memory_space<vmem>>
        %dma_start3A_736 = arith.constant 0 : i32
        %dma_start3A_737 = arith.constant 0 : i32
        %dma_start3A_738 = tpu.memref_slice %arg20[%dma_start3A_736, %dma_start3A_737] : memref<10000x128xf32, #tpu.memory_space<vmem_shared>> -> memref<10000x128xf32, #tpu.memory_space<vmem_shared>>
        tpu.enqueue_indirect_dma source(%arg15 : memref<40x128xf32, #tpu.memory_space<vmem>>) target(%dma_start3A_738 : memref<10000x128xf32, #tpu.memory_space<vmem_shared>>) offsets(%dma_start3A_735 : memref<40xi32, #tpu.memory_space<vmem>>) semaphore(%arg28 : memref<!tpu.dma_semaphore, #tpu.memory_space<semaphore_mem>>) {add = true}
        %dma_start3A_739 = arith.constant 0 : i32
        %dma_start3A_740 = tpu.memref_slice %arg13[%add3A_726, %dma_start3A_739] : memref<25x40xi32, #tpu.memory_space<vmem>> -> memref<1x40xi32, #tpu.memory_space<vmem>>
        %dma_start3A_741 = tpu.memref_squeeze %dma_start3A_740 : memref<1x40xi32, #tpu.memory_space<vmem>> -> memref<40xi32, #tpu.memory_space<vmem>>
        %dma_start3A_742 = arith.constant 0 : i32
        %dma_start3A_743 = tpu.memref_slice %arg21[%dma_start3A_742] : memref<10000xf32, #tpu.memory_space<vmem_shared>> -> memref<10000xf32, #tpu.memory_space<vmem_shared>>
        tpu.enqueue_indirect_dma source(%arg19 : memref<40xf32, #tpu.memory_space<vmem>>) target(%dma_start3A_743 : memref<10000xf32, #tpu.memory_space<vmem_shared>>) offsets(%dma_start3A_741 : memref<40xi32, #tpu.memory_space<vmem>>) semaphore(%arg28 : memref<!tpu.dma_semaphore, #tpu.memory_space<semaphore_mem>>) {add = true}
        %sub3A_744 = arith.constant 2 : i32
        %sub3A_745 = arith.subi %add3A_726, %sub3A_744 : i32
        %dma_wait3A_746 = arith.constant 0 : i32
        %dma_wait3A_747 = tpu.memref_slice %arg13[%sub3A_745, %dma_wait3A_746] : memref<25x40xi32, #tpu.memory_space<vmem>> -> memref<1x40xi32, #tpu.memory_space<vmem>>
        %dma_wait3A_748 = tpu.memref_squeeze %dma_wait3A_747 : memref<1x40xi32, #tpu.memory_space<vmem>> -> memref<40xi32, #tpu.memory_space<vmem>>
        %dma_wait3A_749 = arith.constant 0 : i32
        %dma_wait3A_750 = arith.constant 0 : i32
        %dma_wait3A_751 = tpu.memref_slice %arg20[%dma_wait3A_749, %dma_wait3A_750] : memref<10000x128xf32, #tpu.memory_space<vmem_shared>> -> memref<10000x128xf32, #tpu.memory_space<vmem_shared>>
        tpu.wait_indirect_dma semaphore(%arg31 : memref<!tpu.dma_semaphore, #tpu.memory_space<semaphore_mem>>) src(%arg18 : memref<40x128xf32, #tpu.memory_space<vmem>>) dst(%dma_wait3A_751 : memref<10000x128xf32, #tpu.memory_space<vmem_shared>>)
        %dma_wait3A_752 = arith.constant 0 : i32
        %dma_wait3A_753 = tpu.memref_slice %arg13[%sub3A_745, %dma_wait3A_752] : memref<25x40xi32, #tpu.memory_space<vmem>> -> memref<1x40xi32, #tpu.memory_space<vmem>>
        %dma_wait3A_754 = tpu.memref_squeeze %dma_wait3A_753 : memref<1x40xi32, #tpu.memory_space<vmem>> -> memref<40xi32, #tpu.memory_space<vmem>>
        %dma_wait3A_755 = arith.constant 0 : i32
        %dma_wait3A_756 = tpu.memref_slice %arg21[%dma_wait3A_755] : memref<10000xf32, #tpu.memory_space<vmem_shared>> -> memref<10000xf32, #tpu.memory_space<vmem_shared>>
        tpu.wait_indirect_dma semaphore(%arg31 : memref<!tpu.dma_semaphore, #tpu.memory_space<semaphore_mem>>) src(%arg19 : memref<40xf32, #tpu.memory_space<vmem>>) dst(%dma_wait3A_756 : memref<10000xf32, #tpu.memory_space<vmem_shared>>)
        %add3A_757 = arith.constant 3 : i32
        %add3A_758 = arith.addi %add3A_726, %add3A_757 : i32
        %dma_start3A_759 = arith.constant 0 : i32
        %dma_start3A_760 = tpu.memref_slice %arg11[%add3A_758, %dma_start3A_759] : memref<25x40xi32, #tpu.memory_space<vmem>> -> memref<1x40xi32, #tpu.memory_space<vmem>>
        %dma_start3A_761 = tpu.memref_squeeze %dma_start3A_760 : memref<1x40xi32, #tpu.memory_space<vmem>> -> memref<40xi32, #tpu.memory_space<vmem>>
        %dma_start3A_762 = arith.constant 0 : i32
        %dma_start3A_763 = arith.constant 0 : i32
        %dma_start3A_764 = tpu.memref_slice %arg2[%dma_start3A_762, %dma_start3A_763] : memref<10000x128xf32, #tpu.memory_space<hbm>> -> memref<10000x128xf32, #tpu.memory_space<hbm>>
        tpu.enqueue_indirect_dma source(%dma_start3A_764 : memref<10000x128xf32, #tpu.memory_space<hbm>>) target(%arg18 : memref<40x128xf32, #tpu.memory_space<vmem>>) offsets(%dma_start3A_761 : memref<40xi32, #tpu.memory_space<vmem>>) semaphore(%arg26 : memref<!tpu.dma_semaphore, #tpu.memory_space<semaphore_mem>>)
      }
      %scan3A_425 = arith.constant 4 : i32
      %lt3A_426 = arith.constant 4 : i32
      %lt3A_427 = arith.cmpi slt, %scan3A_115, %lt3A_426 : i32
      %convert_element_type3A_428 = arith.extui %lt3A_427 : i1 to i32
      %cond3A_429 = arith.constant 0 : i32
      %cond3A_430 = arith.cmpi ne, %convert_element_type3A_428, %cond3A_429 : i32
      scf.if %cond3A_430 {
        %add3A_545 = arith.constant 1 : i32
        %add3A_546 = arith.addi %add3A_335, %add3A_545 : i32
        %dma_wait3A_547 = arith.constant 0 : i32
        %dma_wait3A_548 = arith.constant 0 : i32
        %dma_wait3A_549 = tpu.memref_slice %arg3[%add3A, %add3A_546, %dma_wait3A_547, %dma_wait3A_548] : memref<32x10x25x40xi32, #tpu.memory_space<hbm>> -> memref<1x1x25x40xi32, #tpu.memory_space<hbm>>
        %dma_wait3A_550 = tpu.memref_squeeze %dma_wait3A_549 : memref<1x1x25x40xi32, #tpu.memory_space<hbm>> -> memref<25x40xi32, #tpu.memory_space<hbm>>
        %dma_wait3A_551 = arith.constant 0 : i32
        %dma_wait3A_552 = arith.constant 0 : i32
        %dma_wait3A_553 = tpu.memref_slice %arg3[%add3A, %add3A_546, %dma_wait3A_551, %dma_wait3A_552] : memref<32x10x25x40xi32, #tpu.memory_space<hbm>> -> memref<1x1x25x40xi32, #tpu.memory_space<hbm>>
        %dma_wait3A_554 = tpu.memref_squeeze %dma_wait3A_553 : memref<1x1x25x40xi32, #tpu.memory_space<hbm>> -> memref<25x40xi32, #tpu.memory_space<hbm>>
        tpu.wait_dma2 semaphore(%arg32 : memref<!tpu.dma_semaphore, #tpu.memory_space<semaphore_mem>>) src(%dma_wait3A_554 : memref<25x40xi32, #tpu.memory_space<hbm>>) dst(%arg10 : memref<25x40xi32, #tpu.memory_space<vmem>>)
        %dma_wait3A_555 = arith.constant 0 : i32
        %dma_wait3A_556 = arith.constant 0 : i32
        %dma_wait3A_557 = tpu.memref_slice %arg4[%add3A, %add3A_546, %dma_wait3A_555, %dma_wait3A_556] : memref<32x10x25x40xi32, #tpu.memory_space<hbm>> -> memref<1x1x25x40xi32, #tpu.memory_space<hbm>>
        %dma_wait3A_558 = tpu.memref_squeeze %dma_wait3A_557 : memref<1x1x25x40xi32, #tpu.memory_space<hbm>> -> memref<25x40xi32, #tpu.memory_space<hbm>>
        %dma_wait3A_559 = arith.constant 0 : i32
        %dma_wait3A_560 = arith.constant 0 : i32
        %dma_wait3A_561 = tpu.memref_slice %arg4[%add3A, %add3A_546, %dma_wait3A_559, %dma_wait3A_560] : memref<32x10x25x40xi32, #tpu.memory_space<hbm>> -> memref<1x1x25x40xi32, #tpu.memory_space<hbm>>
        %dma_wait3A_562 = tpu.memref_squeeze %dma_wait3A_561 : memref<1x1x25x40xi32, #tpu.memory_space<hbm>> -> memref<25x40xi32, #tpu.memory_space<hbm>>
        tpu.wait_dma2 semaphore(%arg32 : memref<!tpu.dma_semaphore, #tpu.memory_space<semaphore_mem>>) src(%dma_wait3A_562 : memref<25x40xi32, #tpu.memory_space<hbm>>) dst(%arg12 : memref<25x40xi32, #tpu.memory_space<vmem>>)
      } else {
      }
      %dma_wait3A_431 = arith.constant 22 : i32
      %dma_wait3A_432 = arith.constant 0 : i32
      %dma_wait3A_433 = tpu.memref_slice %arg11[%dma_wait3A_431, %dma_wait3A_432] : memref<25x40xi32, #tpu.memory_space<vmem>> -> memref<1x40xi32, #tpu.memory_space<vmem>>
      %dma_wait3A_434 = tpu.memref_squeeze %dma_wait3A_433 : memref<1x40xi32, #tpu.memory_space<vmem>> -> memref<40xi32, #tpu.memory_space<vmem>>
      %dma_wait3A_435 = arith.constant 0 : i32
      %dma_wait3A_436 = arith.constant 0 : i32
      %dma_wait3A_437 = tpu.memref_slice %arg2[%dma_wait3A_435, %dma_wait3A_436] : memref<10000x128xf32, #tpu.memory_space<hbm>> -> memref<10000x128xf32, #tpu.memory_space<hbm>>
      tpu.wait_indirect_dma semaphore(%arg24 : memref<!tpu.dma_semaphore, #tpu.memory_space<semaphore_mem>>) src(%dma_wait3A_437 : memref<10000x128xf32, #tpu.memory_space<hbm>>) dst(%arg16 : memref<40x128xf32, #tpu.memory_space<vmem>>)
      %dma_start3A_438 = arith.constant 22 : i32
      %dma_start3A_439 = arith.constant 0 : i32
      %dma_start3A_440 = tpu.memref_slice %arg13[%dma_start3A_438, %dma_start3A_439] : memref<25x40xi32, #tpu.memory_space<vmem>> -> memref<1x40xi32, #tpu.memory_space<vmem>>
      %dma_start3A_441 = tpu.memref_squeeze %dma_start3A_440 : memref<1x40xi32, #tpu.memory_space<vmem>> -> memref<40xi32, #tpu.memory_space<vmem>>
      %dma_start3A_442 = arith.constant 0 : i32
      %dma_start3A_443 = arith.constant 0 : i32
      %dma_start3A_444 = tpu.memref_slice %arg20[%dma_start3A_442, %dma_start3A_443] : memref<10000x128xf32, #tpu.memory_space<vmem_shared>> -> memref<10000x128xf32, #tpu.memory_space<vmem_shared>>
      tpu.enqueue_indirect_dma source(%arg16 : memref<40x128xf32, #tpu.memory_space<vmem>>) target(%dma_start3A_444 : memref<10000x128xf32, #tpu.memory_space<vmem_shared>>) offsets(%dma_start3A_441 : memref<40xi32, #tpu.memory_space<vmem>>) semaphore(%arg29 : memref<!tpu.dma_semaphore, #tpu.memory_space<semaphore_mem>>) {add = true}
      %dma_start3A_445 = arith.constant 22 : i32
      %dma_start3A_446 = arith.constant 0 : i32
      %dma_start3A_447 = tpu.memref_slice %arg13[%dma_start3A_445, %dma_start3A_446] : memref<25x40xi32, #tpu.memory_space<vmem>> -> memref<1x40xi32, #tpu.memory_space<vmem>>
      %dma_start3A_448 = tpu.memref_squeeze %dma_start3A_447 : memref<1x40xi32, #tpu.memory_space<vmem>> -> memref<40xi32, #tpu.memory_space<vmem>>
      %dma_start3A_449 = arith.constant 0 : i32
      %dma_start3A_450 = tpu.memref_slice %arg21[%dma_start3A_449] : memref<10000xf32, #tpu.memory_space<vmem_shared>> -> memref<10000xf32, #tpu.memory_space<vmem_shared>>
      tpu.enqueue_indirect_dma source(%arg19 : memref<40xf32, #tpu.memory_space<vmem>>) target(%dma_start3A_450 : memref<10000xf32, #tpu.memory_space<vmem_shared>>) offsets(%dma_start3A_448 : memref<40xi32, #tpu.memory_space<vmem>>) semaphore(%arg29 : memref<!tpu.dma_semaphore, #tpu.memory_space<semaphore_mem>>) {add = true}
      %dma_wait3A_451 = arith.constant 20 : i32
      %dma_wait3A_452 = arith.constant 0 : i32
      %dma_wait3A_453 = tpu.memref_slice %arg13[%dma_wait3A_451, %dma_wait3A_452] : memref<25x40xi32, #tpu.memory_space<vmem>> -> memref<1x40xi32, #tpu.memory_space<vmem>>
      %dma_wait3A_454 = tpu.memref_squeeze %dma_wait3A_453 : memref<1x40xi32, #tpu.memory_space<vmem>> -> memref<40xi32, #tpu.memory_space<vmem>>
      %dma_wait3A_455 = arith.constant 0 : i32
      %dma_wait3A_456 = arith.constant 0 : i32
      %dma_wait3A_457 = tpu.memref_slice %arg20[%dma_wait3A_455, %dma_wait3A_456] : memref<10000x128xf32, #tpu.memory_space<vmem_shared>> -> memref<10000x128xf32, #tpu.memory_space<vmem_shared>>
      tpu.wait_indirect_dma semaphore(%arg27 : memref<!tpu.dma_semaphore, #tpu.memory_space<semaphore_mem>>) src(%arg14 : memref<40x128xf32, #tpu.memory_space<vmem>>) dst(%dma_wait3A_457 : memref<10000x128xf32, #tpu.memory_space<vmem_shared>>)
      %dma_wait3A_458 = arith.constant 20 : i32
      %dma_wait3A_459 = arith.constant 0 : i32
      %dma_wait3A_460 = tpu.memref_slice %arg13[%dma_wait3A_458, %dma_wait3A_459] : memref<25x40xi32, #tpu.memory_space<vmem>> -> memref<1x40xi32, #tpu.memory_space<vmem>>
      %dma_wait3A_461 = tpu.memref_squeeze %dma_wait3A_460 : memref<1x40xi32, #tpu.memory_space<vmem>> -> memref<40xi32, #tpu.memory_space<vmem>>
      %dma_wait3A_462 = arith.constant 0 : i32
      %dma_wait3A_463 = tpu.memref_slice %arg21[%dma_wait3A_462] : memref<10000xf32, #tpu.memory_space<vmem_shared>> -> memref<10000xf32, #tpu.memory_space<vmem_shared>>
      tpu.wait_indirect_dma semaphore(%arg27 : memref<!tpu.dma_semaphore, #tpu.memory_space<semaphore_mem>>) src(%arg19 : memref<40xf32, #tpu.memory_space<vmem>>) dst(%dma_wait3A_463 : memref<10000xf32, #tpu.memory_space<vmem_shared>>)
      %lt3A_464 = arith.constant 4 : i32
      %lt3A_465 = arith.cmpi slt, %scan3A_115, %lt3A_464 : i32
      %convert_element_type3A_466 = arith.extui %lt3A_465 : i1 to i32
      %cond3A_467 = arith.constant 0 : i32
      %cond3A_468 = arith.cmpi ne, %convert_element_type3A_466, %cond3A_467 : i32
      scf.if %cond3A_468 {
        %dma_start3A_545 = arith.constant 0 : i32
        %dma_start3A_546 = arith.constant 0 : i32
        %dma_start3A_547 = tpu.memref_slice %arg10[%dma_start3A_545, %dma_start3A_546] : memref<25x40xi32, #tpu.memory_space<vmem>> -> memref<1x40xi32, #tpu.memory_space<vmem>>
        %dma_start3A_548 = tpu.memref_squeeze %dma_start3A_547 : memref<1x40xi32, #tpu.memory_space<vmem>> -> memref<40xi32, #tpu.memory_space<vmem>>
        %dma_start3A_549 = arith.constant 0 : i32
        %dma_start3A_550 = arith.constant 0 : i32
        %dma_start3A_551 = tpu.memref_slice %arg2[%dma_start3A_549, %dma_start3A_550] : memref<10000x128xf32, #tpu.memory_space<hbm>> -> memref<10000x128xf32, #tpu.memory_space<hbm>>
        tpu.enqueue_indirect_dma source(%dma_start3A_551 : memref<10000x128xf32, #tpu.memory_space<hbm>>) target(%arg14 : memref<40x128xf32, #tpu.memory_space<vmem>>) offsets(%dma_start3A_548 : memref<40xi32, #tpu.memory_space<vmem>>) semaphore(%arg22 : memref<!tpu.dma_semaphore, #tpu.memory_space<semaphore_mem>>)
      } else {
      }
      %dma_wait3A_469 = arith.constant 23 : i32
      %dma_wait3A_470 = arith.constant 0 : i32
      %dma_wait3A_471 = tpu.memref_slice %arg11[%dma_wait3A_469, %dma_wait3A_470] : memref<25x40xi32, #tpu.memory_space<vmem>> -> memref<1x40xi32, #tpu.memory_space<vmem>>
      %dma_wait3A_472 = tpu.memref_squeeze %dma_wait3A_471 : memref<1x40xi32, #tpu.memory_space<vmem>> -> memref<40xi32, #tpu.memory_space<vmem>>
      %dma_wait3A_473 = arith.constant 0 : i32
      %dma_wait3A_474 = arith.constant 0 : i32
      %dma_wait3A_475 = tpu.memref_slice %arg2[%dma_wait3A_473, %dma_wait3A_474] : memref<10000x128xf32, #tpu.memory_space<hbm>> -> memref<10000x128xf32, #tpu.memory_space<hbm>>
      tpu.wait_indirect_dma semaphore(%arg25 : memref<!tpu.dma_semaphore, #tpu.memory_space<semaphore_mem>>) src(%dma_wait3A_475 : memref<10000x128xf32, #tpu.memory_space<hbm>>) dst(%arg17 : memref<40x128xf32, #tpu.memory_space<vmem>>)
      %dma_start3A_476 = arith.constant 23 : i32
      %dma_start3A_477 = arith.constant 0 : i32
      %dma_start3A_478 = tpu.memref_slice %arg13[%dma_start3A_476, %dma_start3A_477] : memref<25x40xi32, #tpu.memory_space<vmem>> -> memref<1x40xi32, #tpu.memory_space<vmem>>
      %dma_start3A_479 = tpu.memref_squeeze %dma_start3A_478 : memref<1x40xi32, #tpu.memory_space<vmem>> -> memref<40xi32, #tpu.memory_space<vmem>>
      %dma_start3A_480 = arith.constant 0 : i32
      %dma_start3A_481 = arith.constant 0 : i32
      %dma_start3A_482 = tpu.memref_slice %arg20[%dma_start3A_480, %dma_start3A_481] : memref<10000x128xf32, #tpu.memory_space<vmem_shared>> -> memref<10000x128xf32, #tpu.memory_space<vmem_shared>>
      tpu.enqueue_indirect_dma source(%arg17 : memref<40x128xf32, #tpu.memory_space<vmem>>) target(%dma_start3A_482 : memref<10000x128xf32, #tpu.memory_space<vmem_shared>>) offsets(%dma_start3A_479 : memref<40xi32, #tpu.memory_space<vmem>>) semaphore(%arg30 : memref<!tpu.dma_semaphore, #tpu.memory_space<semaphore_mem>>) {add = true}
      %dma_start3A_483 = arith.constant 23 : i32
      %dma_start3A_484 = arith.constant 0 : i32
      %dma_start3A_485 = tpu.memref_slice %arg13[%dma_start3A_483, %dma_start3A_484] : memref<25x40xi32, #tpu.memory_space<vmem>> -> memref<1x40xi32, #tpu.memory_space<vmem>>
      %dma_start3A_486 = tpu.memref_squeeze %dma_start3A_485 : memref<1x40xi32, #tpu.memory_space<vmem>> -> memref<40xi32, #tpu.memory_space<vmem>>
      %dma_start3A_487 = arith.constant 0 : i32
      %dma_start3A_488 = tpu.memref_slice %arg21[%dma_start3A_487] : memref<10000xf32, #tpu.memory_space<vmem_shared>> -> memref<10000xf32, #tpu.memory_space<vmem_shared>>
      tpu.enqueue_indirect_dma source(%arg19 : memref<40xf32, #tpu.memory_space<vmem>>) target(%dma_start3A_488 : memref<10000xf32, #tpu.memory_space<vmem_shared>>) offsets(%dma_start3A_486 : memref<40xi32, #tpu.memory_space<vmem>>) semaphore(%arg30 : memref<!tpu.dma_semaphore, #tpu.memory_space<semaphore_mem>>) {add = true}
      %dma_wait3A_489 = arith.constant 21 : i32
      %dma_wait3A_490 = arith.constant 0 : i32
      %dma_wait3A_491 = tpu.memref_slice %arg13[%dma_wait3A_489, %dma_wait3A_490] : memref<25x40xi32, #tpu.memory_space<vmem>> -> memref<1x40xi32, #tpu.memory_space<vmem>>
      %dma_wait3A_492 = tpu.memref_squeeze %dma_wait3A_491 : memref<1x40xi32, #tpu.memory_space<vmem>> -> memref<40xi32, #tpu.memory_space<vmem>>
      %dma_wait3A_493 = arith.constant 0 : i32
      %dma_wait3A_494 = arith.constant 0 : i32
      %dma_wait3A_495 = tpu.memref_slice %arg20[%dma_wait3A_493, %dma_wait3A_494] : memref<10000x128xf32, #tpu.memory_space<vmem_shared>> -> memref<10000x128xf32, #tpu.memory_space<vmem_shared>>
      tpu.wait_indirect_dma semaphore(%arg28 : memref<!tpu.dma_semaphore, #tpu.memory_space<semaphore_mem>>) src(%arg15 : memref<40x128xf32, #tpu.memory_space<vmem>>) dst(%dma_wait3A_495 : memref<10000x128xf32, #tpu.memory_space<vmem_shared>>)
      %dma_wait3A_496 = arith.constant 21 : i32
      %dma_wait3A_497 = arith.constant 0 : i32
      %dma_wait3A_498 = tpu.memref_slice %arg13[%dma_wait3A_496, %dma_wait3A_497] : memref<25x40xi32, #tpu.memory_space<vmem>> -> memref<1x40xi32, #tpu.memory_space<vmem>>
      %dma_wait3A_499 = tpu.memref_squeeze %dma_wait3A_498 : memref<1x40xi32, #tpu.memory_space<vmem>> -> memref<40xi32, #tpu.memory_space<vmem>>
      %dma_wait3A_500 = arith.constant 0 : i32
      %dma_wait3A_501 = tpu.memref_slice %arg21[%dma_wait3A_500] : memref<10000xf32, #tpu.memory_space<vmem_shared>> -> memref<10000xf32, #tpu.memory_space<vmem_shared>>
      tpu.wait_indirect_dma semaphore(%arg28 : memref<!tpu.dma_semaphore, #tpu.memory_space<semaphore_mem>>) src(%arg19 : memref<40xf32, #tpu.memory_space<vmem>>) dst(%dma_wait3A_501 : memref<10000xf32, #tpu.memory_space<vmem_shared>>)
      %lt3A_502 = arith.constant 4 : i32
      %lt3A_503 = arith.cmpi slt, %scan3A_115, %lt3A_502 : i32
      %convert_element_type3A_504 = arith.extui %lt3A_503 : i1 to i32
      %cond3A_505 = arith.constant 0 : i32
      %cond3A_506 = arith.cmpi ne, %convert_element_type3A_504, %cond3A_505 : i32
      scf.if %cond3A_506 {
        %dma_start3A_545 = arith.constant 1 : i32
        %dma_start3A_546 = arith.constant 0 : i32
        %dma_start3A_547 = tpu.memref_slice %arg10[%dma_start3A_545, %dma_start3A_546] : memref<25x40xi32, #tpu.memory_space<vmem>> -> memref<1x40xi32, #tpu.memory_space<vmem>>
        %dma_start3A_548 = tpu.memref_squeeze %dma_start3A_547 : memref<1x40xi32, #tpu.memory_space<vmem>> -> memref<40xi32, #tpu.memory_space<vmem>>
        %dma_start3A_549 = arith.constant 0 : i32
        %dma_start3A_550 = arith.constant 0 : i32
        %dma_start3A_551 = tpu.memref_slice %arg2[%dma_start3A_549, %dma_start3A_550] : memref<10000x128xf32, #tpu.memory_space<hbm>> -> memref<10000x128xf32, #tpu.memory_space<hbm>>
        tpu.enqueue_indirect_dma source(%dma_start3A_551 : memref<10000x128xf32, #tpu.memory_space<hbm>>) target(%arg15 : memref<40x128xf32, #tpu.memory_space<vmem>>) offsets(%dma_start3A_548 : memref<40xi32, #tpu.memory_space<vmem>>) semaphore(%arg23 : memref<!tpu.dma_semaphore, #tpu.memory_space<semaphore_mem>>)
      } else {
      }
      %dma_wait3A_507 = arith.constant 24 : i32
      %dma_wait3A_508 = arith.constant 0 : i32
      %dma_wait3A_509 = tpu.memref_slice %arg11[%dma_wait3A_507, %dma_wait3A_508] : memref<25x40xi32, #tpu.memory_space<vmem>> -> memref<1x40xi32, #tpu.memory_space<vmem>>
      %dma_wait3A_510 = tpu.memref_squeeze %dma_wait3A_509 : memref<1x40xi32, #tpu.memory_space<vmem>> -> memref<40xi32, #tpu.memory_space<vmem>>
      %dma_wait3A_511 = arith.constant 0 : i32
      %dma_wait3A_512 = arith.constant 0 : i32
      %dma_wait3A_513 = tpu.memref_slice %arg2[%dma_wait3A_511, %dma_wait3A_512] : memref<10000x128xf32, #tpu.memory_space<hbm>> -> memref<10000x128xf32, #tpu.memory_space<hbm>>
      tpu.wait_indirect_dma semaphore(%arg26 : memref<!tpu.dma_semaphore, #tpu.memory_space<semaphore_mem>>) src(%dma_wait3A_513 : memref<10000x128xf32, #tpu.memory_space<hbm>>) dst(%arg18 : memref<40x128xf32, #tpu.memory_space<vmem>>)
      %dma_start3A_514 = arith.constant 24 : i32
      %dma_start3A_515 = arith.constant 0 : i32
      %dma_start3A_516 = tpu.memref_slice %arg13[%dma_start3A_514, %dma_start3A_515] : memref<25x40xi32, #tpu.memory_space<vmem>> -> memref<1x40xi32, #tpu.memory_space<vmem>>
      %dma_start3A_517 = tpu.memref_squeeze %dma_start3A_516 : memref<1x40xi32, #tpu.memory_space<vmem>> -> memref<40xi32, #tpu.memory_space<vmem>>
      %dma_start3A_518 = arith.constant 0 : i32
      %dma_start3A_519 = arith.constant 0 : i32
      %dma_start3A_520 = tpu.memref_slice %arg20[%dma_start3A_518, %dma_start3A_519] : memref<10000x128xf32, #tpu.memory_space<vmem_shared>> -> memref<10000x128xf32, #tpu.memory_space<vmem_shared>>
      tpu.enqueue_indirect_dma source(%arg18 : memref<40x128xf32, #tpu.memory_space<vmem>>) target(%dma_start3A_520 : memref<10000x128xf32, #tpu.memory_space<vmem_shared>>) offsets(%dma_start3A_517 : memref<40xi32, #tpu.memory_space<vmem>>) semaphore(%arg31 : memref<!tpu.dma_semaphore, #tpu.memory_space<semaphore_mem>>) {add = true}
      %dma_start3A_521 = arith.constant 24 : i32
      %dma_start3A_522 = arith.constant 0 : i32
      %dma_start3A_523 = tpu.memref_slice %arg13[%dma_start3A_521, %dma_start3A_522] : memref<25x40xi32, #tpu.memory_space<vmem>> -> memref<1x40xi32, #tpu.memory_space<vmem>>
      %dma_start3A_524 = tpu.memref_squeeze %dma_start3A_523 : memref<1x40xi32, #tpu.memory_space<vmem>> -> memref<40xi32, #tpu.memory_space<vmem>>
      %dma_start3A_525 = arith.constant 0 : i32
      %dma_start3A_526 = tpu.memref_slice %arg21[%dma_start3A_525] : memref<10000xf32, #tpu.memory_space<vmem_shared>> -> memref<10000xf32, #tpu.memory_space<vmem_shared>>
      tpu.enqueue_indirect_dma source(%arg19 : memref<40xf32, #tpu.memory_space<vmem>>) target(%dma_start3A_526 : memref<10000xf32, #tpu.memory_space<vmem_shared>>) offsets(%dma_start3A_524 : memref<40xi32, #tpu.memory_space<vmem>>) semaphore(%arg31 : memref<!tpu.dma_semaphore, #tpu.memory_space<semaphore_mem>>) {add = true}
      %dma_wait3A_527 = arith.constant 22 : i32
      %dma_wait3A_528 = arith.constant 0 : i32
      %dma_wait3A_529 = tpu.memref_slice %arg13[%dma_wait3A_527, %dma_wait3A_528] : memref<25x40xi32, #tpu.memory_space<vmem>> -> memref<1x40xi32, #tpu.memory_space<vmem>>
      %dma_wait3A_530 = tpu.memref_squeeze %dma_wait3A_529 : memref<1x40xi32, #tpu.memory_space<vmem>> -> memref<40xi32, #tpu.memory_space<vmem>>
      %dma_wait3A_531 = arith.constant 0 : i32
      %dma_wait3A_532 = arith.constant 0 : i32
      %dma_wait3A_533 = tpu.memref_slice %arg20[%dma_wait3A_531, %dma_wait3A_532] : memref<10000x128xf32, #tpu.memory_space<vmem_shared>> -> memref<10000x128xf32, #tpu.memory_space<vmem_shared>>
      tpu.wait_indirect_dma semaphore(%arg29 : memref<!tpu.dma_semaphore, #tpu.memory_space<semaphore_mem>>) src(%arg16 : memref<40x128xf32, #tpu.memory_space<vmem>>) dst(%dma_wait3A_533 : memref<10000x128xf32, #tpu.memory_space<vmem_shared>>)
      %dma_wait3A_534 = arith.constant 22 : i32
      %dma_wait3A_535 = arith.constant 0 : i32
      %dma_wait3A_536 = tpu.memref_slice %arg13[%dma_wait3A_534, %dma_wait3A_535] : memref<25x40xi32, #tpu.memory_space<vmem>> -> memref<1x40xi32, #tpu.memory_space<vmem>>
      %dma_wait3A_537 = tpu.memref_squeeze %dma_wait3A_536 : memref<1x40xi32, #tpu.memory_space<vmem>> -> memref<40xi32, #tpu.memory_space<vmem>>
      %dma_wait3A_538 = arith.constant 0 : i32
      %dma_wait3A_539 = tpu.memref_slice %arg21[%dma_wait3A_538] : memref<10000xf32, #tpu.memory_space<vmem_shared>> -> memref<10000xf32, #tpu.memory_space<vmem_shared>>
      tpu.wait_indirect_dma semaphore(%arg29 : memref<!tpu.dma_semaphore, #tpu.memory_space<semaphore_mem>>) src(%arg19 : memref<40xf32, #tpu.memory_space<vmem>>) dst(%dma_wait3A_539 : memref<10000xf32, #tpu.memory_space<vmem_shared>>)
      %lt3A_540 = arith.constant 4 : i32
      %lt3A_541 = arith.cmpi slt, %scan3A_115, %lt3A_540 : i32
      %convert_element_type3A_542 = arith.extui %lt3A_541 : i1 to i32
      %cond3A_543 = arith.constant 0 : i32
      %cond3A_544 = arith.cmpi ne, %convert_element_type3A_542, %cond3A_543 : i32
      scf.if %cond3A_544 {
        %dma_start3A_545 = arith.constant 2 : i32
        %dma_start3A_546 = arith.constant 0 : i32
        %dma_start3A_547 = tpu.memref_slice %arg10[%dma_start3A_545, %dma_start3A_546] : memref<25x40xi32, #tpu.memory_space<vmem>> -> memref<1x40xi32, #tpu.memory_space<vmem>>
        %dma_start3A_548 = tpu.memref_squeeze %dma_start3A_547 : memref<1x40xi32, #tpu.memory_space<vmem>> -> memref<40xi32, #tpu.memory_space<vmem>>
        %dma_start3A_549 = arith.constant 0 : i32
        %dma_start3A_550 = arith.constant 0 : i32
        %dma_start3A_551 = tpu.memref_slice %arg2[%dma_start3A_549, %dma_start3A_550] : memref<10000x128xf32, #tpu.memory_space<hbm>> -> memref<10000x128xf32, #tpu.memory_space<hbm>>
        tpu.enqueue_indirect_dma source(%dma_start3A_551 : memref<10000x128xf32, #tpu.memory_space<hbm>>) target(%arg16 : memref<40x128xf32, #tpu.memory_space<vmem>>) offsets(%dma_start3A_548 : memref<40xi32, #tpu.memory_space<vmem>>) semaphore(%arg24 : memref<!tpu.dma_semaphore, #tpu.memory_space<semaphore_mem>>)
      } else {
      }
    }
    %scan3A_82 = arith.constant 5 : i32
    %dma_wait3A_83 = arith.constant 23 : i32
    %dma_wait3A_84 = arith.constant 0 : i32
    %dma_wait3A_85 = tpu.memref_slice %arg13[%dma_wait3A_83, %dma_wait3A_84] : memref<25x40xi32, #tpu.memory_space<vmem>> -> memref<1x40xi32, #tpu.memory_space<vmem>>
    %dma_wait3A_86 = tpu.memref_squeeze %dma_wait3A_85 : memref<1x40xi32, #tpu.memory_space<vmem>> -> memref<40xi32, #tpu.memory_space<vmem>>
    %dma_wait3A_87 = arith.constant 0 : i32
    %dma_wait3A_88 = arith.constant 0 : i32
    %dma_wait3A_89 = tpu.memref_slice %arg20[%dma_wait3A_87, %dma_wait3A_88] : memref<10000x128xf32, #tpu.memory_space<vmem_shared>> -> memref<10000x128xf32, #tpu.memory_space<vmem_shared>>
    tpu.wait_indirect_dma semaphore(%arg30 : memref<!tpu.dma_semaphore, #tpu.memory_space<semaphore_mem>>) src(%arg17 : memref<40x128xf32, #tpu.memory_space<vmem>>) dst(%dma_wait3A_89 : memref<10000x128xf32, #tpu.memory_space<vmem_shared>>)
    %dma_wait3A_90 = arith.constant 23 : i32
    %dma_wait3A_91 = arith.constant 0 : i32
    %dma_wait3A_92 = tpu.memref_slice %arg13[%dma_wait3A_90, %dma_wait3A_91] : memref<25x40xi32, #tpu.memory_space<vmem>> -> memref<1x40xi32, #tpu.memory_space<vmem>>
    %dma_wait3A_93 = tpu.memref_squeeze %dma_wait3A_92 : memref<1x40xi32, #tpu.memory_space<vmem>> -> memref<40xi32, #tpu.memory_space<vmem>>
    %dma_wait3A_94 = arith.constant 0 : i32
    %dma_wait3A_95 = tpu.memref_slice %arg21[%dma_wait3A_94] : memref<10000xf32, #tpu.memory_space<vmem_shared>> -> memref<10000xf32, #tpu.memory_space<vmem_shared>>
    tpu.wait_indirect_dma semaphore(%arg30 : memref<!tpu.dma_semaphore, #tpu.memory_space<semaphore_mem>>) src(%arg19 : memref<40xf32, #tpu.memory_space<vmem>>) dst(%dma_wait3A_95 : memref<10000xf32, #tpu.memory_space<vmem_shared>>)
    %dma_wait3A_96 = arith.constant 24 : i32
    %dma_wait3A_97 = arith.constant 0 : i32
    %dma_wait3A_98 = tpu.memref_slice %arg13[%dma_wait3A_96, %dma_wait3A_97] : memref<25x40xi32, #tpu.memory_space<vmem>> -> memref<1x40xi32, #tpu.memory_space<vmem>>
    %dma_wait3A_99 = tpu.memref_squeeze %dma_wait3A_98 : memref<1x40xi32, #tpu.memory_space<vmem>> -> memref<40xi32, #tpu.memory_space<vmem>>
    %dma_wait3A_100 = arith.constant 0 : i32
    %dma_wait3A_101 = arith.constant 0 : i32
    %dma_wait3A_102 = tpu.memref_slice %arg20[%dma_wait3A_100, %dma_wait3A_101] : memref<10000x128xf32, #tpu.memory_space<vmem_shared>> -> memref<10000x128xf32, #tpu.memory_space<vmem_shared>>
    tpu.wait_indirect_dma semaphore(%arg31 : memref<!tpu.dma_semaphore, #tpu.memory_space<semaphore_mem>>) src(%arg18 : memref<40x128xf32, #tpu.memory_space<vmem>>) dst(%dma_wait3A_102 : memref<10000x128xf32, #tpu.memory_space<vmem_shared>>)
    %dma_wait3A_103 = arith.constant 24 : i32
    %dma_wait3A_104 = arith.constant 0 : i32
    %dma_wait3A_105 = tpu.memref_slice %arg13[%dma_wait3A_103, %dma_wait3A_104] : memref<25x40xi32, #tpu.memory_space<vmem>> -> memref<1x40xi32, #tpu.memory_space<vmem>>
    %dma_wait3A_106 = tpu.memref_squeeze %dma_wait3A_105 : memref<1x40xi32, #tpu.memory_space<vmem>> -> memref<40xi32, #tpu.memory_space<vmem>>
    %dma_wait3A_107 = arith.constant 0 : i32
    %dma_wait3A_108 = tpu.memref_slice %arg21[%dma_wait3A_107] : memref<10000xf32, #tpu.memory_space<vmem_shared>> -> memref<10000xf32, #tpu.memory_space<vmem_shared>>
    tpu.wait_indirect_dma semaphore(%arg31 : memref<!tpu.dma_semaphore, #tpu.memory_space<semaphore_mem>>) src(%arg19 : memref<40xf32, #tpu.memory_space<vmem>>) dst(%dma_wait3A_108 : memref<10000xf32, #tpu.memory_space<vmem_shared>>)
    %barrier3A_109 = arith.constant 0 : index
    tpu.barrier barrier_id(%barrier3A_109)
    "tpu.region"() ({
      %run_scoped3A = tpu.sem_alloc : memref<!tpu.dma_semaphore, #tpu.memory_space<semaphore_mem>>
      %dma_start3A_115 = arith.constant 0 : i32
      %dma_start3A_116 = tpu.memref_slice %arg8[%arg0, %multiple_of3A, %dma_start3A_115] : memref<2x10000x128xf32, #tpu.memory_space<hbm>> -> memref<1x624x128xf32, #tpu.memory_space<hbm>>
      %dma_start3A_117 = tpu.memref_squeeze %dma_start3A_116 : memref<1x624x128xf32, #tpu.memory_space<hbm>> -> memref<624x128xf32, #tpu.memory_space<hbm>>
      %dma_start3A_118 = arith.constant 0 : i32
      %dma_start3A_119 = tpu.memref_slice %arg20[%multiple_of3A, %dma_start3A_118] : memref<10000x128xf32, #tpu.memory_space<vmem_shared>> -> memref<624x128xf32, #tpu.memory_space<vmem_shared>>
      tpu.enqueue_dma source(%dma_start3A_119 : memref<624x128xf32, #tpu.memory_space<vmem_shared>>) target(%dma_start3A_117 : memref<624x128xf32, #tpu.memory_space<hbm>>) target_semaphore(%run_scoped3A : memref<!tpu.dma_semaphore, #tpu.memory_space<semaphore_mem>>)
      %dma_wait3A_120 = arith.constant 0 : i32
      %dma_wait3A_121 = tpu.memref_slice %arg8[%arg0, %multiple_of3A, %dma_wait3A_120] : memref<2x10000x128xf32, #tpu.memory_space<hbm>> -> memref<1x624x128xf32, #tpu.memory_space<hbm>>
      %dma_wait3A_122 = tpu.memref_squeeze %dma_wait3A_121 : memref<1x624x128xf32, #tpu.memory_space<hbm>> -> memref<624x128xf32, #tpu.memory_space<hbm>>
      %dma_wait3A_123 = arith.constant 0 : i32
      %dma_wait3A_124 = tpu.memref_slice %arg20[%multiple_of3A, %dma_wait3A_123] : memref<10000x128xf32, #tpu.memory_space<vmem_shared>> -> memref<624x128xf32, #tpu.memory_space<vmem_shared>>
      tpu.wait_dma2 semaphore(%run_scoped3A : memref<!tpu.dma_semaphore, #tpu.memory_space<semaphore_mem>>) src(%dma_wait3A_124 : memref<624x128xf32, #tpu.memory_space<vmem_shared>>) dst(%dma_wait3A_122 : memref<624x128xf32, #tpu.memory_space<hbm>>)
      tpu.yield
    }) : () -> ()
    %eq3A_110 = arith.constant 0 : i32
    %eq3A_111 = arith.cmpi eq, %arg1, %eq3A_110 : i32
    %convert_element_type3A_112 = arith.extui %eq3A_111 : i1 to i32
    %cond3A_113 = arith.constant 0 : i32
    %cond3A_114 = arith.cmpi ne, %convert_element_type3A_112, %cond3A_113 : i32
    scf.if %cond3A_114 {
      "tpu.region"() ({
        %run_scoped3A = tpu.sem_alloc : memref<!tpu.dma_semaphore, #tpu.memory_space<semaphore_mem>>
        %dma_start3A_115 = arith.constant 9984 : i32
        %dma_start3A_116 = arith.constant 0 : i32
        %dma_start3A_117 = tpu.memref_slice %arg8[%arg0, %dma_start3A_115, %dma_start3A_116] : memref<2x10000x128xf32, #tpu.memory_space<hbm>> -> memref<1x16x128xf32, #tpu.memory_space<hbm>>
        %dma_start3A_118 = tpu.memref_squeeze %dma_start3A_117 : memref<1x16x128xf32, #tpu.memory_space<hbm>> -> memref<16x128xf32, #tpu.memory_space<hbm>>
        %dma_start3A_119 = arith.constant 9984 : i32
        %dma_start3A_120 = arith.constant 0 : i32
        %dma_start3A_121 = tpu.memref_slice %arg20[%dma_start3A_119, %dma_start3A_120] : memref<10000x128xf32, #tpu.memory_space<vmem_shared>> -> memref<16x128xf32, #tpu.memory_space<vmem_shared>>
        tpu.enqueue_dma source(%dma_start3A_121 : memref<16x128xf32, #tpu.memory_space<vmem_shared>>) target(%dma_start3A_118 : memref<16x128xf32, #tpu.memory_space<hbm>>) target_semaphore(%run_scoped3A : memref<!tpu.dma_semaphore, #tpu.memory_space<semaphore_mem>>)
        %dma_wait3A_122 = arith.constant 9984 : i32
        %dma_wait3A_123 = arith.constant 0 : i32
        %dma_wait3A_124 = tpu.memref_slice %arg8[%arg0, %dma_wait3A_122, %dma_wait3A_123] : memref<2x10000x128xf32, #tpu.memory_space<hbm>> -> memref<1x16x128xf32, #tpu.memory_space<hbm>>
        %dma_wait3A_125 = tpu.memref_squeeze %dma_wait3A_124 : memref<1x16x128xf32, #tpu.memory_space<hbm>> -> memref<16x128xf32, #tpu.memory_space<hbm>>
        %dma_wait3A_126 = arith.constant 9984 : i32
        %dma_wait3A_127 = arith.constant 0 : i32
        %dma_wait3A_128 = tpu.memref_slice %arg20[%dma_wait3A_126, %dma_wait3A_127] : memref<10000x128xf32, #tpu.memory_space<vmem_shared>> -> memref<16x128xf32, #tpu.memory_space<vmem_shared>>
        tpu.wait_dma2 semaphore(%run_scoped3A : memref<!tpu.dma_semaphore, #tpu.memory_space<semaphore_mem>>) src(%dma_wait3A_128 : memref<16x128xf32, #tpu.memory_space<vmem_shared>>) dst(%dma_wait3A_125 : memref<16x128xf32, #tpu.memory_space<hbm>>)
        tpu.yield
      }) : () -> ()
      "tpu.region"() ({
        %run_scoped3A = tpu.sem_alloc : memref<!tpu.dma_semaphore, #tpu.memory_space<semaphore_mem>>
        %dma_start3A_115 = arith.constant 0 : i32
        %dma_start3A_116 = tpu.memref_slice %arg9[%arg0, %dma_start3A_115] : memref<2x10000xf32, #tpu.memory_space<hbm>> -> memref<1x10000xf32, #tpu.memory_space<hbm>>
        %dma_start3A_117 = tpu.memref_squeeze %dma_start3A_116 : memref<1x10000xf32, #tpu.memory_space<hbm>> -> memref<10000xf32, #tpu.memory_space<hbm>>
        tpu.enqueue_dma source(%arg21 : memref<10000xf32, #tpu.memory_space<vmem_shared>>) target(%dma_start3A_117 : memref<10000xf32, #tpu.memory_space<hbm>>) target_semaphore(%run_scoped3A : memref<!tpu.dma_semaphore, #tpu.memory_space<semaphore_mem>>)
        %dma_wait3A_118 = arith.constant 0 : i32
        %dma_wait3A_119 = tpu.memref_slice %arg9[%arg0, %dma_wait3A_118] : memref<2x10000xf32, #tpu.memory_space<hbm>> -> memref<1x10000xf32, #tpu.memory_space<hbm>>
        %dma_wait3A_120 = tpu.memref_squeeze %dma_wait3A_119 : memref<1x10000xf32, #tpu.memory_space<hbm>> -> memref<10000xf32, #tpu.memory_space<hbm>>
        tpu.wait_dma2 semaphore(%run_scoped3A : memref<!tpu.dma_semaphore, #tpu.memory_space<semaphore_mem>>) src(%arg21 : memref<10000xf32, #tpu.memory_space<vmem_shared>>) dst(%dma_wait3A_120 : memref<10000xf32, #tpu.memory_space<hbm>>)
        tpu.yield
      }) : () -> ()
    } else {
    }
    return
  }
}

#map = affine_map<(d0, d1) -> (0)>
#map1 = affine_map<(d0, d1) -> (0, 0, 0)>
#map2 = affine_map<(d0, d1) -> (0, 0)>
module attributes {stable_mosaic.version = 14 : i64} {
  func.func @kern(%arg0: i32, %arg1: i32, %arg2: memref<10000xf32, #tpu.memory_space<hbm>>, %arg3: memref<32x125x80xi32, #tpu.memory_space<hbm>>, %arg4: memref<32x125x80xi32, #tpu.memory_space<hbm>>, %arg5: memref<10000xf32, #tpu.memory_space<hbm>>, %arg6: memref<2x10000xf32, #tpu.memory_space<hbm>>, %arg7: memref<125x80xi32, #tpu.memory_space<vmem>>, %arg8: memref<125x80xi32, #tpu.memory_space<vmem>>, %arg9: memref<80xf32, #tpu.memory_space<vmem>>, %arg10: memref<80xf32, #tpu.memory_space<vmem>>, %arg11: memref<80xf32, #tpu.memory_space<vmem>>, %arg12: memref<80xf32, #tpu.memory_space<vmem>>, %arg13: memref<80xf32, #tpu.memory_space<vmem>>, %arg14: memref<10000xf32, #tpu.memory_space<vmem_shared>>, %arg15: memref<10000xf32, #tpu.memory_space<vmem_shared>>, %arg16: memref<!tpu.dma_semaphore, #tpu.memory_space<semaphore_mem>>, %arg17: memref<!tpu.dma_semaphore, #tpu.memory_space<semaphore_mem>>, %arg18: memref<!tpu.dma_semaphore, #tpu.memory_space<semaphore_mem>>, %arg19: memref<!tpu.dma_semaphore, #tpu.memory_space<semaphore_mem>>, %arg20: memref<!tpu.dma_semaphore, #tpu.memory_space<semaphore_mem>>, %arg21: memref<!tpu.dma_semaphore, #tpu.memory_space<semaphore_mem>>, %arg22: memref<!tpu.dma_semaphore, #tpu.memory_space<semaphore_mem>>, %arg23: memref<!tpu.dma_semaphore, #tpu.memory_space<semaphore_mem>>, %arg24: memref<!tpu.dma_semaphore, #tpu.memory_space<semaphore_mem>>, %arg25: memref<!tpu.dma_semaphore, #tpu.memory_space<semaphore_mem>>) attributes {dimension_semantics = [#tpu.dimension_semantics<core_parallel>, #tpu.dimension_semantics<subcore_parallel>], iteration_bounds = array<i64: 2, 16>, scalar_prefetch = 0 : i64, scratch_operands = 19 : i64, tpu.core_type = #tpu.core_type<sc_vector_subcore>, window_params = [{transform_indices = #map}, {transform_indices = #map1}, {transform_indices = #map1}, {transform_indices = #map}, {transform_indices = #map2}]} {
    %mul3A = arith.constant 16 : i32
    %mul3A_0 = arith.muli %arg0, %mul3A : i32
    %add3A = arith.addi %mul3A_0, %arg1 : i32
    %eq3A = arith.constant 0 : i32
    %eq3A_1 = arith.cmpi eq, %arg1, %eq3A : i32
    %convert_element_type3A = arith.extui %eq3A_1 : i1 to i32
    %cond3A = arith.constant 0 : i32
    %cond3A_2 = arith.cmpi ne, %convert_element_type3A, %cond3A : i32
    scf.if %cond3A_2 {
      "tpu.region"() ({
        %run_scoped3A = tpu.sem_alloc : memref<!tpu.dma_semaphore, #tpu.memory_space<semaphore_mem>>
        tpu.enqueue_dma source(%arg5 : memref<10000xf32, #tpu.memory_space<hbm>>) target(%arg15 : memref<10000xf32, #tpu.memory_space<vmem_shared>>) target_semaphore(%run_scoped3A : memref<!tpu.dma_semaphore, #tpu.memory_space<semaphore_mem>>)
        tpu.wait_dma2 semaphore(%run_scoped3A : memref<!tpu.dma_semaphore, #tpu.memory_space<semaphore_mem>>) src(%arg5 : memref<10000xf32, #tpu.memory_space<hbm>>) dst(%arg15 : memref<10000xf32, #tpu.memory_space<vmem_shared>>)
        tpu.yield
      }) : () -> ()
    } else {
    }
    %eq3A_3 = arith.constant 1 : i32
    %eq3A_4 = arith.cmpi eq, %arg1, %eq3A_3 : i32
    %convert_element_type3A_5 = arith.extui %eq3A_4 : i1 to i32
    %cond3A_6 = arith.constant 0 : i32
    %cond3A_7 = arith.cmpi ne, %convert_element_type3A_5, %cond3A_6 : i32
    scf.if %cond3A_7 {
      "tpu.region"() ({
        %run_scoped3A = tpu.sem_alloc : memref<!tpu.dma_semaphore, #tpu.memory_space<semaphore_mem>>
        tpu.enqueue_dma source(%arg2 : memref<10000xf32, #tpu.memory_space<hbm>>) target(%arg14 : memref<10000xf32, #tpu.memory_space<vmem_shared>>) target_semaphore(%run_scoped3A : memref<!tpu.dma_semaphore, #tpu.memory_space<semaphore_mem>>)
        tpu.wait_dma2 semaphore(%run_scoped3A : memref<!tpu.dma_semaphore, #tpu.memory_space<semaphore_mem>>) src(%arg2 : memref<10000xf32, #tpu.memory_space<hbm>>) dst(%arg14 : memref<10000xf32, #tpu.memory_space<vmem_shared>>)
        tpu.yield
      }) : () -> ()
    } else {
    }
    "tpu.region"() ({
      %run_scoped3A = tpu.sem_alloc : memref<!tpu.dma_semaphore, #tpu.memory_space<semaphore_mem>>
      %dma_start3A_47 = arith.constant 0 : i32
      %dma_start3A_48 = arith.constant 0 : i32
      %dma_start3A_49 = tpu.memref_slice %arg3[%add3A, %dma_start3A_47, %dma_start3A_48] : memref<32x125x80xi32, #tpu.memory_space<hbm>> -> memref<1x125x80xi32, #tpu.memory_space<hbm>>
      %dma_start3A_50 = tpu.memref_squeeze %dma_start3A_49 : memref<1x125x80xi32, #tpu.memory_space<hbm>> -> memref<125x80xi32, #tpu.memory_space<hbm>>
      %dma_start3A_51 = arith.constant 0 : i32
      %dma_start3A_52 = arith.constant 0 : i32
      %dma_start3A_53 = tpu.memref_slice %arg3[%add3A, %dma_start3A_51, %dma_start3A_52] : memref<32x125x80xi32, #tpu.memory_space<hbm>> -> memref<1x125x80xi32, #tpu.memory_space<hbm>>
      %dma_start3A_54 = tpu.memref_squeeze %dma_start3A_53 : memref<1x125x80xi32, #tpu.memory_space<hbm>> -> memref<125x80xi32, #tpu.memory_space<hbm>>
      tpu.enqueue_dma source(%dma_start3A_54 : memref<125x80xi32, #tpu.memory_space<hbm>>) target(%arg7 : memref<125x80xi32, #tpu.memory_space<vmem>>) target_semaphore(%run_scoped3A : memref<!tpu.dma_semaphore, #tpu.memory_space<semaphore_mem>>)
      %dma_wait3A_55 = arith.constant 0 : i32
      %dma_wait3A_56 = arith.constant 0 : i32
      %dma_wait3A_57 = tpu.memref_slice %arg3[%add3A, %dma_wait3A_55, %dma_wait3A_56] : memref<32x125x80xi32, #tpu.memory_space<hbm>> -> memref<1x125x80xi32, #tpu.memory_space<hbm>>
      %dma_wait3A_58 = tpu.memref_squeeze %dma_wait3A_57 : memref<1x125x80xi32, #tpu.memory_space<hbm>> -> memref<125x80xi32, #tpu.memory_space<hbm>>
      %dma_wait3A_59 = arith.constant 0 : i32
      %dma_wait3A_60 = arith.constant 0 : i32
      %dma_wait3A_61 = tpu.memref_slice %arg3[%add3A, %dma_wait3A_59, %dma_wait3A_60] : memref<32x125x80xi32, #tpu.memory_space<hbm>> -> memref<1x125x80xi32, #tpu.memory_space<hbm>>
      %dma_wait3A_62 = tpu.memref_squeeze %dma_wait3A_61 : memref<1x125x80xi32, #tpu.memory_space<hbm>> -> memref<125x80xi32, #tpu.memory_space<hbm>>
      tpu.wait_dma2 semaphore(%run_scoped3A : memref<!tpu.dma_semaphore, #tpu.memory_space<semaphore_mem>>) src(%dma_wait3A_62 : memref<125x80xi32, #tpu.memory_space<hbm>>) dst(%arg7 : memref<125x80xi32, #tpu.memory_space<vmem>>)
      tpu.yield
    }) : () -> ()
    "tpu.region"() ({
      %run_scoped3A = tpu.sem_alloc : memref<!tpu.dma_semaphore, #tpu.memory_space<semaphore_mem>>
      %dma_start3A_47 = arith.constant 0 : i32
      %dma_start3A_48 = arith.constant 0 : i32
      %dma_start3A_49 = tpu.memref_slice %arg4[%add3A, %dma_start3A_47, %dma_start3A_48] : memref<32x125x80xi32, #tpu.memory_space<hbm>> -> memref<1x125x80xi32, #tpu.memory_space<hbm>>
      %dma_start3A_50 = tpu.memref_squeeze %dma_start3A_49 : memref<1x125x80xi32, #tpu.memory_space<hbm>> -> memref<125x80xi32, #tpu.memory_space<hbm>>
      %dma_start3A_51 = arith.constant 0 : i32
      %dma_start3A_52 = arith.constant 0 : i32
      %dma_start3A_53 = tpu.memref_slice %arg4[%add3A, %dma_start3A_51, %dma_start3A_52] : memref<32x125x80xi32, #tpu.memory_space<hbm>> -> memref<1x125x80xi32, #tpu.memory_space<hbm>>
      %dma_start3A_54 = tpu.memref_squeeze %dma_start3A_53 : memref<1x125x80xi32, #tpu.memory_space<hbm>> -> memref<125x80xi32, #tpu.memory_space<hbm>>
      tpu.enqueue_dma source(%dma_start3A_54 : memref<125x80xi32, #tpu.memory_space<hbm>>) target(%arg8 : memref<125x80xi32, #tpu.memory_space<vmem>>) target_semaphore(%run_scoped3A : memref<!tpu.dma_semaphore, #tpu.memory_space<semaphore_mem>>)
      %dma_wait3A_55 = arith.constant 0 : i32
      %dma_wait3A_56 = arith.constant 0 : i32
      %dma_wait3A_57 = tpu.memref_slice %arg4[%add3A, %dma_wait3A_55, %dma_wait3A_56] : memref<32x125x80xi32, #tpu.memory_space<hbm>> -> memref<1x125x80xi32, #tpu.memory_space<hbm>>
      %dma_wait3A_58 = tpu.memref_squeeze %dma_wait3A_57 : memref<1x125x80xi32, #tpu.memory_space<hbm>> -> memref<125x80xi32, #tpu.memory_space<hbm>>
      %dma_wait3A_59 = arith.constant 0 : i32
      %dma_wait3A_60 = arith.constant 0 : i32
      %dma_wait3A_61 = tpu.memref_slice %arg4[%add3A, %dma_wait3A_59, %dma_wait3A_60] : memref<32x125x80xi32, #tpu.memory_space<hbm>> -> memref<1x125x80xi32, #tpu.memory_space<hbm>>
      %dma_wait3A_62 = tpu.memref_squeeze %dma_wait3A_61 : memref<1x125x80xi32, #tpu.memory_space<hbm>> -> memref<125x80xi32, #tpu.memory_space<hbm>>
      tpu.wait_dma2 semaphore(%run_scoped3A : memref<!tpu.dma_semaphore, #tpu.memory_space<semaphore_mem>>) src(%dma_wait3A_62 : memref<125x80xi32, #tpu.memory_space<hbm>>) dst(%arg8 : memref<125x80xi32, #tpu.memory_space<vmem>>)
      tpu.yield
    }) : () -> ()
    %barrier3A = arith.constant 0 : index
    tpu.barrier barrier_id(%barrier3A)
    %dma_start3A = arith.constant 0 : i32
    %dma_start3A_8 = arith.constant 0 : i32
    %dma_start3A_9 = tpu.memref_slice %arg7[%dma_start3A, %dma_start3A_8] : memref<125x80xi32, #tpu.memory_space<vmem>> -> memref<1x80xi32, #tpu.memory_space<vmem>>
    %dma_start3A_10 = tpu.memref_squeeze %dma_start3A_9 : memref<1x80xi32, #tpu.memory_space<vmem>> -> memref<80xi32, #tpu.memory_space<vmem>>
    %dma_start3A_11 = arith.constant 0 : i32
    %dma_start3A_12 = tpu.memref_slice %arg14[%dma_start3A_11] : memref<10000xf32, #tpu.memory_space<vmem_shared>> -> memref<10000xf32, #tpu.memory_space<vmem_shared>>
    tpu.enqueue_indirect_dma source(%dma_start3A_12 : memref<10000xf32, #tpu.memory_space<vmem_shared>>) target(%arg9 : memref<80xf32, #tpu.memory_space<vmem>>) offsets(%dma_start3A_10 : memref<80xi32, #tpu.memory_space<vmem>>) semaphore(%arg16 : memref<!tpu.dma_semaphore, #tpu.memory_space<semaphore_mem>>)
    %dma_start3A_13 = arith.constant 1 : i32
    %dma_start3A_14 = arith.constant 0 : i32
    %dma_start3A_15 = tpu.memref_slice %arg7[%dma_start3A_13, %dma_start3A_14] : memref<125x80xi32, #tpu.memory_space<vmem>> -> memref<1x80xi32, #tpu.memory_space<vmem>>
    %dma_start3A_16 = tpu.memref_squeeze %dma_start3A_15 : memref<1x80xi32, #tpu.memory_space<vmem>> -> memref<80xi32, #tpu.memory_space<vmem>>
    %dma_start3A_17 = arith.constant 0 : i32
    %dma_start3A_18 = tpu.memref_slice %arg14[%dma_start3A_17] : memref<10000xf32, #tpu.memory_space<vmem_shared>> -> memref<10000xf32, #tpu.memory_space<vmem_shared>>
    tpu.enqueue_indirect_dma source(%dma_start3A_18 : memref<10000xf32, #tpu.memory_space<vmem_shared>>) target(%arg10 : memref<80xf32, #tpu.memory_space<vmem>>) offsets(%dma_start3A_16 : memref<80xi32, #tpu.memory_space<vmem>>) semaphore(%arg17 : memref<!tpu.dma_semaphore, #tpu.memory_space<semaphore_mem>>)
    %dma_start3A_19 = arith.constant 2 : i32
    %dma_start3A_20 = arith.constant 0 : i32
    %dma_start3A_21 = tpu.memref_slice %arg7[%dma_start3A_19, %dma_start3A_20] : memref<125x80xi32, #tpu.memory_space<vmem>> -> memref<1x80xi32, #tpu.memory_space<vmem>>
    %dma_start3A_22 = tpu.memref_squeeze %dma_start3A_21 : memref<1x80xi32, #tpu.memory_space<vmem>> -> memref<80xi32, #tpu.memory_space<vmem>>
    %dma_start3A_23 = arith.constant 0 : i32
    %dma_start3A_24 = tpu.memref_slice %arg14[%dma_start3A_23] : memref<10000xf32, #tpu.memory_space<vmem_shared>> -> memref<10000xf32, #tpu.memory_space<vmem_shared>>
    tpu.enqueue_indirect_dma source(%dma_start3A_24 : memref<10000xf32, #tpu.memory_space<vmem_shared>>) target(%arg11 : memref<80xf32, #tpu.memory_space<vmem>>) offsets(%dma_start3A_22 : memref<80xi32, #tpu.memory_space<vmem>>) semaphore(%arg18 : memref<!tpu.dma_semaphore, #tpu.memory_space<semaphore_mem>>)
    %scan3A = arith.constant 0 : i32
    %scan3A_25 = arith.constant 0 : i32
    %scan3A_26 = arith.constant 25 : i32
    %scan3A_27 = arith.addi %scan3A_25, %scan3A_26 : i32
    %scan3A_28 = arith.constant 1 : i32
    scf.for %scan3A_47 = %scan3A_25 to %scan3A_27 step %scan3A_28  : i32 {
      %mul3A_48 = arith.constant 5 : i32
      %mul3A_49 = arith.muli %scan3A_47, %mul3A_48 : i32
      %add3A_50 = arith.constant 0 : i32
      %add3A_51 = arith.addi %mul3A_49, %add3A_50 : i32
      %dma_wait3A_52 = arith.constant 0 : i32
      %dma_wait3A_53 = tpu.memref_slice %arg7[%add3A_51, %dma_wait3A_52] : memref<125x80xi32, #tpu.memory_space<vmem>> -> memref<1x80xi32, #tpu.memory_space<vmem>>
      %dma_wait3A_54 = tpu.memref_squeeze %dma_wait3A_53 : memref<1x80xi32, #tpu.memory_space<vmem>> -> memref<80xi32, #tpu.memory_space<vmem>>
      %dma_wait3A_55 = arith.constant 0 : i32
      %dma_wait3A_56 = tpu.memref_slice %arg14[%dma_wait3A_55] : memref<10000xf32, #tpu.memory_space<vmem_shared>> -> memref<10000xf32, #tpu.memory_space<vmem_shared>>
      tpu.wait_indirect_dma semaphore(%arg16 : memref<!tpu.dma_semaphore, #tpu.memory_space<semaphore_mem>>) src(%dma_wait3A_56 : memref<10000xf32, #tpu.memory_space<vmem_shared>>) dst(%arg9 : memref<80xf32, #tpu.memory_space<vmem>>)
      %dma_start3A_57 = arith.constant 0 : i32
      %dma_start3A_58 = tpu.memref_slice %arg8[%add3A_51, %dma_start3A_57] : memref<125x80xi32, #tpu.memory_space<vmem>> -> memref<1x80xi32, #tpu.memory_space<vmem>>
      %dma_start3A_59 = tpu.memref_squeeze %dma_start3A_58 : memref<1x80xi32, #tpu.memory_space<vmem>> -> memref<80xi32, #tpu.memory_space<vmem>>
      %dma_start3A_60 = arith.constant 0 : i32
      %dma_start3A_61 = tpu.memref_slice %arg15[%dma_start3A_60] : memref<10000xf32, #tpu.memory_space<vmem_shared>> -> memref<10000xf32, #tpu.memory_space<vmem_shared>>
      tpu.enqueue_indirect_dma source(%arg9 : memref<80xf32, #tpu.memory_space<vmem>>) target(%dma_start3A_61 : memref<10000xf32, #tpu.memory_space<vmem_shared>>) offsets(%dma_start3A_59 : memref<80xi32, #tpu.memory_space<vmem>>) semaphore(%arg21 : memref<!tpu.dma_semaphore, #tpu.memory_space<semaphore_mem>>) {add = true}
      %gt3A = arith.constant 0 : i32
      %gt3A_62 = arith.cmpi sgt, %scan3A_47, %gt3A : i32
      %convert_element_type3A_63 = arith.extui %gt3A_62 : i1 to i32
      %cond3A_64 = arith.constant 0 : i32
      %cond3A_65 = arith.cmpi ne, %convert_element_type3A_63, %cond3A_64 : i32
      scf.if %cond3A_65 {
        %sub3A_175 = arith.constant 2 : i32
        %sub3A_176 = arith.subi %add3A_51, %sub3A_175 : i32
        %dma_wait3A_177 = arith.constant 0 : i32
        %dma_wait3A_178 = tpu.memref_slice %arg8[%sub3A_176, %dma_wait3A_177] : memref<125x80xi32, #tpu.memory_space<vmem>> -> memref<1x80xi32, #tpu.memory_space<vmem>>
        %dma_wait3A_179 = tpu.memref_squeeze %dma_wait3A_178 : memref<1x80xi32, #tpu.memory_space<vmem>> -> memref<80xi32, #tpu.memory_space<vmem>>
        %dma_wait3A_180 = arith.constant 0 : i32
        %dma_wait3A_181 = tpu.memref_slice %arg15[%dma_wait3A_180] : memref<10000xf32, #tpu.memory_space<vmem_shared>> -> memref<10000xf32, #tpu.memory_space<vmem_shared>>
        tpu.wait_indirect_dma semaphore(%arg24 : memref<!tpu.dma_semaphore, #tpu.memory_space<semaphore_mem>>) src(%arg12 : memref<80xf32, #tpu.memory_space<vmem>>) dst(%dma_wait3A_181 : memref<10000xf32, #tpu.memory_space<vmem_shared>>)
      } else {
      }
      %add3A_66 = arith.constant 3 : i32
      %add3A_67 = arith.addi %add3A_51, %add3A_66 : i32
      %dma_start3A_68 = arith.constant 0 : i32
      %dma_start3A_69 = tpu.memref_slice %arg7[%add3A_67, %dma_start3A_68] : memref<125x80xi32, #tpu.memory_space<vmem>> -> memref<1x80xi32, #tpu.memory_space<vmem>>
      %dma_start3A_70 = tpu.memref_squeeze %dma_start3A_69 : memref<1x80xi32, #tpu.memory_space<vmem>> -> memref<80xi32, #tpu.memory_space<vmem>>
      %dma_start3A_71 = arith.constant 0 : i32
      %dma_start3A_72 = tpu.memref_slice %arg14[%dma_start3A_71] : memref<10000xf32, #tpu.memory_space<vmem_shared>> -> memref<10000xf32, #tpu.memory_space<vmem_shared>>
      tpu.enqueue_indirect_dma source(%dma_start3A_72 : memref<10000xf32, #tpu.memory_space<vmem_shared>>) target(%arg12 : memref<80xf32, #tpu.memory_space<vmem>>) offsets(%dma_start3A_70 : memref<80xi32, #tpu.memory_space<vmem>>) semaphore(%arg19 : memref<!tpu.dma_semaphore, #tpu.memory_space<semaphore_mem>>)
      %mul3A_73 = arith.constant 5 : i32
      %mul3A_74 = arith.muli %scan3A_47, %mul3A_73 : i32
      %add3A_75 = arith.constant 1 : i32
      %add3A_76 = arith.addi %mul3A_74, %add3A_75 : i32
      %dma_wait3A_77 = arith.constant 0 : i32
      %dma_wait3A_78 = tpu.memref_slice %arg7[%add3A_76, %dma_wait3A_77] : memref<125x80xi32, #tpu.memory_space<vmem>> -> memref<1x80xi32, #tpu.memory_space<vmem>>
      %dma_wait3A_79 = tpu.memref_squeeze %dma_wait3A_78 : memref<1x80xi32, #tpu.memory_space<vmem>> -> memref<80xi32, #tpu.memory_space<vmem>>
      %dma_wait3A_80 = arith.constant 0 : i32
      %dma_wait3A_81 = tpu.memref_slice %arg14[%dma_wait3A_80] : memref<10000xf32, #tpu.memory_space<vmem_shared>> -> memref<10000xf32, #tpu.memory_space<vmem_shared>>
      tpu.wait_indirect_dma semaphore(%arg17 : memref<!tpu.dma_semaphore, #tpu.memory_space<semaphore_mem>>) src(%dma_wait3A_81 : memref<10000xf32, #tpu.memory_space<vmem_shared>>) dst(%arg10 : memref<80xf32, #tpu.memory_space<vmem>>)
      %dma_start3A_82 = arith.constant 0 : i32
      %dma_start3A_83 = tpu.memref_slice %arg8[%add3A_76, %dma_start3A_82] : memref<125x80xi32, #tpu.memory_space<vmem>> -> memref<1x80xi32, #tpu.memory_space<vmem>>
      %dma_start3A_84 = tpu.memref_squeeze %dma_start3A_83 : memref<1x80xi32, #tpu.memory_space<vmem>> -> memref<80xi32, #tpu.memory_space<vmem>>
      %dma_start3A_85 = arith.constant 0 : i32
      %dma_start3A_86 = tpu.memref_slice %arg15[%dma_start3A_85] : memref<10000xf32, #tpu.memory_space<vmem_shared>> -> memref<10000xf32, #tpu.memory_space<vmem_shared>>
      tpu.enqueue_indirect_dma source(%arg10 : memref<80xf32, #tpu.memory_space<vmem>>) target(%dma_start3A_86 : memref<10000xf32, #tpu.memory_space<vmem_shared>>) offsets(%dma_start3A_84 : memref<80xi32, #tpu.memory_space<vmem>>) semaphore(%arg22 : memref<!tpu.dma_semaphore, #tpu.memory_space<semaphore_mem>>) {add = true}
      %gt3A_87 = arith.constant 0 : i32
      %gt3A_88 = arith.cmpi sgt, %scan3A_47, %gt3A_87 : i32
      %convert_element_type3A_89 = arith.extui %gt3A_88 : i1 to i32
      %cond3A_90 = arith.constant 0 : i32
      %cond3A_91 = arith.cmpi ne, %convert_element_type3A_89, %cond3A_90 : i32
      scf.if %cond3A_91 {
        %sub3A_175 = arith.constant 2 : i32
        %sub3A_176 = arith.subi %add3A_76, %sub3A_175 : i32
        %dma_wait3A_177 = arith.constant 0 : i32
        %dma_wait3A_178 = tpu.memref_slice %arg8[%sub3A_176, %dma_wait3A_177] : memref<125x80xi32, #tpu.memory_space<vmem>> -> memref<1x80xi32, #tpu.memory_space<vmem>>
        %dma_wait3A_179 = tpu.memref_squeeze %dma_wait3A_178 : memref<1x80xi32, #tpu.memory_space<vmem>> -> memref<80xi32, #tpu.memory_space<vmem>>
        %dma_wait3A_180 = arith.constant 0 : i32
        %dma_wait3A_181 = tpu.memref_slice %arg15[%dma_wait3A_180] : memref<10000xf32, #tpu.memory_space<vmem_shared>> -> memref<10000xf32, #tpu.memory_space<vmem_shared>>
        tpu.wait_indirect_dma semaphore(%arg25 : memref<!tpu.dma_semaphore, #tpu.memory_space<semaphore_mem>>) src(%arg13 : memref<80xf32, #tpu.memory_space<vmem>>) dst(%dma_wait3A_181 : memref<10000xf32, #tpu.memory_space<vmem_shared>>)
      } else {
      }
      %add3A_92 = arith.constant 3 : i32
      %add3A_93 = arith.addi %add3A_76, %add3A_92 : i32
      %dma_start3A_94 = arith.constant 0 : i32
      %dma_start3A_95 = tpu.memref_slice %arg7[%add3A_93, %dma_start3A_94] : memref<125x80xi32, #tpu.memory_space<vmem>> -> memref<1x80xi32, #tpu.memory_space<vmem>>
      %dma_start3A_96 = tpu.memref_squeeze %dma_start3A_95 : memref<1x80xi32, #tpu.memory_space<vmem>> -> memref<80xi32, #tpu.memory_space<vmem>>
      %dma_start3A_97 = arith.constant 0 : i32
      %dma_start3A_98 = tpu.memref_slice %arg14[%dma_start3A_97] : memref<10000xf32, #tpu.memory_space<vmem_shared>> -> memref<10000xf32, #tpu.memory_space<vmem_shared>>
      tpu.enqueue_indirect_dma source(%dma_start3A_98 : memref<10000xf32, #tpu.memory_space<vmem_shared>>) target(%arg13 : memref<80xf32, #tpu.memory_space<vmem>>) offsets(%dma_start3A_96 : memref<80xi32, #tpu.memory_space<vmem>>) semaphore(%arg20 : memref<!tpu.dma_semaphore, #tpu.memory_space<semaphore_mem>>)
      %mul3A_99 = arith.constant 5 : i32
      %mul3A_100 = arith.muli %scan3A_47, %mul3A_99 : i32
      %add3A_101 = arith.constant 2 : i32
      %add3A_102 = arith.addi %mul3A_100, %add3A_101 : i32
      %dma_wait3A_103 = arith.constant 0 : i32
      %dma_wait3A_104 = tpu.memref_slice %arg7[%add3A_102, %dma_wait3A_103] : memref<125x80xi32, #tpu.memory_space<vmem>> -> memref<1x80xi32, #tpu.memory_space<vmem>>
      %dma_wait3A_105 = tpu.memref_squeeze %dma_wait3A_104 : memref<1x80xi32, #tpu.memory_space<vmem>> -> memref<80xi32, #tpu.memory_space<vmem>>
      %dma_wait3A_106 = arith.constant 0 : i32
      %dma_wait3A_107 = tpu.memref_slice %arg14[%dma_wait3A_106] : memref<10000xf32, #tpu.memory_space<vmem_shared>> -> memref<10000xf32, #tpu.memory_space<vmem_shared>>
      tpu.wait_indirect_dma semaphore(%arg18 : memref<!tpu.dma_semaphore, #tpu.memory_space<semaphore_mem>>) src(%dma_wait3A_107 : memref<10000xf32, #tpu.memory_space<vmem_shared>>) dst(%arg11 : memref<80xf32, #tpu.memory_space<vmem>>)
      %dma_start3A_108 = arith.constant 0 : i32
      %dma_start3A_109 = tpu.memref_slice %arg8[%add3A_102, %dma_start3A_108] : memref<125x80xi32, #tpu.memory_space<vmem>> -> memref<1x80xi32, #tpu.memory_space<vmem>>
      %dma_start3A_110 = tpu.memref_squeeze %dma_start3A_109 : memref<1x80xi32, #tpu.memory_space<vmem>> -> memref<80xi32, #tpu.memory_space<vmem>>
      %dma_start3A_111 = arith.constant 0 : i32
      %dma_start3A_112 = tpu.memref_slice %arg15[%dma_start3A_111] : memref<10000xf32, #tpu.memory_space<vmem_shared>> -> memref<10000xf32, #tpu.memory_space<vmem_shared>>
      tpu.enqueue_indirect_dma source(%arg11 : memref<80xf32, #tpu.memory_space<vmem>>) target(%dma_start3A_112 : memref<10000xf32, #tpu.memory_space<vmem_shared>>) offsets(%dma_start3A_110 : memref<80xi32, #tpu.memory_space<vmem>>) semaphore(%arg23 : memref<!tpu.dma_semaphore, #tpu.memory_space<semaphore_mem>>) {add = true}
      %sub3A = arith.constant 2 : i32
      %sub3A_113 = arith.subi %add3A_102, %sub3A : i32
      %dma_wait3A_114 = arith.constant 0 : i32
      %dma_wait3A_115 = tpu.memref_slice %arg8[%sub3A_113, %dma_wait3A_114] : memref<125x80xi32, #tpu.memory_space<vmem>> -> memref<1x80xi32, #tpu.memory_space<vmem>>
      %dma_wait3A_116 = tpu.memref_squeeze %dma_wait3A_115 : memref<1x80xi32, #tpu.memory_space<vmem>> -> memref<80xi32, #tpu.memory_space<vmem>>
      %dma_wait3A_117 = arith.constant 0 : i32
      %dma_wait3A_118 = tpu.memref_slice %arg15[%dma_wait3A_117] : memref<10000xf32, #tpu.memory_space<vmem_shared>> -> memref<10000xf32, #tpu.memory_space<vmem_shared>>
      tpu.wait_indirect_dma semaphore(%arg21 : memref<!tpu.dma_semaphore, #tpu.memory_space<semaphore_mem>>) src(%arg9 : memref<80xf32, #tpu.memory_space<vmem>>) dst(%dma_wait3A_118 : memref<10000xf32, #tpu.memory_space<vmem_shared>>)
      %lt3A = arith.constant 24 : i32
      %lt3A_119 = arith.cmpi slt, %scan3A_47, %lt3A : i32
      %convert_element_type3A_120 = arith.extui %lt3A_119 : i1 to i32
      %cond3A_121 = arith.constant 0 : i32
      %cond3A_122 = arith.cmpi ne, %convert_element_type3A_120, %cond3A_121 : i32
      scf.if %cond3A_122 {
        %add3A_175 = arith.constant 3 : i32
        %add3A_176 = arith.addi %add3A_102, %add3A_175 : i32
        %dma_start3A_177 = arith.constant 0 : i32
        %dma_start3A_178 = tpu.memref_slice %arg7[%add3A_176, %dma_start3A_177] : memref<125x80xi32, #tpu.memory_space<vmem>> -> memref<1x80xi32, #tpu.memory_space<vmem>>
        %dma_start3A_179 = tpu.memref_squeeze %dma_start3A_178 : memref<1x80xi32, #tpu.memory_space<vmem>> -> memref<80xi32, #tpu.memory_space<vmem>>
        %dma_start3A_180 = arith.constant 0 : i32
        %dma_start3A_181 = tpu.memref_slice %arg14[%dma_start3A_180] : memref<10000xf32, #tpu.memory_space<vmem_shared>> -> memref<10000xf32, #tpu.memory_space<vmem_shared>>
        tpu.enqueue_indirect_dma source(%dma_start3A_181 : memref<10000xf32, #tpu.memory_space<vmem_shared>>) target(%arg9 : memref<80xf32, #tpu.memory_space<vmem>>) offsets(%dma_start3A_179 : memref<80xi32, #tpu.memory_space<vmem>>) semaphore(%arg16 : memref<!tpu.dma_semaphore, #tpu.memory_space<semaphore_mem>>)
      } else {
      }
      %mul3A_123 = arith.constant 5 : i32
      %mul3A_124 = arith.muli %scan3A_47, %mul3A_123 : i32
      %add3A_125 = arith.constant 3 : i32
      %add3A_126 = arith.addi %mul3A_124, %add3A_125 : i32
      %dma_wait3A_127 = arith.constant 0 : i32
      %dma_wait3A_128 = tpu.memref_slice %arg7[%add3A_126, %dma_wait3A_127] : memref<125x80xi32, #tpu.memory_space<vmem>> -> memref<1x80xi32, #tpu.memory_space<vmem>>
      %dma_wait3A_129 = tpu.memref_squeeze %dma_wait3A_128 : memref<1x80xi32, #tpu.memory_space<vmem>> -> memref<80xi32, #tpu.memory_space<vmem>>
      %dma_wait3A_130 = arith.constant 0 : i32
      %dma_wait3A_131 = tpu.memref_slice %arg14[%dma_wait3A_130] : memref<10000xf32, #tpu.memory_space<vmem_shared>> -> memref<10000xf32, #tpu.memory_space<vmem_shared>>
      tpu.wait_indirect_dma semaphore(%arg19 : memref<!tpu.dma_semaphore, #tpu.memory_space<semaphore_mem>>) src(%dma_wait3A_131 : memref<10000xf32, #tpu.memory_space<vmem_shared>>) dst(%arg12 : memref<80xf32, #tpu.memory_space<vmem>>)
      %dma_start3A_132 = arith.constant 0 : i32
      %dma_start3A_133 = tpu.memref_slice %arg8[%add3A_126, %dma_start3A_132] : memref<125x80xi32, #tpu.memory_space<vmem>> -> memref<1x80xi32, #tpu.memory_space<vmem>>
      %dma_start3A_134 = tpu.memref_squeeze %dma_start3A_133 : memref<1x80xi32, #tpu.memory_space<vmem>> -> memref<80xi32, #tpu.memory_space<vmem>>
      %dma_start3A_135 = arith.constant 0 : i32
      %dma_start3A_136 = tpu.memref_slice %arg15[%dma_start3A_135] : memref<10000xf32, #tpu.memory_space<vmem_shared>> -> memref<10000xf32, #tpu.memory_space<vmem_shared>>
      tpu.enqueue_indirect_dma source(%arg12 : memref<80xf32, #tpu.memory_space<vmem>>) target(%dma_start3A_136 : memref<10000xf32, #tpu.memory_space<vmem_shared>>) offsets(%dma_start3A_134 : memref<80xi32, #tpu.memory_space<vmem>>) semaphore(%arg24 : memref<!tpu.dma_semaphore, #tpu.memory_space<semaphore_mem>>) {add = true}
      %sub3A_137 = arith.constant 2 : i32
      %sub3A_138 = arith.subi %add3A_126, %sub3A_137 : i32
      %dma_wait3A_139 = arith.constant 0 : i32
      %dma_wait3A_140 = tpu.memref_slice %arg8[%sub3A_138, %dma_wait3A_139] : memref<125x80xi32, #tpu.memory_space<vmem>> -> memref<1x80xi32, #tpu.memory_space<vmem>>
      %dma_wait3A_141 = tpu.memref_squeeze %dma_wait3A_140 : memref<1x80xi32, #tpu.memory_space<vmem>> -> memref<80xi32, #tpu.memory_space<vmem>>
      %dma_wait3A_142 = arith.constant 0 : i32
      %dma_wait3A_143 = tpu.memref_slice %arg15[%dma_wait3A_142] : memref<10000xf32, #tpu.memory_space<vmem_shared>> -> memref<10000xf32, #tpu.memory_space<vmem_shared>>
      tpu.wait_indirect_dma semaphore(%arg22 : memref<!tpu.dma_semaphore, #tpu.memory_space<semaphore_mem>>) src(%arg10 : memref<80xf32, #tpu.memory_space<vmem>>) dst(%dma_wait3A_143 : memref<10000xf32, #tpu.memory_space<vmem_shared>>)
      %lt3A_144 = arith.constant 24 : i32
      %lt3A_145 = arith.cmpi slt, %scan3A_47, %lt3A_144 : i32
      %convert_element_type3A_146 = arith.extui %lt3A_145 : i1 to i32
      %cond3A_147 = arith.constant 0 : i32
      %cond3A_148 = arith.cmpi ne, %convert_element_type3A_146, %cond3A_147 : i32
      scf.if %cond3A_148 {
        %add3A_175 = arith.constant 3 : i32
        %add3A_176 = arith.addi %add3A_126, %add3A_175 : i32
        %dma_start3A_177 = arith.constant 0 : i32
        %dma_start3A_178 = tpu.memref_slice %arg7[%add3A_176, %dma_start3A_177] : memref<125x80xi32, #tpu.memory_space<vmem>> -> memref<1x80xi32, #tpu.memory_space<vmem>>
        %dma_start3A_179 = tpu.memref_squeeze %dma_start3A_178 : memref<1x80xi32, #tpu.memory_space<vmem>> -> memref<80xi32, #tpu.memory_space<vmem>>
        %dma_start3A_180 = arith.constant 0 : i32
        %dma_start3A_181 = tpu.memref_slice %arg14[%dma_start3A_180] : memref<10000xf32, #tpu.memory_space<vmem_shared>> -> memref<10000xf32, #tpu.memory_space<vmem_shared>>
        tpu.enqueue_indirect_dma source(%dma_start3A_181 : memref<10000xf32, #tpu.memory_space<vmem_shared>>) target(%arg10 : memref<80xf32, #tpu.memory_space<vmem>>) offsets(%dma_start3A_179 : memref<80xi32, #tpu.memory_space<vmem>>) semaphore(%arg17 : memref<!tpu.dma_semaphore, #tpu.memory_space<semaphore_mem>>)
      } else {
      }
      %mul3A_149 = arith.constant 5 : i32
      %mul3A_150 = arith.muli %scan3A_47, %mul3A_149 : i32
      %add3A_151 = arith.constant 4 : i32
      %add3A_152 = arith.addi %mul3A_150, %add3A_151 : i32
      %dma_wait3A_153 = arith.constant 0 : i32
      %dma_wait3A_154 = tpu.memref_slice %arg7[%add3A_152, %dma_wait3A_153] : memref<125x80xi32, #tpu.memory_space<vmem>> -> memref<1x80xi32, #tpu.memory_space<vmem>>
      %dma_wait3A_155 = tpu.memref_squeeze %dma_wait3A_154 : memref<1x80xi32, #tpu.memory_space<vmem>> -> memref<80xi32, #tpu.memory_space<vmem>>
      %dma_wait3A_156 = arith.constant 0 : i32
      %dma_wait3A_157 = tpu.memref_slice %arg14[%dma_wait3A_156] : memref<10000xf32, #tpu.memory_space<vmem_shared>> -> memref<10000xf32, #tpu.memory_space<vmem_shared>>
      tpu.wait_indirect_dma semaphore(%arg20 : memref<!tpu.dma_semaphore, #tpu.memory_space<semaphore_mem>>) src(%dma_wait3A_157 : memref<10000xf32, #tpu.memory_space<vmem_shared>>) dst(%arg13 : memref<80xf32, #tpu.memory_space<vmem>>)
      %dma_start3A_158 = arith.constant 0 : i32
      %dma_start3A_159 = tpu.memref_slice %arg8[%add3A_152, %dma_start3A_158] : memref<125x80xi32, #tpu.memory_space<vmem>> -> memref<1x80xi32, #tpu.memory_space<vmem>>
      %dma_start3A_160 = tpu.memref_squeeze %dma_start3A_159 : memref<1x80xi32, #tpu.memory_space<vmem>> -> memref<80xi32, #tpu.memory_space<vmem>>
      %dma_start3A_161 = arith.constant 0 : i32
      %dma_start3A_162 = tpu.memref_slice %arg15[%dma_start3A_161] : memref<10000xf32, #tpu.memory_space<vmem_shared>> -> memref<10000xf32, #tpu.memory_space<vmem_shared>>
      tpu.enqueue_indirect_dma source(%arg13 : memref<80xf32, #tpu.memory_space<vmem>>) target(%dma_start3A_162 : memref<10000xf32, #tpu.memory_space<vmem_shared>>) offsets(%dma_start3A_160 : memref<80xi32, #tpu.memory_space<vmem>>) semaphore(%arg25 : memref<!tpu.dma_semaphore, #tpu.memory_space<semaphore_mem>>) {add = true}
      %sub3A_163 = arith.constant 2 : i32
      %sub3A_164 = arith.subi %add3A_152, %sub3A_163 : i32
      %dma_wait3A_165 = arith.constant 0 : i32
      %dma_wait3A_166 = tpu.memref_slice %arg8[%sub3A_164, %dma_wait3A_165] : memref<125x80xi32, #tpu.memory_space<vmem>> -> memref<1x80xi32, #tpu.memory_space<vmem>>
      %dma_wait3A_167 = tpu.memref_squeeze %dma_wait3A_166 : memref<1x80xi32, #tpu.memory_space<vmem>> -> memref<80xi32, #tpu.memory_space<vmem>>
      %dma_wait3A_168 = arith.constant 0 : i32
      %dma_wait3A_169 = tpu.memref_slice %arg15[%dma_wait3A_168] : memref<10000xf32, #tpu.memory_space<vmem_shared>> -> memref<10000xf32, #tpu.memory_space<vmem_shared>>
      tpu.wait_indirect_dma semaphore(%arg23 : memref<!tpu.dma_semaphore, #tpu.memory_space<semaphore_mem>>) src(%arg11 : memref<80xf32, #tpu.memory_space<vmem>>) dst(%dma_wait3A_169 : memref<10000xf32, #tpu.memory_space<vmem_shared>>)
      %lt3A_170 = arith.constant 24 : i32
      %lt3A_171 = arith.cmpi slt, %scan3A_47, %lt3A_170 : i32
      %convert_element_type3A_172 = arith.extui %lt3A_171 : i1 to i32
      %cond3A_173 = arith.constant 0 : i32
      %cond3A_174 = arith.cmpi ne, %convert_element_type3A_172, %cond3A_173 : i32
      scf.if %cond3A_174 {
        %add3A_175 = arith.constant 3 : i32
        %add3A_176 = arith.addi %add3A_152, %add3A_175 : i32
        %dma_start3A_177 = arith.constant 0 : i32
        %dma_start3A_178 = tpu.memref_slice %arg7[%add3A_176, %dma_start3A_177] : memref<125x80xi32, #tpu.memory_space<vmem>> -> memref<1x80xi32, #tpu.memory_space<vmem>>
        %dma_start3A_179 = tpu.memref_squeeze %dma_start3A_178 : memref<1x80xi32, #tpu.memory_space<vmem>> -> memref<80xi32, #tpu.memory_space<vmem>>
        %dma_start3A_180 = arith.constant 0 : i32
        %dma_start3A_181 = tpu.memref_slice %arg14[%dma_start3A_180] : memref<10000xf32, #tpu.memory_space<vmem_shared>> -> memref<10000xf32, #tpu.memory_space<vmem_shared>>
        tpu.enqueue_indirect_dma source(%dma_start3A_181 : memref<10000xf32, #tpu.memory_space<vmem_shared>>) target(%arg11 : memref<80xf32, #tpu.memory_space<vmem>>) offsets(%dma_start3A_179 : memref<80xi32, #tpu.memory_space<vmem>>) semaphore(%arg18 : memref<!tpu.dma_semaphore, #tpu.memory_space<semaphore_mem>>)
      } else {
      }
    }
    %scan3A_29 = arith.constant 25 : i32
    %dma_wait3A = arith.constant 123 : i32
    %dma_wait3A_30 = arith.constant 0 : i32
    %dma_wait3A_31 = tpu.memref_slice %arg8[%dma_wait3A, %dma_wait3A_30] : memref<125x80xi32, #tpu.memory_space<vmem>> -> memref<1x80xi32, #tpu.memory_space<vmem>>
    %dma_wait3A_32 = tpu.memref_squeeze %dma_wait3A_31 : memref<1x80xi32, #tpu.memory_space<vmem>> -> memref<80xi32, #tpu.memory_space<vmem>>
    %dma_wait3A_33 = arith.constant 0 : i32
    %dma_wait3A_34 = tpu.memref_slice %arg15[%dma_wait3A_33] : memref<10000xf32, #tpu.memory_space<vmem_shared>> -> memref<10000xf32, #tpu.memory_space<vmem_shared>>
    tpu.wait_indirect_dma semaphore(%arg24 : memref<!tpu.dma_semaphore, #tpu.memory_space<semaphore_mem>>) src(%arg12 : memref<80xf32, #tpu.memory_space<vmem>>) dst(%dma_wait3A_34 : memref<10000xf32, #tpu.memory_space<vmem_shared>>)
    %dma_wait3A_35 = arith.constant 124 : i32
    %dma_wait3A_36 = arith.constant 0 : i32
    %dma_wait3A_37 = tpu.memref_slice %arg8[%dma_wait3A_35, %dma_wait3A_36] : memref<125x80xi32, #tpu.memory_space<vmem>> -> memref<1x80xi32, #tpu.memory_space<vmem>>
    %dma_wait3A_38 = tpu.memref_squeeze %dma_wait3A_37 : memref<1x80xi32, #tpu.memory_space<vmem>> -> memref<80xi32, #tpu.memory_space<vmem>>
    %dma_wait3A_39 = arith.constant 0 : i32
    %dma_wait3A_40 = tpu.memref_slice %arg15[%dma_wait3A_39] : memref<10000xf32, #tpu.memory_space<vmem_shared>> -> memref<10000xf32, #tpu.memory_space<vmem_shared>>
    tpu.wait_indirect_dma semaphore(%arg25 : memref<!tpu.dma_semaphore, #tpu.memory_space<semaphore_mem>>) src(%arg13 : memref<80xf32, #tpu.memory_space<vmem>>) dst(%dma_wait3A_40 : memref<10000xf32, #tpu.memory_space<vmem_shared>>)
    %barrier3A_41 = arith.constant 0 : index
    tpu.barrier barrier_id(%barrier3A_41)
    %eq3A_42 = arith.constant 0 : i32
    %eq3A_43 = arith.cmpi eq, %arg1, %eq3A_42 : i32
    %convert_element_type3A_44 = arith.extui %eq3A_43 : i1 to i32
    %cond3A_45 = arith.constant 0 : i32
    %cond3A_46 = arith.cmpi ne, %convert_element_type3A_44, %cond3A_45 : i32
    scf.if %cond3A_46 {
      "tpu.region"() ({
        %run_scoped3A = tpu.sem_alloc : memref<!tpu.dma_semaphore, #tpu.memory_space<semaphore_mem>>
        %dma_start3A_47 = arith.constant 0 : i32
        %dma_start3A_48 = tpu.memref_slice %arg6[%arg0, %dma_start3A_47] : memref<2x10000xf32, #tpu.memory_space<hbm>> -> memref<1x10000xf32, #tpu.memory_space<hbm>>
        %dma_start3A_49 = tpu.memref_squeeze %dma_start3A_48 : memref<1x10000xf32, #tpu.memory_space<hbm>> -> memref<10000xf32, #tpu.memory_space<hbm>>
        tpu.enqueue_dma source(%arg15 : memref<10000xf32, #tpu.memory_space<vmem_shared>>) target(%dma_start3A_49 : memref<10000xf32, #tpu.memory_space<hbm>>) target_semaphore(%run_scoped3A : memref<!tpu.dma_semaphore, #tpu.memory_space<semaphore_mem>>)
        %dma_wait3A_50 = arith.constant 0 : i32
        %dma_wait3A_51 = tpu.memref_slice %arg6[%arg0, %dma_wait3A_50] : memref<2x10000xf32, #tpu.memory_space<hbm>> -> memref<1x10000xf32, #tpu.memory_space<hbm>>
        %dma_wait3A_52 = tpu.memref_squeeze %dma_wait3A_51 : memref<1x10000xf32, #tpu.memory_space<hbm>> -> memref<10000xf32, #tpu.memory_space<hbm>>
        tpu.wait_dma2 semaphore(%run_scoped3A : memref<!tpu.dma_semaphore, #tpu.memory_space<semaphore_mem>>) src(%arg15 : memref<10000xf32, #tpu.memory_space<vmem_shared>>) dst(%dma_wait3A_52 : memref<10000xf32, #tpu.memory_space<hbm>>)
        tpu.yield
      }) : () -> ()
    } else {
    }
    return
  }
}

module attributes {stable_mosaic.version = 14 : i64} {
  func.func @body(%arg0: i32, %arg1: memref<1000x128xf32, #tpu.memory_space<vmem>>, %arg2: memref<128x256xf32, #tpu.memory_space<vmem>>, %arg3: memref<1x256xf32, #tpu.memory_space<vmem>>, %arg4: memref<1000x256xf32, #tpu.memory_space<vmem>>) attributes {dimension_semantics = [#tpu.dimension_semantics<arbitrary>], iteration_bounds = array<i64: 10>, scalar_prefetch = 0 : i64, scratch_operands = 0 : i64, tpu.core_type = #tpu.core_type<tc>, window_params = [{transform_indices = @transform_0, window_bounds = array<i64: 1000, 128>}, {pipeline_mode = #tpu.pipeline_mode<synchronous>, transform_indices = @transform_1, window_bounds = array<i64: 128, 256>}, {pipeline_mode = #tpu.pipeline_mode<synchronous>, transform_indices = @transform_2, window_bounds = array<i64: 1, 256>}, {transform_indices = @transform_3, window_bounds = array<i64: 1000, 256>}]} {
    %get3A = arith.constant 0 : index
    %get3A_0 = arith.constant 0 : index
    %get3A_1 = vector.load %arg1[%get3A, %get3A_0] : memref<1000x128xf32, #tpu.memory_space<vmem>>, vector<1000x128xf32>
    %get3A_2 = arith.constant 0 : index
    %get3A_3 = arith.constant 0 : index
    %get3A_4 = vector.load %arg2[%get3A_2, %get3A_3] : memref<128x256xf32, #tpu.memory_space<vmem>>, vector<128x256xf32>
    %dot_general3A = arith.constant dense<0.000000e+00> : vector<1000x256xf32>
    %dot_general3A_5 = tpu.matmul %get3A_1, %get3A_4, %dot_general3A {dimension_numbers = #tpu.dot_dimension_numbers<[1], [0], [0], [1], [0, 0, 1, 1], [], []>, transpose_lhs_hint = false} : vector<1000x128xf32>, vector<128x256xf32>, vector<1000x256xf32> -> vector<1000x256xf32>
    %get3A_6 = arith.constant 0 : index
    %get3A_7 = arith.constant 0 : index
    %get3A_8 = vector.load %arg3[%get3A_6, %get3A_7] : memref<1x256xf32, #tpu.memory_space<vmem>>, vector<1x256xf32>
    %add3A = vector.broadcast %get3A_8 : vector<1x256xf32> to vector<1000x256xf32>
    %add3A_9 = arith.addf %dot_general3A_5, %add3A : vector<1000x256xf32>
    %swap3A = arith.constant 0 : index
    %swap3A_10 = arith.constant 0 : index
    %swap3A_11 = vector.load %arg4[%swap3A, %swap3A_10] : memref<1000x256xf32, #tpu.memory_space<vmem>>, vector<1000x256xf32>
    tpu.vector_store %arg4[%swap3A, %swap3A_10], %add3A_9 {strides = array<i32>} : memref<1000x256xf32, #tpu.memory_space<vmem>>, vector<1000x256xf32>,
    return
  }
  func.func @transform_0(%arg0: i32) -> (i32, i32) {
    %c0_i32 = arith.constant 0 : i32
    %c0_i32_0 = arith.constant 0 : i32
    return %arg0, %c0_i32 : i32, i32
  }
  func.func @transform_1(%arg0: i32) -> (i32, i32) {
    %c0_i32 = arith.constant 0 : i32
    %c0_i32_0 = arith.constant 0 : i32
    %c0_i32_1 = arith.constant 0 : i32
    return %c0_i32, %c0_i32_0 : i32, i32
  }
  func.func @transform_2(%arg0: i32) -> (i32, i32) {
    %c0_i32 = arith.constant 0 : i32
    %c0_i32_0 = arith.constant 0 : i32
    %c0_i32_1 = arith.constant 0 : i32
    return %c0_i32, %c0_i32_0 : i32, i32
  }
  func.func @transform_3(%arg0: i32) -> (i32, i32) {
    %c0_i32 = arith.constant 0 : i32
    %c0_i32_0 = arith.constant 0 : i32
    return %arg0, %c0_i32 : i32, i32
  }
}

module attributes {stable_mosaic.version = 14 : i64} {
  func.func @body(%arg0: i32, %arg1: memref<2x1000x128xf32, #tpu.memory_space<vmem>>, %arg2: memref<2x1000x1xf32, #tpu.memory_space<vmem>>, %arg3: memref<1000x256xf32, #tpu.memory_space<vmem>>, %arg4: memref<128x256xf32, #tpu.memory_space<vmem>>, %arg5: memref<256x2xf32, #tpu.memory_space<vmem>>, %arg6: memref<1000x2xf32, #tpu.memory_space<vmem>>, %arg7: memref<1000x1xf32, #tpu.memory_space<vmem>>) attributes {dimension_semantics = [#tpu.dimension_semantics<arbitrary>], iteration_bounds = array<i64: 10>, scalar_prefetch = 0 : i64, scratch_operands = 0 : i64, tpu.core_type = #tpu.core_type<tc>, window_params = [{transform_indices = @transform_0, window_bounds = array<i64: 2, 1000, 128>}, {transform_indices = @transform_1, window_bounds = array<i64: 2, 1000, 1>}, {transform_indices = @transform_2, window_bounds = array<i64: 1000, 256>}, {pipeline_mode = #tpu.pipeline_mode<synchronous>, transform_indices = @transform_3, window_bounds = array<i64: 128, 256>}, {pipeline_mode = #tpu.pipeline_mode<synchronous>, transform_indices = @transform_4, window_bounds = array<i64: 256, 2>}, {transform_indices = @transform_5, window_bounds = array<i64: 1000, 2>}, {transform_indices = @transform_6, window_bounds = array<i64: 1000, 1>}]} {
    %get3A = arith.constant 0 : index
    %get3A_0 = arith.constant 0 : index
    %get3A_1 = arith.constant 0 : index
    %get3A_2 = vector.load %arg2[%get3A, %get3A_0, %get3A_1] : memref<2x1000x1xf32, #tpu.memory_space<vmem>>, vector<1x1000x1xf32>
    %get3A_3 = vector.shape_cast %get3A_2 : vector<1x1000x1xf32> to vector<1000x1xf32>
    %get3A_4 = arith.constant 1 : index
    %get3A_5 = arith.constant 0 : index
    %get3A_6 = arith.constant 0 : index
    %get3A_7 = vector.load %arg2[%get3A_4, %get3A_5, %get3A_6] : memref<2x1000x1xf32, #tpu.memory_space<vmem>>, vector<1x1000x1xf32>
    %get3A_8 = vector.shape_cast %get3A_7 : vector<1x1000x1xf32> to vector<1000x1xf32>
    %add3A = arith.addf %get3A_3, %get3A_8 : vector<1000x1xf32>
    %max3A = arith.constant 1.000000e+00 : f32
    %max3A_9 = vector.broadcast %max3A : f32 to vector<1000x1xf32>
    %max3A_10 = arith.maximumf %add3A, %max3A_9 : vector<1000x1xf32>
    %get3A_11 = arith.constant 0 : index
    %get3A_12 = arith.constant 0 : index
    %get3A_13 = arith.constant 0 : index
    %get3A_14 = vector.load %arg1[%get3A_11, %get3A_12, %get3A_13] : memref<2x1000x128xf32, #tpu.memory_space<vmem>>, vector<1x1000x128xf32>
    %get3A_15 = vector.shape_cast %get3A_14 : vector<1x1000x128xf32> to vector<1000x128xf32>
    %get3A_16 = arith.constant 1 : index
    %get3A_17 = arith.constant 0 : index
    %get3A_18 = arith.constant 0 : index
    %get3A_19 = vector.load %arg1[%get3A_16, %get3A_17, %get3A_18] : memref<2x1000x128xf32, #tpu.memory_space<vmem>>, vector<1x1000x128xf32>
    %get3A_20 = vector.shape_cast %get3A_19 : vector<1x1000x128xf32> to vector<1000x128xf32>
    %add3A_21 = arith.addf %get3A_15, %get3A_20 : vector<1000x128xf32>
    %div3A = vector.broadcast %max3A_10 : vector<1000x1xf32> to vector<1000x128xf32>
    %div3A_22 = arith.divf %add3A_21, %div3A : vector<1000x128xf32>
    %get3A_23 = arith.constant 0 : index
    %get3A_24 = arith.constant 0 : index
    %get3A_25 = vector.load %arg4[%get3A_23, %get3A_24] : memref<128x256xf32, #tpu.memory_space<vmem>>, vector<128x256xf32>
    %dot_general3A = arith.constant dense<0.000000e+00> : vector<1000x256xf32>
    %dot_general3A_26 = tpu.matmul %div3A_22, %get3A_25, %dot_general3A {dimension_numbers = #tpu.dot_dimension_numbers<[1], [0], [0], [1], [0, 0, 1, 1], [], []>, transpose_lhs_hint = false} : vector<1000x128xf32>, vector<128x256xf32>, vector<1000x256xf32> -> vector<1000x256xf32>
    %get3A_27 = arith.constant 0 : index
    %get3A_28 = arith.constant 0 : index
    %get3A_29 = vector.load %arg3[%get3A_27, %get3A_28] : memref<1000x256xf32, #tpu.memory_space<vmem>>, vector<1000x256xf32>
    %add3A_30 = arith.addf %dot_general3A_26, %get3A_29 : vector<1000x256xf32>
    %max3A_31 = arith.constant 0.000000e+00 : f32
    %max3A_32 = vector.broadcast %max3A_31 : f32 to vector<1000x256xf32>
    %max3A_33 = arith.maximumf %add3A_30, %max3A_32 : vector<1000x256xf32>
    %get3A_34 = arith.constant 0 : index
    %get3A_35 = arith.constant 0 : index
    %get3A_36 = vector.load %arg5[%get3A_34, %get3A_35] : memref<256x2xf32, #tpu.memory_space<vmem>>, vector<256x2xf32>
    %dot_general3A_37 = arith.constant dense<0.000000e+00> : vector<1000x2xf32>
    %dot_general3A_38 = tpu.matmul %max3A_33, %get3A_36, %dot_general3A_37 {dimension_numbers = #tpu.dot_dimension_numbers<[1], [0], [0], [1], [0, 0, 1, 1], [], []>, transpose_lhs_hint = false} : vector<1000x256xf32>, vector<256x2xf32>, vector<1000x2xf32> -> vector<1000x2xf32>
    %swap3A = arith.constant 0 : index
    %swap3A_39 = arith.constant 0 : index
    %swap3A_40 = vector.load %arg6[%swap3A, %swap3A_39] : memref<1000x2xf32, #tpu.memory_space<vmem>>, vector<1000x2xf32>
    tpu.vector_store %arg6[%swap3A, %swap3A_39], %dot_general3A_38 {strides = array<i32>} : memref<1000x2xf32, #tpu.memory_space<vmem>>, vector<1000x2xf32>,
    %swap3A_41 = arith.constant 0 : index
    %swap3A_42 = arith.constant 0 : index
    %swap3A_43 = vector.load %arg7[%swap3A_41, %swap3A_42] : memref<1000x1xf32, #tpu.memory_space<vmem>>, vector<1000x1xf32>
    tpu.vector_store %arg7[%swap3A_41, %swap3A_42], %max3A_10 {strides = array<i32>} : memref<1000x1xf32, #tpu.memory_space<vmem>>, vector<1000x1xf32>,
    return
  }
  func.func @transform_0(%arg0: i32) -> (i32, i32, i32) {
    %c0_i32 = arith.constant 0 : i32
    %c0_i32_0 = arith.constant 0 : i32
    %c0_i32_1 = arith.constant 0 : i32
    return %c0_i32, %arg0, %c0_i32_0 : i32, i32, i32
  }
  func.func @transform_1(%arg0: i32) -> (i32, i32, i32) {
    %c0_i32 = arith.constant 0 : i32
    %c0_i32_0 = arith.constant 0 : i32
    %c0_i32_1 = arith.constant 0 : i32
    return %c0_i32, %arg0, %c0_i32_0 : i32, i32, i32
  }
  func.func @transform_2(%arg0: i32) -> (i32, i32) {
    %c0_i32 = arith.constant 0 : i32
    %c0_i32_0 = arith.constant 0 : i32
    return %arg0, %c0_i32 : i32, i32
  }
  func.func @transform_3(%arg0: i32) -> (i32, i32) {
    %c0_i32 = arith.constant 0 : i32
    %c0_i32_0 = arith.constant 0 : i32
    %c0_i32_1 = arith.constant 0 : i32
    return %c0_i32, %c0_i32_0 : i32, i32
  }
  func.func @transform_4(%arg0: i32) -> (i32, i32) {
    %c0_i32 = arith.constant 0 : i32
    %c0_i32_0 = arith.constant 0 : i32
    %c0_i32_1 = arith.constant 0 : i32
    return %c0_i32, %c0_i32_0 : i32, i32
  }
  func.func @transform_5(%arg0: i32) -> (i32, i32) {
    %c0_i32 = arith.constant 0 : i32
    %c0_i32_0 = arith.constant 0 : i32
    return %arg0, %c0_i32 : i32, i32
  }
  func.func @transform_6(%arg0: i32) -> (i32, i32) {
    %c0_i32 = arith.constant 0 : i32
    %c0_i32_0 = arith.constant 0 : i32
    return %arg0, %c0_i32 : i32, i32
  }
}

module attributes {stable_mosaic.version = 14 : i64} {
  func.func @body(%arg0: memref<10000x1xf32, #tpu.memory_space<vmem>>, %arg1: memref<10000x1xf32, #tpu.memory_space<vmem>>, %arg2: memref<10000x1xf32, #tpu.memory_space<vmem>>, %arg3: memref<10000x1xf32, #tpu.memory_space<vmem>>, %arg4: memref<1x1xf32, #tpu.memory_space<vmem>>, %arg5: memref<256x10000xf32, #tpu.memory_space<vmem>>, %arg6: memref<256x1xf32, #tpu.memory_space<vmem>>, %arg7: memref<1x256xf32, #tpu.memory_space<vmem>>, %arg8: memref<1x1xf32, #tpu.memory_space<vmem>>, %arg9: memref<1x1xf32, #tpu.memory_space<vmem>>) attributes {dimension_semantics = [], scalar_prefetch = 0 : i64, scratch_operands = 0 : i64, tpu.core_type = #tpu.core_type<tc>} {
    %get3A = arith.constant 0 : index
    %get3A_0 = arith.constant 0 : index
    %get3A_1 = vector.load %arg0[%get3A, %get3A_0] : memref<10000x1xf32, #tpu.memory_space<vmem>>, vector<10000x1xf32>
    %get3A_2 = arith.constant 0 : index
    %get3A_3 = arith.constant 0 : index
    %get3A_4 = vector.load %arg1[%get3A_2, %get3A_3] : memref<10000x1xf32, #tpu.memory_space<vmem>>, vector<10000x1xf32>
    %add3A = arith.addf %get3A_1, %get3A_4 : vector<10000x1xf32>
    %get3A_5 = arith.constant 0 : index
    %get3A_6 = arith.constant 0 : index
    %get3A_7 = vector.load %arg2[%get3A_5, %get3A_6] : memref<10000x1xf32, #tpu.memory_space<vmem>>, vector<10000x1xf32>
    %div3A = arith.divf %add3A, %get3A_7 : vector<10000x1xf32>
    %get3A_8 = arith.constant 0 : index
    %get3A_9 = arith.constant 0 : index
    %get3A_10 = vector.load %arg4[%get3A_8, %get3A_9] : memref<1x1xf32, #tpu.memory_space<vmem>>, vector<1x1xf32>
    %get3A_11 = vector.extract %get3A_10[0, 0] : f32 from vector<1x1xf32>
    %add3A_12 = vector.broadcast %get3A_11 : f32 to vector<10000x1xf32>
    %add3A_13 = arith.addf %div3A, %add3A_12 : vector<10000x1xf32>
    %get3A_14 = arith.constant 0 : index
    %get3A_15 = arith.constant 0 : index
    %get3A_16 = vector.load %arg3[%get3A_14, %get3A_15] : memref<10000x1xf32, #tpu.memory_space<vmem>>, vector<10000x1xf32>
    %add3A_17 = arith.addf %add3A_13, %get3A_16 : vector<10000x1xf32>
    %max3A = arith.constant 0.000000e+00 : f32
    %max3A_18 = vector.broadcast %max3A : f32 to vector<10000x1xf32>
    %max3A_19 = arith.maximumf %add3A_17, %max3A_18 : vector<10000x1xf32>
    %get3A_20 = arith.constant 0 : index
    %get3A_21 = arith.constant 0 : index
    %get3A_22 = vector.load %arg5[%get3A_20, %get3A_21] : memref<256x10000xf32, #tpu.memory_space<vmem>>, vector<256x10000xf32>
    %dot_general3A = arith.constant dense<0.000000e+00> : vector<256x1xf32>
    %dot_general3A_23 = tpu.matmul %get3A_22, %max3A_19, %dot_general3A {dimension_numbers = #tpu.dot_dimension_numbers<[1], [0], [0], [1], [0, 0, 1, 1], [], []>, transpose_lhs_hint = false} : vector<256x10000xf32>, vector<10000x1xf32>, vector<256x1xf32> -> vector<256x1xf32>
    %get3A_24 = arith.constant 0 : index
    %get3A_25 = arith.constant 0 : index
    %get3A_26 = vector.load %arg6[%get3A_24, %get3A_25] : memref<256x1xf32, #tpu.memory_space<vmem>>, vector<256x1xf32>
    %add3A_27 = arith.addf %dot_general3A_23, %get3A_26 : vector<256x1xf32>
    %get3A_28 = arith.constant 0 : index
    %get3A_29 = arith.constant 0 : index
    %get3A_30 = vector.load %arg7[%get3A_28, %get3A_29] : memref<1x256xf32, #tpu.memory_space<vmem>>, vector<1x256xf32>
    %dot_general3A_31 = arith.constant dense<0.000000e+00> : vector<1x1xf32>
    %dot_general3A_32 = tpu.matmul %get3A_30, %add3A_27, %dot_general3A_31 {dimension_numbers = #tpu.dot_dimension_numbers<[1], [0], [0], [1], [0, 0, 1, 1], [], []>, transpose_lhs_hint = false} : vector<1x256xf32>, vector<256x1xf32>, vector<1x1xf32> -> vector<1x1xf32>
    %get3A_33 = arith.constant 0 : index
    %get3A_34 = arith.constant 0 : index
    %get3A_35 = vector.load %arg8[%get3A_33, %get3A_34] : memref<1x1xf32, #tpu.memory_space<vmem>>, vector<1x1xf32>
    %add3A_36 = arith.addf %dot_general3A_32, %get3A_35 : vector<1x1xf32>
    %swap3A = arith.constant 0 : index
    %swap3A_37 = arith.constant 0 : index
    %swap3A_38 = vector.load %arg9[%swap3A, %swap3A_37] : memref<1x1xf32, #tpu.memory_space<vmem>>, vector<1x1xf32>
    tpu.vector_store %arg9[%swap3A, %swap3A_37], %add3A_36 {strides = array<i32>} : memref<1x1xf32, #tpu.memory_space<vmem>>, vector<1x1xf32>,
    return
  }
}

</mosaic_0001>

<sc_bundles>
// kernel: kernel.10.cloned.1.call-start
scs
__scs_entry_jumppad:
0x0: {  	(pc) =	sbr.rel $0x88, $3  }
0x1: {  	(tag) =	ssettag $0x0;
	lr =	simm.s32 $0x1  }
0x2: {  	[smem:$0x3F95] =	sst lr;
	_ =	strace $0xD0000000  }
0x3: {  	_ = 	snop  }
0x4: {  	_ = 	snop  }
0x5: {  	_ = 	snop  }
0x6: {  	_ = 	snop  }
0x7: {  	_ = 	snop  }
__scs_overlays_trampoline_lowered:
0x8: {  	[smem:$0x3FA4] =	sst s0  }
0x9: {  	[smem:$0x3FA5] =	sst s1  }
0xa: {  	[smem:$0x3FA6] =	sst s2  }
0xb: {  	[smem:$0x3FA7] =	sst s3  }
0xc: {  	[smem:$0x3FA8] =	sst s4  }
0xd: {  	[smem:$0x3FA9] =	sst s5  }
0xe: {  	[smem:$0x3FAA] =	sst s6  }
0xf: {  	[smem:$0x3FAB] =	sst s7  }
0x10: {  	[smem:$0x3FAC] =	sst s8  }
0x11: {  	[smem:$0x3FAD] =	sst s9;
	s0 =	simm.s32 @!p0 $0x0  }
0x12: {  	s1 =	sld [smem:$0x3F93];
	s0 =	simm.s32 @p0 $0x1  }
0x13: {  	[smem:$0x3FAE] =	sst s0;
	s0 =	simm.s32 @!p1 $0x0  }
0x14: {  	s2 =	sld [smem:$0x3F92];
	s0 =	simm.s32 @p1 $0x1  }
0x15: {  	[smem:$0x3FAF] =	sst s0;
	s0 =	simm.s32 @!p2 $0x0  }
0x16: {  	s3 =	sld [smem:$0x3FDB];
	s0 =	simm.s32 @p2 $0x1  }
0x17: {  	s4 =	simm.s32 $0x1BF5;
	[smem:$0x3FB1] =	sst s0  }
0x18: {  	s0 =	sld [smem:$0x3F94];
	_ =	swait.ge [sflag:s4], $0x0  }
0x19: {  	s7 =	sld [smem:$0x3F95]  }
0x1a: {  	s8 =	sadd.s32 $0xFFFFE003, lr  }
0x1b: {  	s9 =	sadd.s32 $0xFFFFFEF7, lr;
	s5 =	simm.s32 $0xFFFFFFFF;
	p2 =	slt.u32 s8, $0xFFFFF086  }
0x1c: {  	p1 =	slt.u32 s9, $0xF7A;
	s5 =	simm.s32 @!p2 $0x0  }
0x1d: {  	s5 =	simm.s32 @p1 $0x1;
	p0 =	seq.s32 s7, s2  }
0x1e: {  	s7 =	smul.u32 @!p0 $0xF7A, s2;
	p2 =	seq.s32 @!p0 s5, $0x0  }
0x1f: {  	s9 =	smul.u32 $0xF7A, s1;
	s8 =	simm.s32 @!p0 $0x1BF5;
	p2 =	por !p2, p0  }
0x20: {  	[sflag:s8] =	ssyncset.s32 @!p0 $0xFFFFF086;
	s6 =	sadd.s32 @!p0 s3, s7;
	s7 =	simm.s32 @!p0 $0x108  }
0x21: {  	s3 =	sadd.s32 s3, s9;
	s6 =	sadd.s32 @!p0 $0x88, s6;
	s7 =	simm.s32 @p2 $0x1082  }
0x22: {  	[simem:s7], [sflag:s8] =	dma.local @!p0 [hbm:s6], $0xF7A  }
0x23: {  	s9 =	sor.u32 $0xD0000000, s2;
	s6 =	simm.s32 $0x108;
	_ =	swait.ge @!p0 [sflag:s8], $0x0  }
0x24: {  	s3 =	sadd.s32 $0x88, s3;
	s6 =	simm.s32 @!p1 $0x1082;
	[sflag:s4] =	ssyncset.s32 $0xFFFFF086  }
0x25: {  	[simem:s6], [sflag:s4] =	dma.local [hbm:s3], $0xF7A  }
0x26: {  	[smem:$0x3F95] =	sst s1;
	(tag) =	ssettag s2;
	_ =	strace s9  }
0x27: {  	s1 =	sld [smem:$0x3FA5]  }
0x28: {  	s2 =	sld [smem:$0x3FA6]  }
0x29: {  	s4 =	sld [smem:$0x3FA8]  }
0x2a: {  	p0 =	seq.s32 s5, $0x0;
	s5 =	sld [smem:$0x3FA9]  }
0x2b: {  	s6 =	sld [smem:$0x3FAA]  }
0x2c: {  	s7 =	sld [smem:$0x3FAB]  }
0x2d: {  	s3 =	simm.s32 $0x108;
	s8 =	sld [smem:$0x3FAC]  }
0x2e: {  	s3 =	simm.s32 @!p0 $0x1082;
	s9 =	sld [smem:$0x3FAD]  }
0x2f: {  	lr =	sadd.s32 s0, s3;
	s0 =	sld [smem:$0x3FA4]  }
0x30: {  	s3 =	sld [smem:$0x3FA7]  }
0x31: {  	[smem:$0x3FB0] =	sst s10  }
0x32: {  	s10 =	sld [smem:$0x3FAE];
	_ =	sdelay $0x3  }
0x33: {  	p0 =	seq.s32 s10, $0x1;
	s10 =	sld [smem:$0x3FB0];
	_ =	sdelay $0x3  }
0x34: {  	[smem:$0x3FB0] =	sst s10  }
0x35: {  	s10 =	sld [smem:$0x3FAF];
	_ =	sdelay $0x3  }
0x36: {  	p1 =	seq.s32 s10, $0x1;
	s10 =	sld [smem:$0x3FB0];
	_ =	sdelay $0x3  }
0x37: {  	[smem:$0x3FB0] =	sst s10  }
0x38: {  	s10 =	sld [smem:$0x3FB1]  }
0x39: {  	_ = 	snop;
	(pc) =	sbr.ind lr, $3  }
0x3a: {  	_ = 	snop  }
0x3b: {  	_ = 	snop  }
0x3c: {  	p2 =	seq.s32 s10, $0x1;
	s10 =	sld [smem:$0x3FB0]  }
0x3d: {  	_ =	shalt  }
0x3e: {  	_ =	shalt  }
0x3f: {  	_ =	shalt  }
0x40: {  	_ =	shalt  }
0x41: {  	_ =	shalt  }
0x42: {  	_ =	shalt  }
0x43: {  	_ =	shalt  }
0x44: {  	_ =	shalt  }
0x45: {  	_ =	shalt  }
0x46: {  	_ =	shalt  }
0x47: {  	_ =	shalt  }
0x48: {  	_ =	shalt  }
0x49: {  	_ =	shalt  }
0x4a: {  	_ =	shalt  }
0x4b: {  	_ =	shalt  }
0x4c: {  	_ =	shalt  }
0x4d: {  	_ =	shalt  }
0x4e: {  	_ =	shalt  }
0x4f: {  	_ =	shalt  }
0x50: {  	_ =	shalt  }
0x51: {  	_ =	shalt  }
0x52: {  	_ =	shalt  }
0x53: {  	_ =	shalt  }
0x54: {  	_ =	shalt  }
0x55: {  	_ =	shalt  }
0x56: {  	_ =	shalt  }
0x57: {  	_ =	shalt  }
0x58: {  	_ =	shalt  }
0x59: {  	_ =	shalt  }
0x5a: {  	_ =	shalt  }
0x5b: {  	_ =	shalt  }
0x5c: {  	_ =	shalt  }
0x5d: {  	_ =	shalt  }
0x5e: {  	_ =	shalt  }
0x5f: {  	_ =	shalt  }
0x60: {  	_ =	shalt  }
0x61: {  	_ =	shalt  }
0x62: {  	_ =	shalt  }
0x63: {  	_ =	shalt  }
0x64: {  	_ =	shalt  }
0x65: {  	_ =	shalt  }
0x66: {  	_ =	shalt  }
0x67: {  	_ =	shalt  }
0x68: {  	_ =	shalt  }
0x69: {  	_ =	shalt  }
0x6a: {  	_ =	shalt  }
0x6b: {  	_ =	shalt  }
0x6c: {  	_ =	shalt  }
0x6d: {  	_ =	shalt  }
0x6e: {  	_ =	shalt  }
0x6f: {  	_ =	shalt  }
0x70: {  	_ =	shalt  }
0x71: {  	_ =	shalt  }
0x72: {  	_ =	shalt  }
0x73: {  	_ =	shalt  }
0x74: {  	_ =	shalt  }
0x75: {  	_ =	shalt  }
0x76: {  	_ =	shalt  }
0x77: {  	_ =	shalt  }
0x78: {  	_ =	shalt  }
0x79: {  	_ =	shalt  }
0x7a: {  	_ =	shalt  }
0x7b: {  	_ =	shalt  }
0x7c: {  	_ =	shalt  }
0x7d: {  	_ =	shalt  }
0x7e: {  	_ =	shalt  }
0x7f: {  	_ =	shalt  }
0x80: {  	_ =	shalt  }
0x81: {  	_ =	shalt  }
0x82: {  	_ =	shalt  }
0x83: {  	_ =	shalt  }
0x84: {  	_ =	shalt  }
0x85: {  	_ =	shalt  }
0x86: {  	_ =	shalt  }
0x87: {  	_ =	shalt  }
.Lfunc_end0:
.L_simem_size_0:
called_computation.1_lowered:
.L_overlay_start_0:
0x88: {  	s2 =	sld [smem:$0x3FD9]  }
0x89: {  	s3 =	sld [smem:$0x3FFE];
	_ =	sdelay $0x1  }
0x8a: {  	s1 =	srdreg.scid  }
0x8b: {  	s0 =	sand.u32 $0x1, s1  }
0x8c: {  	s16 =	sshll.u32 s0, $0xA;
	s2 =	sadd.s32 s3, s2  }
0x8d: {  	s2 =	sadd.s32 s2, s16  }
0x8e: {  	[smem:$0x3FBC] =	sst s2  }
0x8f: {  	_ = 	snop  }
0x90: {  	(tm) =	ssettm $0x1  }
0x91: {  	s17 =	sld [smem:$0x3FFB];
	_ =	sdelay $0x3  }
0x92: {  	_ =	strace s17  }
0x93: {  	s2 =	sld [smem:$0x3FFC];
	_ =	sdelay $0x3  }
0x94: {  	_ =	strace s2  }
0x95: {  	s2 =	sld [smem:$0x3FFD];
	_ =	sdelay $0x3  }
0x96: {  	_ =	strace s2  }
0x97: {  	_ =	strace $0x8FFFFFFF  }
0x98: {  	s18 =	sld [smem:$0x3FDB];
	_ =	sdelay $0x1  }
0x99: {  	s19 =	simm.s32 $_scs_section_size  }
0x9a: {  	s4 =	simm.s32 $_size__tile_overlayer_lowered;
	s5 =	simm.s32 $_tile_overlayer_lowered  }
0x9b: {  	s22 =	simm.s32 $0x1BFF;
	s21 =	sshll.u32 s5, $0x1;
	s2 =	sadd.s32 s19, s18  }
0x9c: {  	s6 =	simm.s32 $0x0;
	s20 =	sshll.u32 s4, $0x1;
	s4 =	sadd.s32 s21, s2  }
0x9d: {  	[timem:s6], [sflag:s22] =	dma.local [hbm:s4], s20  }
0x9e: {  	_ =	swait.ge [sflag:s22], s20  }
0x9f: {  	s3 =	ssub.s32 $0x0, s20;
	[sflag:s22] =	ssyncset.done $0x0  }
0xa0: {  	[sflag:s22] =	ssyncadd.s32 s3;
	_ =	sdelay $0x1  }
0xa1: {  	s23 =	simm.s32 $0x1B8B  }
0xa2: {  	_ =	swait.ge [sflag:s23], $0x1  }
0xa3: {  	[sflag:s23] =	ssyncset.done $0x0  }
0xa4: {  	s25 =	simm.s32 $0x1B8E;
	s24 =	sld [smem:$0x3FFE];
	[sflag:s23] =	ssyncadd.s32 $0xFFFFFFFF  }
0xa5: {  	s26 =	simm.s32 $execute0_lowered;
	[smem:$0x3FD2] =	sst s25  }
0xa6: {  	s4 =	sshll.u32 s26, $0x1;
	_ =	strace $0x80000049;
	[dreg:$0x1] =	wrdreg $0xFFFFFFFF  }
0xa7: {  	s28 =	simm.s32 $_size_execute0_lowered;
	s2 =	sadd.s32 s2, s4;
	[dreg:$0x0] =	wrdreg $0x0  }
0xa8: {  	s4 =	sshll.u32 s28, $0x1;
	[dreg:$0x2] =	wrdreg s2  }
0xa9: {  	[dreg:$0x3] =	wrdreg s4  }
0xaa: {  	[dreg:$0x4] =	wrdreg $0xC0  }
0xab: {  	_ =	task [dreg:s6], $0x5FFFF  }
0xac: {  	[dreg:$0x1] =	wrdreg $0xFFFFFFFF  }
0xad: {  	[dreg:$0x0] =	wrdreg $0x60  }
0xae: {  	[dreg:$0x2] =	wrdreg s24  }
0xaf: {  	[dreg:$0x3] =	wrdreg $0x84F80  }
0xb0: {  	[dreg:$0x4] =	wrdreg $0x82800  }
0xb1: {  	[dreg:$0x5] =	wrdreg $0x9  }
0xb2: {  	_ =	task.clear_ibuf [dreg:s6], $0x6FFFF;
	_ =	strace $0x90000049  }
0xb3: {  	s29 =	simm.s32 $0x9;
	_ =	strace $0x8000004B  }
0xb4: {  	_ =	swait.ge [sflag:s29], $0x1  }
0xb5: {  	[sflag:s29] =	ssyncadd.s32 $0xFFFFFFFF  }
0xb6: {  	_ =	strace $0x9000004B  }
0xb7: {  	_ =	sfence  }
0xb8: {  	s30 =	sld [smem:$0x0];
	_ =	sdelay $0x2  }
0xb9: {  	s31 =	sshll.u32 s1, $0xD;
	s1 =	sshrl.u32 s1, $0x2  }
0xba: {  	s3 =	sand.u32 $0x4000, s31;
	s1 =	sadd.s32 s1, s30  }
0xbb: {  	s0 =	sor.u32 s3, s0;
	s1 =	sshll.u32 s1, $0x11  }
0xbc: {  	s0 =	sor.u32 s1, s0  }
0xbd: {  	s0 =	sadd.s32 $0x8F2B, s0  }
0xbe: {  	[sflag:s0] =	ssyncadd.remote.s32 $0x1  }
0xbf: {  	_ =	sfence.sel $0xFFFF  }
0xc0: {  	[dreg:$0x0] =	wrdreg $0xFFFFFFFF;
	(pc) =	sbr.abs _section_cstart, $3  }
0xc1: {  	[dreg:$0x1] =	wrdreg $0xFFFFFFFF  }
0xc2: {  	_ =	task.clear_ibuf [dreg:s6], $0x2FFFF;
	_ =	strace $0x9FFFFFFF  }
0xc3: {  	(tm) =	ssettm $0x7FFFFFFF  }
tec
execute0_lowered:
.L_overlay_start_1:
0x0: {  	(tag) =	ssettag $0x1  }
0x1: {  	s0 =	rddreg [dreg:$0x0]  }
0x2: {  	s1 =	rddreg [dreg:$0x1]  }
0x3: {  	s2 =	rddreg [dreg:$0x2];
	s4 =	srdreg.scid  }
0x4: {  	s3 =	simm.s32 $0x0;
	s5 =	stileid.u32;
	s12 =	simm.s32 $0xB  }
0x5: {  	s13 =	simm.s32 $0x4000;
	s14 =	simm.s32 $0x50;
	s15 =	simm.s32 $0x8000  }
0x6: {  	s17 =	simm.s32 $0x8080;
	s19 =	simm.s32 $0x8100;
	s20 =	simm.s32 $0x1  }
0x7: {  	s22 =	simm.s32 $0x8180;
	s23 =	simm.s32 $0x2;
	s28 =	simm.s32 $0x3  }
0x8: {  	s30 =	simm.s32 $0x6;
	s10 =	simm.s32 $0x5;
	s18 =	simm.s32 $0x8  }
0x9: {  	s24 =	simm.s32 $0x9;
	s4 =	sand.u32 $0x1, s4;
	[smem:$0x7FF] =	sst s3  }
0xa: {  	s7 =	sshll.u32 s5, $0xB;
	s8 =	sadd.s32 $0x2A00, s0;
	s26 =	sadd.s32 $0x52A00, s0  }
0xb: {  	p0 =	seq.s32 s5, $0x1;
	s31 =	sshrl.u32 s2, $0x3;
	p1 =	sne.s32 s5, $0x0  }
0xc: {  	s6 =	sshll.u32 s4, $0xF;
	_ =	strace $0x8000004A;
	[dreg:$0x4] =	wrdreg s8  }
0xd: {  	s25 =	sshll.u32 s4, $0x4;
	s4 =	ssub.s32 $0x2, s4;
	[dreg:$0x5] =	wrdreg s26  }
.Ltmp0:
0xe: {  	[dreg:$0x6] =	wrdreg s31;
	s6 =	sor.u32 s7, s6;
	(pc) =	sbr.rel .LBB2_1-.Ltmp0, $4  }
0xf: {  	s26 =	simm.s32 $0x8200;
	s29 =	sshrl.u32 s4, $0x1;
	s7 =	sadd.s32 s6, s0  }
0x10: {  	s0 =	sadd.s32 s25, s0;
	s4 =	ssub.s32 s4, s29;
	s25 =	simm.s32 $0xA  }
0x11: {  	s6 =	sadd.s32 $0xC8E00, s7;
	s7 =	sadd.s32 $0xD8E00, s7;
	s8 =	sadd.s32 $0x3000, s0  }
0x12: {  	s9 =	smax.u32 s4, $0x1;
	s0 =	simm.s32 $0x4;
	s4 =	simm.s32 $0x7  }
.LBB2_9:
0x13: {  	_ =	swait.ge [sflag:s24], $0x50  }
0x14: {  	[sflag:s24] =	ssyncset.done $0x0  }
0x15: {  	[sflag:s24] =	ssyncadd.s32 $0xFFFFFFB0  }
0x16: {  	s5 =	sshrl.u32 @!p1 s1, $0x3;
	_ =	swait.ge [sflag:s25], $0x50  }
0x17: {  	s11 =	simm.s32 @!p1 $0x1;
	s16 =	simm.s32 @!p1 $0x20;
	[sflag:s25] =	ssyncset.done $0x0  }
0x18: {  	s21 =	simm.s32 @!p1 $0x10;
	s3 =	sadd.s32 $0x1, s3;
	[sflag:s25] =	ssyncadd.s32 $0xFFFFFFB0  }
0x19: {  	s29 =	simm.s32 @!p1 $0x1C0B;
	p2 =	sne.s32 s3, s9;
	[bflag:$0x0] =	sbarrier.arrive $0xFFFF  }
0x1a: {  	[hbm:s8@s16], [sflag:s29] =	dma.strided @!p1 [spmem:s5@s21], $0x4F0, s11, $0x10   }
.Ltmp1:
0x1b: {  	_ = 	snop;
	(pc) =	sbr.rel @!p2 .LBB2_10-.Ltmp1, $4  }
0x1c: {  	s5 =	simm.s32 @!p1 $0xB  }
0x1d: {  	_ =	swait.ge @!p1 [sflag:s5], $0x4F0  }
0x1e: {  	[sflag:s5] =	ssyncset.done @!p1 $0x0  }
0x1f: {  	[sflag:s5] =	ssyncadd.s32 @!p1 $0xFFFFFB10  }
.LBB2_1:
.Ltmp2:
0x20: {  	(pc) =	sbr.rel @p0 .LBB2_4-.Ltmp2, $1  }
0x21: {  	_ =	sdelay $0x3  }
.Ltmp3:
0x22: {  	(pc) =	sbr.rel @p1 .LBB2_6-.Ltmp3, $1  }
0x23: {  	_ =	sdelay $0x3  }
.Ltmp4:
0x24: {  	(pc) =	sbr.rel .LBB2_5-.Ltmp4, $3  }
0x25: {  	_ =	sdelay $0x1  }
0x26: {  	s29 =	sshrl.u32 s1, $0x3;
	s5 =	rddreg [dreg:$0x5];
	s11 =	simm.s32 $0x1C0B  }
0x27: {  	[spmem:s29], [sflag:s11] =	dma.local [hbm:s5], $0x4F0  }
.LBB2_4:
0x28: {  	s5 =	rddreg [dreg:$0x4]  }
0x29: {  	s11 =	rddreg [dreg:$0x6];
	s16 =	simm.s32 $0x1C4B  }
0x2a: {  	[spmem:s11], [sflag:s16] =	dma.local [hbm:s5], $0x4F0  }
.LBB2_5:
0x2b: {  	_ =	swait.ge [sflag:s12], $0x4F0  }
0x2c: {  	[sflag:s12] =	ssyncset.done $0x0  }
0x2d: {  	[sflag:s12] =	ssyncadd.s32 $0xFFFFFB10  }
.LBB2_6:
0x2e: {  	s29 =	simm.s32 $0x0  }
0x2f: {  	[tilespmem:s29], [sflag:$0xB] =	stream.linear.gather [hbm4b:s6+s29], $0x3E80, $0x38;
	[tilespmem:$0x8770] =	vst v63  }
0x30: {  	_ =	swait.ge [sflag:s12], $0x3E80  }
0x31: {  	[sflag:s12] =	ssyncset.done $0x0  }
0x32: {  	[sflag:s12] =	ssyncadd.s32 $0xFFFFC180  }
0x33: {  	[tilespmem:s13], [sflag:$0xB] =	stream.linear.gather [hbm4b:s7+s29], $0x3E80, $0x38;
	[tilespmem:$0x8770] =	vst v63  }
0x34: {  	_ =	swait.ge [sflag:s12], $0x3E80  }
0x35: {  	[sflag:s12] =	ssyncset.done $0x0  }
0x36: {  	[sflag:s12] =	ssyncadd.s32 $0xFFFFC180  }
0x37: {  	[bflag:$0x0] =	sbarrier.arrive $0xFFFF  }
0x38: {  	[tilespmem:s15], [sflag:$0x1] =	stream.indirect.gather [spmem:s2], $0x1, s29, s14, $0xb8;
	[tilespmem:$0x8770] =	vst v63  }
0x39: {  	s5 =	simm.s32 $0x80  }
0x3a: {  	[tilespmem:s17], [sflag:$0x2] =	stream.indirect.gather [spmem:s2], $0x1, s5, s14, $0xb8;
	[tilespmem:$0x8770] =	vst v63  }
0x3b: {  	s21 =	simm.s32 $0x100  }
0x3c: {  	[tilespmem:s19], [sflag:$0x3] =	stream.indirect.gather [spmem:s2], $0x1, s21, s14, $0xb8;
	[tilespmem:$0x8770] =	vst v63  }
0x3d: {  	_ =	swait.ge [sflag:s20], $0x50  }
0x3e: {  	[sflag:s20] =	ssyncset.done $0x0  }
0x3f: {  	[sflag:s20] =	ssyncadd.s32 $0xFFFFFFB0  }
0x40: {  	[spmem:s1] =	stream.indirect.scatter.add.f32 [tilespmem:s15], [sflag:$0x6], $0x1, s13, s14, $0xb8;
	[tilespmem:$0x8770] =	vst v63  }
0x41: {  	s31 =	simm.s32 $0x180  }
0x42: {  	[tilespmem:s22], [sflag:$0x4] =	stream.indirect.gather [spmem:s2], $0x1, s31, s14, $0xb8;
	[tilespmem:$0x8770] =	vst v63  }
0x43: {  	_ =	swait.ge [sflag:s23], $0x50  }
0x44: {  	[sflag:s23] =	ssyncset.done $0x0  }
0x45: {  	s11 =	simm.s32 $0x4080;
	[sflag:s23] =	ssyncadd.s32 $0xFFFFFFB0  }
0x46: {  	[spmem:s1] =	stream.indirect.scatter.add.f32 [tilespmem:s17], [sflag:$0x7], $0x1, s11, s14, $0xb8;
	[tilespmem:$0x8770] =	vst v63  }
0x47: {  	s16 =	simm.s32 $0x200  }
0x48: {  	[tilespmem:s26], [sflag:$0x5] =	stream.indirect.gather [spmem:s2], $0x1, s16, s14, $0xb8;
	[tilespmem:$0x8770] =	vst v63  }
0x49: {  	_ =	swait.ge [sflag:s28], $0x50  }
0x4a: {  	[sflag:s28] =	ssyncset.done $0x0  }
0x4b: {  	s21 =	simm.s32 $0x4100;
	[sflag:s28] =	ssyncadd.s32 $0xFFFFFFB0  }
0x4c: {  	[spmem:s1] =	stream.indirect.scatter.add.f32 [tilespmem:s19], [sflag:$0x8], $0x1, s21, s14, $0xb8;
	[tilespmem:$0x8770] =	vst v63  }
0x4d: {  	_ =	swait.ge [sflag:s30], $0x50  }
0x4e: {  	[sflag:s30] =	ssyncset.done $0x0  }
0x4f: {  	s31 =	simm.s32 $0x280;
	[sflag:s30] =	ssyncadd.s32 $0xFFFFFFB0  }
0x50: {  	[tilespmem:s15], [sflag:$0x1] =	stream.indirect.gather [spmem:s2], $0x1, s31, s14, $0xb8;
	[tilespmem:$0x8770] =	vst v63  }
0x51: {  	_ =	swait.ge [sflag:s0], $0x50  }
0x52: {  	[sflag:s0] =	ssyncset.done $0x0  }
0x53: {  	s11 =	simm.s32 $0x4180;
	[sflag:s0] =	ssyncadd.s32 $0xFFFFFFB0  }
0x54: {  	[spmem:s1] =	stream.indirect.scatter.add.f32 [tilespmem:s22], [sflag:$0x9], $0x1, s11, s14, $0xb8;
	[tilespmem:$0x8770] =	vst v63  }
0x55: {  	_ =	swait.ge [sflag:s4], $0x50  }
0x56: {  	[sflag:s4] =	ssyncset.done $0x0  }
0x57: {  	s16 =	simm.s32 $0x300;
	[sflag:s4] =	ssyncadd.s32 $0xFFFFFFB0  }
0x58: {  	[tilespmem:s17], [sflag:$0x2] =	stream.indirect.gather [spmem:s2], $0x1, s16, s14, $0xb8;
	[tilespmem:$0x8770] =	vst v63  }
0x59: {  	_ =	swait.ge [sflag:s10], $0x50  }
0x5a: {  	[sflag:s10] =	ssyncset.done $0x0  }
0x5b: {  	s21 =	simm.s32 $0x4200;
	[sflag:s10] =	ssyncadd.s32 $0xFFFFFFB0  }
0x5c: {  	[spmem:s1] =	stream.indirect.scatter.add.f32 [tilespmem:s26], [sflag:$0xA], $0x1, s21, s14, $0xb8;
	[tilespmem:$0x8770] =	vst v63  }
0x5d: {  	_ =	swait.ge [sflag:s18], $0x50  }
0x5e: {  	[sflag:s18] =	ssyncset.done $0x0  }
0x5f: {  	s31 =	simm.s32 $0x380;
	[sflag:s18] =	ssyncadd.s32 $0xFFFFFFB0  }
0x60: {  	[tilespmem:s19], [sflag:$0x3] =	stream.indirect.gather [spmem:s2], $0x1, s31, s14, $0xb8;
	[tilespmem:$0x8770] =	vst v63  }
.LBB2_7:
0x61: {  	_ =	swait.ge [sflag:s20], $0x50  }
0x62: {  	s31 =	sshra.s32 s29, $0x2;
	[sflag:s20] =	ssyncset.done $0x0  }
0x63: {  	s11 =	sadd.s32 $0x4280, s31;
	[sflag:s20] =	ssyncadd.s32 $0xFFFFFFB0  }
0x64: {  	[spmem:s1] =	stream.indirect.scatter.add.f32 [tilespmem:s15], [sflag:$0x6], $0x1, s11, s14, $0xb8;
	[tilespmem:$0x8770] =	vst v63  }
0x65: {  	_ =	swait.ge [sflag:s24], $0x50  }
0x66: {  	[sflag:s24] =	ssyncset.done $0x0  }
0x67: {  	s16 =	sadd.s32 $0x400, s31;
	[sflag:s24] =	ssyncadd.s32 $0xFFFFFFB0  }
0x68: {  	[tilespmem:s22], [sflag:$0x4] =	stream.indirect.gather [spmem:s2], $0x1, s16, s14, $0xb8;
	[tilespmem:$0x8770] =	vst v63  }
0x69: {  	_ =	swait.ge [sflag:s23], $0x50  }
0x6a: {  	[sflag:s23] =	ssyncset.done $0x0  }
0x6b: {  	s21 =	sadd.s32 $0x4300, s31;
	[sflag:s23] =	ssyncadd.s32 $0xFFFFFFB0  }
0x6c: {  	[spmem:s1] =	stream.indirect.scatter.add.f32 [tilespmem:s17], [sflag:$0x7], $0x1, s21, s14, $0xb8;
	[tilespmem:$0x8770] =	vst v63  }
0x6d: {  	_ =	swait.ge [sflag:s25], $0x50  }
0x6e: {  	[sflag:s25] =	ssyncset.done $0x0  }
0x6f: {  	s5 =	sadd.s32 $0x480, s31;
	[sflag:s25] =	ssyncadd.s32 $0xFFFFFFB0  }
0x70: {  	[tilespmem:s26], [sflag:$0x5] =	stream.indirect.gather [spmem:s2], $0x1, s5, s14, $0xb8;
	[tilespmem:$0x8770] =	vst v63  }
0x71: {  	_ =	swait.ge [sflag:s28], $0x50  }
0x72: {  	[sflag:s28] =	ssyncset.done $0x0  }
0x73: {  	s16 =	sadd.s32 $0x4380, s31;
	[sflag:s28] =	ssyncadd.s32 $0xFFFFFFB0  }
0x74: {  	[spmem:s1] =	stream.indirect.scatter.add.f32 [tilespmem:s19], [sflag:$0x8], $0x1, s16, s14, $0xb8;
	[tilespmem:$0x8770] =	vst v63  }
0x75: {  	_ =	swait.ge [sflag:s30], $0x50  }
0x76: {  	p2 =	seq.s32 s29, $0xE600;
	[sflag:s30] =	ssyncset.done $0x0  }
0x77: {  	s11 =	simm.s32 @p2 $0x4;
	[sflag:s30] =	ssyncadd.s32 $0xFFFFFFB0  }
0x78: {  	_ =	swait.ge @p2 [sflag:s11], $0x50  }
0x79: {  	[sflag:s11] =	ssyncset.done @p2 $0x0  }
0x7a: {  	[sflag:s11] =	ssyncadd.s32 @p2 $0xFFFFFFB0;
	s11 =	sshra.s32 @p2 s29, $0x2  }
0x7b: {  	s5 =	simm.s32 @p2 $0x50;
	s16 =	simm.s32 @p2 $0x8180;
	s11 =	sadd.s32 @p2 $0x4400, s11  }
0x7c: {  	[spmem:s1] =	stream.indirect.scatter.add.f32 @p2 [tilespmem:s16], [sflag:$0x9], $0x1, s11, s5, $0xb8;
	[tilespmem:$0x8770] =	vst v63  }
0x7d: {  	s5 =	simm.s32 @p2 $0x7  }
0x7e: {  	_ =	swait.ge @p2 [sflag:s5], $0x50  }
0x7f: {  	[sflag:s5] =	ssyncset.done @p2 $0x0  }
0x80: {  	[sflag:s5] =	ssyncadd.s32 @p2 $0xFFFFFFB0;
	s5 =	sshra.s32 @!p2 s29, $0x2  }
0x81: {  	s21 =	simm.s32 @!p2 $0x8000;
	s16 =	simm.s32 @!p2 $0x50;
	s11 =	sadd.s32 @!p2 $0x500, s5  }
0x82: {  	[tilespmem:s21], [sflag:$0x1] =	stream.indirect.gather @!p2 [spmem:s2], $0x1, s11, s16, $0xb8;
	[tilespmem:$0x8770] =	vst v63  }
0x83: {  	s11 =	simm.s32 @!p2 $0x4  }
0x84: {  	_ =	swait.ge @!p2 [sflag:s11], $0x50  }
0x85: {  	[sflag:s11] =	ssyncset.done @!p2 $0x0  }
0x86: {  	s21 =	simm.s32 @!p2 $0x8180;
	[sflag:s11] =	ssyncadd.s32 @!p2 $0xFFFFFFB0;
	s11 =	sadd.s32 @!p2 $0x4400, s5  }
0x87: {  	[spmem:s1] =	stream.indirect.scatter.add.f32 @!p2 [tilespmem:s21], [sflag:$0x9], $0x1, s11, s16, $0xb8;
	[tilespmem:$0x8770] =	vst v63  }
0x88: {  	s11 =	simm.s32 @!p2 $0x7  }
0x89: {  	_ =	swait.ge @!p2 [sflag:s11], $0x50  }
0x8a: {  	[sflag:s11] =	ssyncset.done @!p2 $0x0  }
0x8b: {  	s5 =	sadd.s32 @!p2 $0x580, s5;
	[sflag:s11] =	ssyncadd.s32 @!p2 $0xFFFFFFB0;
	s11 =	simm.s32 @!p2 $0x8080  }
0x8c: {  	[tilespmem:s11], [sflag:$0x2] =	stream.indirect.gather @!p2 [spmem:s2], $0x1, s5, s16, $0xb8;
	[tilespmem:$0x8770] =	vst v63  }
0x8d: {  	_ =	swait.ge [sflag:s10], $0x50  }
0x8e: {  	[sflag:s10] =	ssyncset.done $0x0  }
.Ltmp5:
0x8f: {  	s21 =	sadd.s32 $0x4480, s31;
	[sflag:s10] =	ssyncadd.s32 $0xFFFFFFB0;
	(pc) =	sbr.rel @p2 .LBB2_9-.Ltmp5, $4  }
0x90: {  	[spmem:s1] =	stream.indirect.scatter.add.f32 [tilespmem:s26], [sflag:$0xA], $0x1, s21, s14, $0xb8;
	[tilespmem:$0x8770] =	vst v63  }
0x91: {  	_ =	swait.ge [sflag:s18], $0x50  }
0x92: {  	[sflag:s18] =	ssyncset.done $0x0  }
0x93: {  	[sflag:s18] =	ssyncadd.s32 $0xFFFFFFB0  }
.Ltmp6:
0x94: {  	(pc) =	sbr.rel .LBB2_7-.Ltmp6, $3  }
0x95: {  	_ =	sdelay $0x1  }
0x96: {  	s5 =	sadd.s32 $0x600, s31;
	s29 =	sadd.s32 $0xA00, s29  }
0x97: {  	[tilespmem:s19], [sflag:$0x3] =	stream.indirect.gather [spmem:s2], $0x1, s5, s14, $0xb8;
	[tilespmem:$0x8770] =	vst v63  }
.LBB2_10:
0x98: {  	_ =	sfence.sel $0x180000  }
0x99: {  	[bflag:$0x0] =	sbarrier.arrive $0xFFFF  }
0x9a: {  	_ =	strace $0x9000004A  }
0x9b: {  	[bflag:$0x2] =	sbarrier.arrive $0xFFFF  }
0x9c: {  	s0 =	rddreg [dreg:$0x3]  }
0x9d: {  	s0 =	sadd.s32 @!p1 $0x100000, s0  }
0x9e: {  	[sflag:s0] =	ssyncadd.tile.s32 @!p1 $0x1;
	_ =	shalt  }
.Lfunc_end2:
_tile_overlayer_lowered:
.L_overlay_start_2:
0x9f: {  	(tag) =	ssettag $0x2  }
0xa0: {  	s0 =	rddreg [dreg:$0x0];
	s2 =	stileid.u32  }
0xa1: {  	s1 =	rddreg [dreg:$0x1];
	p0 =	sne.s32 s2, $0x0  }
0xa2: {  	s3 =	rddreg [dreg:$0x2];
	[bflag:$0x3] =	sbarrier.arrive $0xFFFF;
	s2 =	simm.s32 @!p0 $0x1C0B  }
0xa3: {  	[timem:s3], [sflag:s2] =	dma.local @!p0 [hbm:s0], s1  }
0xa4: {  	s0 =	simm.s32 @!p0 $0xB  }
0xa5: {  	_ =	swait.ge @!p0 [sflag:s0], s1  }
0xa6: {  	s1 =	ssub.s32 @!p0 $0x0, s1;
	[sflag:s0] =	ssyncset.done @!p0 $0x0  }
0xa7: {  	[sflag:s0] =	ssyncadd.s32 @!p0 s1  }
0xa8: {  	[bflag:$0x3] =	sbarrier.arrive $0xFFFF  }
0xa9: {  	_ =	shalt  }

// kernel: kernel.7.cloned.1.call-start
scs
__scs_entry_jumppad:
0x0: {  	(pc) =	sbr.rel $0x88, $3  }
0x1: {  	(tag) =	ssettag $0x0;
	lr =	simm.s32 $0x1  }
0x2: {  	[smem:$0x3F95] =	sst lr;
	_ =	strace $0xD0000000  }
0x3: {  	_ = 	snop  }
0x4: {  	_ = 	snop  }
0x5: {  	_ = 	snop  }
0x6: {  	_ = 	snop  }
0x7: {  	_ = 	snop  }
__scs_overlays_trampoline_lowered:
0x8: {  	[smem:$0x3FA4] =	sst s0  }
0x9: {  	[smem:$0x3FA5] =	sst s1  }
0xa: {  	[smem:$0x3FA6] =	sst s2  }
0xb: {  	[smem:$0x3FA7] =	sst s3  }
0xc: {  	[smem:$0x3FA8] =	sst s4  }
0xd: {  	[smem:$0x3FA9] =	sst s5  }
0xe: {  	[smem:$0x3FAA] =	sst s6  }
0xf: {  	[smem:$0x3FAB] =	sst s7  }
0x10: {  	[smem:$0x3FAC] =	sst s8  }
0x11: {  	[smem:$0x3FAD] =	sst s9;
	s0 =	simm.s32 @!p0 $0x0  }
0x12: {  	s1 =	sld [smem:$0x3F93];
	s0 =	simm.s32 @p0 $0x1  }
0x13: {  	[smem:$0x3FAE] =	sst s0;
	s0 =	simm.s32 @!p1 $0x0  }
0x14: {  	s2 =	sld [smem:$0x3F92];
	s0 =	simm.s32 @p1 $0x1  }
0x15: {  	[smem:$0x3FAF] =	sst s0;
	s0 =	simm.s32 @!p2 $0x0  }
0x16: {  	s3 =	sld [smem:$0x3FDB];
	s0 =	simm.s32 @p2 $0x1  }
0x17: {  	s4 =	simm.s32 $0x1BF5;
	[smem:$0x3FB1] =	sst s0  }
0x18: {  	s0 =	sld [smem:$0x3F94];
	_ =	swait.ge [sflag:s4], $0x0  }
0x19: {  	s7 =	sld [smem:$0x3F95]  }
0x1a: {  	s8 =	sadd.s32 $0xFFFFE003, lr  }
0x1b: {  	s9 =	sadd.s32 $0xFFFFFEF7, lr;
	s5 =	simm.s32 $0xFFFFFFFF;
	p2 =	slt.u32 s8, $0xFFFFF086  }
0x1c: {  	p1 =	slt.u32 s9, $0xF7A;
	s5 =	simm.s32 @!p2 $0x0  }
0x1d: {  	s5 =	simm.s32 @p1 $0x1;
	p0 =	seq.s32 s7, s2  }
0x1e: {  	s7 =	smul.u32 @!p0 $0xF7A, s2;
	p2 =	seq.s32 @!p0 s5, $0x0  }
0x1f: {  	s9 =	smul.u32 $0xF7A, s1;
	s8 =	simm.s32 @!p0 $0x1BF5;
	p2 =	por !p2, p0  }
0x20: {  	[sflag:s8] =	ssyncset.s32 @!p0 $0xFFFFF086;
	s6 =	sadd.s32 @!p0 s3, s7;
	s7 =	simm.s32 @!p0 $0x108  }
0x21: {  	s3 =	sadd.s32 s3, s9;
	s6 =	sadd.s32 @!p0 $0x88, s6;
	s7 =	simm.s32 @p2 $0x1082  }
0x22: {  	[simem:s7], [sflag:s8] =	dma.local @!p0 [hbm:s6], $0xF7A  }
0x23: {  	s9 =	sor.u32 $0xD0000000, s2;
	s6 =	simm.s32 $0x108;
	_ =	swait.ge @!p0 [sflag:s8], $0x0  }
0x24: {  	s3 =	sadd.s32 $0x88, s3;
	s6 =	simm.s32 @!p1 $0x1082;
	[sflag:s4] =	ssyncset.s32 $0xFFFFF086  }
0x25: {  	[simem:s6], [sflag:s4] =	dma.local [hbm:s3], $0xF7A  }
0x26: {  	[smem:$0x3F95] =	sst s1;
	(tag) =	ssettag s2;
	_ =	strace s9  }
0x27: {  	s1 =	sld [smem:$0x3FA5]  }
0x28: {  	s2 =	sld [smem:$0x3FA6]  }
0x29: {  	s4 =	sld [smem:$0x3FA8]  }
0x2a: {  	p0 =	seq.s32 s5, $0x0;
	s5 =	sld [smem:$0x3FA9]  }
0x2b: {  	s6 =	sld [smem:$0x3FAA]  }
0x2c: {  	s7 =	sld [smem:$0x3FAB]  }
0x2d: {  	s3 =	simm.s32 $0x108;
	s8 =	sld [smem:$0x3FAC]  }
0x2e: {  	s3 =	simm.s32 @!p0 $0x1082;
	s9 =	sld [smem:$0x3FAD]  }
0x2f: {  	lr =	sadd.s32 s0, s3;
	s0 =	sld [smem:$0x3FA4]  }
0x30: {  	s3 =	sld [smem:$0x3FA7]  }
0x31: {  	[smem:$0x3FB0] =	sst s10  }
0x32: {  	s10 =	sld [smem:$0x3FAE];
	_ =	sdelay $0x3  }
0x33: {  	p0 =	seq.s32 s10, $0x1;
	s10 =	sld [smem:$0x3FB0];
	_ =	sdelay $0x3  }
0x34: {  	[smem:$0x3FB0] =	sst s10  }
0x35: {  	s10 =	sld [smem:$0x3FAF];
	_ =	sdelay $0x3  }
0x36: {  	p1 =	seq.s32 s10, $0x1;
	s10 =	sld [smem:$0x3FB0];
	_ =	sdelay $0x3  }
0x37: {  	[smem:$0x3FB0] =	sst s10  }
0x38: {  	s10 =	sld [smem:$0x3FB1]  }
0x39: {  	_ = 	snop;
	(pc) =	sbr.ind lr, $3  }
0x3a: {  	_ = 	snop  }
0x3b: {  	_ = 	snop  }
0x3c: {  	p2 =	seq.s32 s10, $0x1;
	s10 =	sld [smem:$0x3FB0]  }
0x3d: {  	_ =	shalt  }
0x3e: {  	_ =	shalt  }
0x3f: {  	_ =	shalt  }
0x40: {  	_ =	shalt  }
0x41: {  	_ =	shalt  }
0x42: {  	_ =	shalt  }
0x43: {  	_ =	shalt  }
0x44: {  	_ =	shalt  }
0x45: {  	_ =	shalt  }
0x46: {  	_ =	shalt  }
0x47: {  	_ =	shalt  }
0x48: {  	_ =	shalt  }
0x49: {  	_ =	shalt  }
0x4a: {  	_ =	shalt  }
0x4b: {  	_ =	shalt  }
0x4c: {  	_ =	shalt  }
0x4d: {  	_ =	shalt  }
0x4e: {  	_ =	shalt  }
0x4f: {  	_ =	shalt  }
0x50: {  	_ =	shalt  }
0x51: {  	_ =	shalt  }
0x52: {  	_ =	shalt  }
0x53: {  	_ =	shalt  }
0x54: {  	_ =	shalt  }
0x55: {  	_ =	shalt  }
0x56: {  	_ =	shalt  }
0x57: {  	_ =	shalt  }
0x58: {  	_ =	shalt  }
0x59: {  	_ =	shalt  }
0x5a: {  	_ =	shalt  }
0x5b: {  	_ =	shalt  }
0x5c: {  	_ =	shalt  }
0x5d: {  	_ =	shalt  }
0x5e: {  	_ =	shalt  }
0x5f: {  	_ =	shalt  }
0x60: {  	_ =	shalt  }
0x61: {  	_ =	shalt  }
0x62: {  	_ =	shalt  }
0x63: {  	_ =	shalt  }
0x64: {  	_ =	shalt  }
0x65: {  	_ =	shalt  }
0x66: {  	_ =	shalt  }
0x67: {  	_ =	shalt  }
0x68: {  	_ =	shalt  }
0x69: {  	_ =	shalt  }
0x6a: {  	_ =	shalt  }
0x6b: {  	_ =	shalt  }
0x6c: {  	_ =	shalt  }
0x6d: {  	_ =	shalt  }
0x6e: {  	_ =	shalt  }
0x6f: {  	_ =	shalt  }
0x70: {  	_ =	shalt  }
0x71: {  	_ =	shalt  }
0x72: {  	_ =	shalt  }
0x73: {  	_ =	shalt  }
0x74: {  	_ =	shalt  }
0x75: {  	_ =	shalt  }
0x76: {  	_ =	shalt  }
0x77: {  	_ =	shalt  }
0x78: {  	_ =	shalt  }
0x79: {  	_ =	shalt  }
0x7a: {  	_ =	shalt  }
0x7b: {  	_ =	shalt  }
0x7c: {  	_ =	shalt  }
0x7d: {  	_ =	shalt  }
0x7e: {  	_ =	shalt  }
0x7f: {  	_ =	shalt  }
0x80: {  	_ =	shalt  }
0x81: {  	_ =	shalt  }
0x82: {  	_ =	shalt  }
0x83: {  	_ =	shalt  }
0x84: {  	_ =	shalt  }
0x85: {  	_ =	shalt  }
0x86: {  	_ =	shalt  }
0x87: {  	_ =	shalt  }
.Lfunc_end0:
.L_simem_size_0:
called_computation_lowered:
.L_overlay_start_0:
0x88: {  	s2 =	sld [smem:$0x3FD9]  }
0x89: {  	s3 =	sld [smem:$0x3FFE];
	_ =	sdelay $0x1  }
0x8a: {  	s1 =	srdreg.scid  }
0x8b: {  	s0 =	sand.u32 $0x1, s1  }
0x8c: {  	s17 =	sshll.u32 s0, $0xA;
	s2 =	sadd.s32 s3, s2  }
0x8d: {  	s2 =	sadd.s32 s2, s17  }
0x8e: {  	[smem:$0x3FBC] =	sst s2  }
0x8f: {  	_ = 	snop  }
0x90: {  	s2 =	sld [smem:$0x3FC9]  }
0x91: {  	s18 =	sld [smem:$0x3FD0];
	(tm) =	ssettm $0x1  }
0x92: {  	s4 =	sld [smem:$0x3FFB];
	_ =	sdelay $0x3  }
0x93: {  	_ =	strace s4  }
0x94: {  	s4 =	sld [smem:$0x3FFC];
	_ =	sdelay $0x3  }
0x95: {  	_ =	strace s4  }
0x96: {  	s4 =	sld [smem:$0x3FFD];
	_ =	sdelay $0x3  }
0x97: {  	_ =	strace s4  }
0x98: {  	_ =	strace $0x8FFFFFFF  }
0x99: {  	s19 =	sld [smem:$0x3FDB];
	_ =	sdelay $0x1  }
0x9a: {  	s5 =	simm.s32 $_scs_section_size  }
0x9b: {  	s6 =	simm.s32 $_size__tile_overlayer_lowered;
	s7 =	simm.s32 $_tile_overlayer_lowered  }
0x9c: {  	s22 =	simm.s32 $0x1BFF;
	s21 =	sshll.u32 s7, $0x1;
	s4 =	sadd.s32 s5, s19  }
0x9d: {  	s8 =	simm.s32 $0x0;
	s20 =	sshll.u32 s6, $0x1;
	s6 =	sadd.s32 s21, s4  }
0x9e: {  	[timem:s8], [sflag:s22] =	dma.local [hbm:s6], s20  }
0x9f: {  	_ =	swait.ge [sflag:s22], s20  }
0xa0: {  	s5 =	ssub.s32 $0x0, s20;
	[sflag:s22] =	ssyncset.done $0x0  }
0xa1: {  	[sflag:s22] =	ssyncadd.s32 s5;
	_ =	sdelay $0x1  }
0xa2: {  	s23 =	simm.s32 $0x1B8B  }
0xa3: {  	_ =	swait.ge [sflag:s23], $0x1  }
0xa4: {  	[sflag:s23] =	ssyncset.done $0x0  }
0xa5: {  	s25 =	simm.s32 $0x1B8E;
	s24 =	sld [smem:$0x3FFE];
	[sflag:s23] =	ssyncadd.s32 $0xFFFFFFFF  }
0xa6: {  	s26 =	simm.s32 $execute0_lowered;
	[smem:$0x3FD2] =	sst s25  }
0xa7: {  	s6 =	sshll.u32 s26, $0x1;
	_ =	strace $0x80000046;
	[dreg:$0x1] =	wrdreg $0xFFFFFFFF  }
0xa8: {  	s28 =	simm.s32 $_size_execute0_lowered;
	s4 =	sadd.s32 s4, s6;
	[dreg:$0x0] =	wrdreg $0x0  }
0xa9: {  	s6 =	sshll.u32 s28, $0x1;
	[dreg:$0x2] =	wrdreg s4  }
0xaa: {  	[dreg:$0x3] =	wrdreg s6  }
0xab: {  	[dreg:$0x4] =	wrdreg $0xC0  }
0xac: {  	_ =	task [dreg:s8], $0x5FFFF  }
0xad: {  	[dreg:$0x1] =	wrdreg $0xFFFFFFFF  }
0xae: {  	[dreg:$0x0] =	wrdreg $0x60  }
0xaf: {  	[dreg:$0x2] =	wrdreg s2  }
0xb0: {  	[dreg:$0x3] =	wrdreg s24  }
0xb1: {  	[dreg:$0x4] =	wrdreg s18  }
0xb2: {  	[dreg:$0x5] =	wrdreg $0xA4800  }
0xb3: {  	[dreg:$0x6] =	wrdreg $0x1DD000  }
0xb4: {  	[dreg:$0x7] =	wrdreg $0x9  }
0xb5: {  	_ =	task.clear_ibuf [dreg:s8], $0x8FFFF;
	_ =	strace $0x90000046  }
0xb6: {  	s29 =	simm.s32 $0x9;
	_ =	strace $0x80000048  }
0xb7: {  	_ =	swait.ge [sflag:s29], $0x1  }
0xb8: {  	[sflag:s29] =	ssyncadd.s32 $0xFFFFFFFF  }
0xb9: {  	_ =	strace $0x90000048  }
0xba: {  	_ =	sfence  }
0xbb: {  	s30 =	sld [smem:$0x0];
	_ =	sdelay $0x2  }
0xbc: {  	s31 =	sshll.u32 s1, $0xD;
	s1 =	sshrl.u32 s1, $0x2  }
0xbd: {  	s3 =	sand.u32 $0x4000, s31;
	s1 =	sadd.s32 s1, s30  }
0xbe: {  	s0 =	sor.u32 s3, s0;
	s1 =	sshll.u32 s1, $0x11  }
0xbf: {  	s0 =	sor.u32 s1, s0  }
0xc0: {  	s0 =	sadd.s32 $0x8F2B, s0  }
0xc1: {  	[sflag:s0] =	ssyncadd.remote.s32 $0x1  }
0xc2: {  	_ =	sfence.sel $0xFFFF  }
0xc3: {  	[dreg:$0x0] =	wrdreg $0xFFFFFFFF;
	(pc) =	sbr.abs _section_cstart, $3  }
0xc4: {  	[dreg:$0x1] =	wrdreg $0xFFFFFFFF  }
0xc5: {  	_ =	task.clear_ibuf [dreg:s8], $0x2FFFF;
	_ =	strace $0x9FFFFFFF  }
0xc6: {  	(tm) =	ssettm $0x7FFFFFFF  }
0xc7: {  	_ =	shalt  }
tec
execute0_lowered:
.L_overlay_start_1:
0x0: {  	(tag) =	ssettag $0x1  }
0x1: {  	s1 =	rddreg [dreg:$0x0]  }
0x2: {  	s0 =	rddreg [dreg:$0x1]  }
0x3: {  	s3 =	rddreg [dreg:$0x3]  }
0x4: {  	s4 =	rddreg [dreg:$0x4]  }
0x5: {  	s5 =	simm.s32 $0x0;
	s2 =	stileid.u32;
	s9 =	srdreg.scid  }
0x6: {  	s31 =	simm.s32 $0x28;
	s28 =	simm.s32 $0xC;
	[smem:$0x7FF] =	sst s5  }
0x7: {  	s24 =	smul.u32 $0x13800, s2;
	s6 =	sadd.s32 $0x2AA00, s0;
	s7 =	sadd.s32 $0x2A00, s0  }
0x8: {  	s9 =	sand.u32 $0x1, s9;
	s10 =	sadd.s32 $0x52A00, s0;
	s25 =	sadd.s32 $0x7AC00, s0  }
0x9: {  	s14 =	smul.u32 $0x4E000, s2;
	s30 =	sshll.u32 s2, $0x6;
	p0 =	sne.s32 s2, $0x0  }
0xa: {  	_ =	strace $0x80000047;
	[dreg:$0x6] =	wrdreg s10;
	s11 =	ssub.s32 $0x2, s9  }
0xb: {  	s12 =	sshll.u32 s9, $0x4;
	s29 =	sor.u32 $0x1C0D, s30;
	s9 =	smul.u32 $0x138800, s9  }
0xc: {  	s10 =	simm.s32 $0x1;
	s8 =	sshrl.u32 s24, $0x3;
	s13 =	sshrl.u32 s11, $0x1  }
0xd: {  	s15 =	sadd.s32 s12, s0;
	s12 =	sor.u32 s2, s12;
	s26 =	sshrl.u32 s14, $0x2  }
0xe: {  	s14 =	sadd.s32 $0x138000, s3;
	s2 =	simm.s32 $0x5400;
	[dreg:$0x9] =	wrdreg s29  }
0xf: {  	s8 =	sadd.s32 s8, s0;
	s11 =	ssub.s32 s11, s13;
	s12 =	smul.u32 $0xA000, s12  }
0x10: {  	s13 =	sadd.s32 s26, s3;
	[dreg:$0xa] =	wrdreg s14;
	s0 =	sadd.s32 $0x7A000, s0  }
0x11: {  	s22 =	sadd.s32 s24, s9;
	s23 =	sshrl.u32 s9, $0x3;
	s26 =	sadd.s32 $0x7A200, s15  }
0x12: {  	s9 =	simm.s32 $0x6800;
	s14 =	simm.s32 $0x4;
	[dreg:$0x7] =	wrdreg s13  }
0x13: {  	s15 =	simm.s32 $0x7C00;
	s8 =	sadd.s32 $0x53000, s8;
	[dreg:$0xb] =	wrdreg s0  }
0x14: {  	s5 =	sadd.s32 s25, s23;
	[dreg:$0x14] =	wrdreg s26;
	s30 =	smax.u32 s11, $0x1  }
0x15: {  	s26 =	simm.s32 $0x3000;
	s13 =	simm.s32 $0x6;
	s23 =	simm.s32 $0x2  }
0x16: {  	[dreg:$0x8] =	wrdreg s8;
	s16 =	sshrl.u32 s12, $0x3;
	s21 =	sor.u32 $0x1000, s12  }
0x17: {  	s24 =	sadd.s32 $0x2000, s12;
	[dreg:$0x15] =	wrdreg s30;
	s12 =	simm.s32 $0x3  }
0x18: {  	s17 =	sadd.s32 s6, s16;
	s18 =	sor.u32 $0x200, s16;
	[dreg:$0x10] =	wrdreg s21  }
0x19: {  	s0 =	sadd.s32 s7, s16;
	[dreg:$0x11] =	wrdreg s24;
	s16 =	simm.s32 $0x7  }
0x1a: {  	s21 =	simm.s32 $0x8;
	s24 =	simm.s32 $0x0;
	[dreg:$0xc] =	wrdreg s17  }
0x1b: {  	[dreg:$0xd] =	wrdreg s0;
	s19 =	sadd.s32 s6, s18;
	s20 =	sadd.s32 s7, s18  }
.Ltmp0:
0x1c: {  	s0 =	sshrl.u32 s22, $0x3;
	s18 =	simm.s32 $0xD;
	(pc) =	sbr.rel .LBB2_1-.Ltmp0, $4  }
0x1d: {  	s17 =	simm.s32 $0x5;
	s22 =	simm.s32 $0x9;
	[dreg:$0xe] =	wrdreg s19  }
0x1e: {  	[dreg:$0xf] =	wrdreg s20;
	s0 =	sadd.s32 s25, s0;
	s25 =	sadd.s32 $0x27000, s5  }
0x1f: {  	s20 =	simm.s32 $0x9000;
	s5 =	simm.s32 $0xA;
	[dreg:$0x12] =	wrdreg s0  }
0x20: {  	[dreg:$0x13] =	wrdreg s25;
	s25 =	simm.s32 $0xA400;
	s0 =	simm.s32 $0x4000  }
.LBB2_8:
0x21: {  	_ =	swait.ge [sflag:s22], $0x1400  }
0x22: {  	[sflag:s22] =	ssyncset.done $0x0  }
0x23: {  	[sflag:s22] =	ssyncadd.s32 $0xFFFFEC00  }
0x24: {  	_ =	swait.ge [sflag:s22], $0x28  }
0x25: {  	[sflag:s22] =	ssyncset.done $0x0  }
0x26: {  	[sflag:s22] =	ssyncadd.s32 $0xFFFFFFD8  }
0x27: {  	_ =	swait.ge [sflag:s5], $0x1400  }
0x28: {  	[sflag:s5] =	ssyncset.done $0x0  }
0x29: {  	[sflag:s5] =	ssyncadd.s32 $0xFFFFEC00  }
0x2a: {  	_ =	swait.ge [sflag:s5], $0x28  }
0x2b: {  	[sflag:s5] =	ssyncset.done $0x0  }
0x2c: {  	[sflag:s5] =	ssyncadd.s32 $0xFFFFFFD8  }
0x2d: {  	[bflag:$0x0] =	sbarrier.arrive $0xFFFF  }
0x2e: {  	s29 =	rddreg [dreg:$0x9]  }
0x2f: {  	s8 =	rddreg [dreg:$0x12]  }
0x30: {  	s18 =	simm.s32 $0xD;
	s11 =	rddreg [dreg:$0x18]  }
0x31: {  	[hbm:s8], [sflag:s29] =	dma.local [spmem:s11], $0x2700  }
0x32: {  	_ =	swait.ge [sflag:s18], $0x2700  }
0x33: {  	[sflag:s18] =	ssyncset.done $0x0;
	s8 =	rddreg [dreg:$0x13]  }
0x34: {  	s11 =	rddreg [dreg:$0x19];
	[sflag:s18] =	ssyncadd.s32 $0xFFFFD900  }
0x35: {  	[hbm:s8], [sflag:s29] =	dma.local @!p0 [spmem:s11], $0x100  }
0x36: {  	s8 =	simm.s32 @!p0 $0xD  }
0x37: {  	s24 =	simm.s32 @!p0 $0x10;
	_ =	swait.ge @!p0 [sflag:s8], $0x100  }
0x38: {  	s19 =	simm.s32 @!p0 $0x20;
	[sflag:s8] =	ssyncset.done @!p0 $0x0;
	s30 =	rddreg [dreg:$0x14]  }
0x39: {  	s18 =	simm.s32 @!p0 $0x1;
	s11 =	rddreg [dreg:$0x17];
	[sflag:s8] =	ssyncadd.s32 @!p0 $0xFFFFFF00  }
0x3a: {  	[hbm:s30@s19], [sflag:s29] =	dma.strided @!p0 [spmem:s11@s24], $0x4F0, s18, $0x10   }
0x3b: {  	_ =	swait.ge @!p0 [sflag:s8], $0x4F0  }
0x3c: {  	s19 =	rddreg [dreg:$0x16]  }
0x3d: {  	s30 =	rddreg [dreg:$0x15];
	s24 =	sadd.s32 $0x1, s19  }
0x3e: {  	p1 =	sne.s32 s24, s30  }
.Ltmp1:
0x3f: {  	_ = 	snop;
	(pc) =	sbr.rel @!p1 .LBB2_9-.Ltmp1, $3  }
0x40: {  	_ =	sdelay $0x1  }
0x41: {  	[sflag:s8] =	ssyncset.done @!p0 $0x0  }
0x42: {  	s18 =	simm.s32 $0xD;
	[sflag:s8] =	ssyncadd.s32 @!p0 $0xFFFFFB10  }
.LBB2_1:
0x43: {  	[dreg:$0x16] =	wrdreg s24  }
0x44: {  	s8 =	rddreg [dreg:$0x7]  }
0x45: {  	s24 =	rddreg [dreg:$0x8];
	s11 =	sshrl.u32 s8, $0x3  }
0x46: {  	[dreg:$0x18] =	wrdreg s11  }
0x47: {  	[spmem:s11], [sflag:s29] =	dma.local [hbm:s24], $0x2700  }
0x48: {  	_ =	swait.ge [sflag:s18], $0x2700  }
0x49: {  	s8 =	rddreg [dreg:$0xa]  }
0x4a: {  	[sflag:s18] =	ssyncset.done $0x0;
	s11 =	sshrl.u32 @!p0 s8, $0x3;
	s8 =	rddreg [dreg:$0xb]  }
0x4b: {  	[sflag:s18] =	ssyncadd.s32 $0xFFFFD900;
	[dreg:$0x19] =	wrdreg s11  }
0x4c: {  	[spmem:s11], [sflag:s29] =	dma.local @!p0 [hbm:s8], $0x100  }
0x4d: {  	s11 =	simm.s32 @!p0 $0xD  }
0x4e: {  	s24 =	sshrl.u32 @!p0 s4, $0x3;
	_ =	swait.ge @!p0 [sflag:s11], $0x100  }
0x4f: {  	[dreg:$0x17] =	wrdreg s24;
	[sflag:s11] =	ssyncset.done @!p0 $0x0  }
0x50: {  	s8 =	rddreg [dreg:$0x6];
	[sflag:s11] =	ssyncadd.s32 @!p0 $0xFFFFFF00  }
0x51: {  	[spmem:s24], [sflag:s29] =	dma.local @!p0 [hbm:s8], $0x4F0  }
0x52: {  	_ =	swait.ge @!p0 [sflag:s11], $0x4F0  }
0x53: {  	[sflag:s11] =	ssyncset.done @!p0 $0x0  }
0x54: {  	[sflag:s11] =	ssyncadd.s32 @!p0 $0xFFFFFB10  }
0x55: {  	s11 =	simm.s32 $0x0;
	s29 =	rddreg [dreg:$0x2]  }
0x56: {  	[tilespmem:s25], [sflag:$0xD] =	stream.linear.gather [hbm4b:s29+s11], $0x80, $0x38;
	[tilespmem:$0x1DF78] =	vst v63  }
0x57: {  	_ =	swait.ge [sflag:s18], $0x80  }
0x58: {  	[sflag:s18] =	ssyncset.done $0x0  }
0x59: {  	[sflag:s18] =	ssyncadd.s32 $0xFFFFFF80;
	s18 =	rddreg [dreg:$0xc]  }
0x5a: {  	[tilespmem:s11], [sflag:$0xB] =	stream.linear.gather [hbm4b:s18+s11], $0xC80, $0x38;
	[tilespmem:$0x1DF78] =	vst v63  }
0x5b: {  	s24 =	simm.s32 $0x2000;
	s29 =	simm.s32 $0xB;
	s19 =	rddreg [dreg:$0xd]  }
0x5c: {  	[tilespmem:s24], [sflag:$0xB] =	stream.linear.gather [hbm4b:s19+s11], $0xC80, $0x38;
	[tilespmem:$0x1DF78] =	vst v63  }
0x5d: {  	_ =	swait.ge [sflag:s29], $0xC80  }
0x5e: {  	[sflag:s29] =	ssyncset.done $0x0  }
0x5f: {  	[sflag:s29] =	ssyncadd.s32 $0xFFFFF380  }
0x60: {  	_ =	swait.ge [sflag:s29], $0xC80  }
0x61: {  	[sflag:s29] =	ssyncset.done $0x0  }
0x62: {  	s19 =	simm.s32 $0x1000;
	s18 =	rddreg [dreg:$0xe];
	[sflag:s29] =	ssyncadd.s32 $0xFFFFF380  }
0x63: {  	[tilespmem:s19], [sflag:$0xC] =	stream.linear.gather [hbm4b:s18+s11], $0xC80, $0x38;
	[tilespmem:$0x1DF78] =	vst v63  }
0x64: {  	s24 =	rddreg [dreg:$0xf]  }
0x65: {  	[tilespmem:s26], [sflag:$0xC] =	stream.linear.gather [hbm4b:s24+s11], $0xC80, $0x38;
	[tilespmem:$0x1DF78] =	vst v63  }
0x66: {  	[bflag:$0x0] =	sbarrier.arrive $0xFFFF  }
0x67: {  	[tilespmem:s0], [sflag:$0x1] =	stream.indirect.gather [hbm4b:s1+s31], $0x80, s11, s31, $0xb8;
	[tilespmem:$0x1DF78] =	vst v63  }
0x68: {  	s26 =	simm.s32 $0x80  }
0x69: {  	[tilespmem:s2], [sflag:$0x2] =	stream.indirect.gather [hbm4b:s1+s31], $0x80, s26, s31, $0xb8;
	[tilespmem:$0x1DF78] =	vst v63  }
0x6a: {  	s30 =	simm.s32 $0x0;
	s29 =	simm.s32 $0x100  }
0x6b: {  	[tilespmem:s9], [sflag:$0x3] =	stream.indirect.gather [hbm4b:s1+s31], $0x80, s29, s31, $0xb8;
	[tilespmem:$0x1DF78] =	vst v63  }
.LBB2_2:
0x6c: {  	_ =	swait.ge [sflag:s10], $0x1400  }
0x6d: {  	[sflag:s10] =	ssyncset.done $0x0  }
0x6e: {  	s8 =	simm.s32 $0x2000;
	p1 =	sne.s32 s30, $0x0;
	[sflag:s10] =	ssyncadd.s32 $0xFFFFEC00  }
0x6f: {  	[spmem:s3] =	stream.indirect.scatter.add.f32 [tilespmem:s0], [sflag:$0x6], $0x80, s8, s31, $0xb8;
	[tilespmem:$0x1DF78] =	vst v63  }
0x70: {  	s11 =	simm.s32 @p1 $0x9  }
0x71: {  	[spmem:s4] =	stream.indirect.scatter.add.f32 [tilespmem:s25], [sflag:$0x6], $0x1, s8, s31, $0xb8;
	[tilespmem:$0x1DF78] =	vst v63  }
0x72: {  	_ =	swait.ge @p1 [sflag:s11], $0x1400  }
0x73: {  	[sflag:s11] =	ssyncset.done @p1 $0x0  }
0x74: {  	[sflag:s11] =	ssyncadd.s32 @p1 $0xFFFFEC00  }
0x75: {  	_ =	swait.ge @p1 [sflag:s11], $0x28  }
0x76: {  	s24 =	simm.s32 @p1 $0x180;
	[sflag:s11] =	ssyncset.done @p1 $0x0  }
0x77: {  	s29 =	simm.s32 @p1 $0x7C00;
	[sflag:s11] =	ssyncadd.s32 @p1 $0xFFFFFFD8;
	s11 =	simm.s32 @p1 $0x28  }
0x78: {  	[tilespmem:s29], [sflag:$0x4] =	stream.indirect.gather @p1 [hbm4b:s1+s11], $0x80, s24, s11, $0xb8;
	[tilespmem:$0x1DF78] =	vst v63  }
0x79: {  	s24 =	simm.s32 @p1 $0x2  }
0x7a: {  	_ =	swait.ge @p1 [sflag:s24], $0x1400  }
0x7b: {  	[sflag:s24] =	ssyncset.done @p1 $0x0  }
0x7c: {  	s29 =	simm.s32 @p1 $0x5400;
	[sflag:s24] =	ssyncadd.s32 @p1 $0xFFFFEC00;
	s24 =	simm.s32 @p1 $0x2080  }
0x7d: {  	[spmem:s3] =	stream.indirect.scatter.add.f32 @p1 [tilespmem:s29], [sflag:$0x7], $0x80, s24, s11, $0xb8;
	[tilespmem:$0x1DF78] =	vst v63  }
0x7e: {  	s29 =	simm.s32 @p1 $0xA400  }
0x7f: {  	[spmem:s4] =	stream.indirect.scatter.add.f32 @p1 [tilespmem:s29], [sflag:$0x7], $0x1, s24, s11, $0xb8;
	[tilespmem:$0x1DF78] =	vst v63  }
0x80: {  	s29 =	simm.s32 @p1 $0xA  }
0x81: {  	_ =	swait.ge @p1 [sflag:s29], $0x1400  }
0x82: {  	[sflag:s29] =	ssyncset.done @p1 $0x0  }
0x83: {  	[sflag:s29] =	ssyncadd.s32 @p1 $0xFFFFEC00  }
0x84: {  	_ =	swait.ge @p1 [sflag:s29], $0x28  }
0x85: {  	[sflag:s29] =	ssyncset.done @p1 $0x0  }
0x86: {  	s8 =	simm.s32 @p1 $0x9000;
	[sflag:s29] =	ssyncadd.s32 @p1 $0xFFFFFFD8;
	s29 =	simm.s32 @p1 $0x200  }
0x87: {  	[tilespmem:s8], [sflag:$0x5] =	stream.indirect.gather @p1 [hbm4b:s1+s11], $0x80, s29, s11, $0xb8;
	[tilespmem:$0x1DF78] =	vst v63  }
0x88: {  	s24 =	sshll.u32 s30, $0xD;
	s8 =	rddreg [dreg:$0x10]  }
0x89: {  	s8 =	sadd.s32 @p1 s24, s8  }
0x8a: {  	s8 =	sshrl.u32 @p1 s8, $0x3  }
0x8b: {  	s18 =	simm.s32 @p1 $0x1000;
	s29 =	simm.s32 @p1 $0x0;
	s11 =	sadd.s32 @p1 s6, s8  }
0x8c: {  	[tilespmem:s18], [sflag:$0xC] =	stream.linear.gather @p1 [hbm4b:s11+s29], $0xC80, $0x38;
	[tilespmem:$0x1DF78] =	vst v63  }
0x8d: {  	s8 =	sadd.s32 @p1 s7, s8;
	s11 =	simm.s32 @p1 $0x3000  }
0x8e: {  	[tilespmem:s11], [sflag:$0xC] =	stream.linear.gather @p1 [hbm4b:s8+s29], $0xC80, $0x38;
	[tilespmem:$0x1DF78] =	vst v63  }
0x8f: {  	s18 =	simm.s32 @!p1 $0x7C00;
	s8 =	simm.s32 @!p1 $0x28;
	s11 =	simm.s32 @!p1 $0x180  }
0x90: {  	[tilespmem:s18], [sflag:$0x4] =	stream.indirect.gather @!p1 [hbm4b:s1+s8], $0x80, s11, s8, $0xb8;
	[tilespmem:$0x1DF78] =	vst v63  }
0x91: {  	s11 =	simm.s32 @!p1 $0x2  }
0x92: {  	_ =	swait.ge @!p1 [sflag:s11], $0x1400  }
0x93: {  	[sflag:s11] =	ssyncset.done @!p1 $0x0  }
0x94: {  	s18 =	simm.s32 @!p1 $0x5400;
	[sflag:s11] =	ssyncadd.s32 @!p1 $0xFFFFEC00;
	s11 =	simm.s32 @!p1 $0x2080  }
0x95: {  	[spmem:s3] =	stream.indirect.scatter.add.f32 @!p1 [tilespmem:s18], [sflag:$0x7], $0x80, s11, s8, $0xb8;
	[tilespmem:$0x1DF78] =	vst v63  }
0x96: {  	s18 =	simm.s32 @!p1 $0xA400  }
0x97: {  	[spmem:s4] =	stream.indirect.scatter.add.f32 @!p1 [tilespmem:s18], [sflag:$0x7], $0x1, s11, s8, $0xb8;
	[tilespmem:$0x1DF78] =	vst v63  }
0x98: {  	s11 =	simm.s32 @!p1 $0x200;
	s18 =	simm.s32 @!p1 $0x9000  }
0x99: {  	[tilespmem:s18], [sflag:$0x5] =	stream.indirect.gather @!p1 [hbm4b:s1+s8], $0x80, s11, s8, $0xb8;
	[tilespmem:$0x1DF78] =	vst v63  }
0x9a: {  	_ =	swait.ge [sflag:s12], $0x1400  }
0x9b: {  	[sflag:s12] =	ssyncset.done $0x0  }
0x9c: {  	s26 =	simm.s32 $0x2100;
	[sflag:s12] =	ssyncadd.s32 $0xFFFFEC00  }
0x9d: {  	[spmem:s3] =	stream.indirect.scatter.add.f32 [tilespmem:s9], [sflag:$0x8], $0x80, s26, s31, $0xb8;
	[tilespmem:$0x1DF78] =	vst v63  }
0x9e: {  	_ = 	snop  }
0x9f: {  	[spmem:s4] =	stream.indirect.scatter.add.f32 [tilespmem:s25], [sflag:$0x8], $0x1, s26, s31, $0xb8;
	[tilespmem:$0x1DF78] =	vst v63  }
0xa0: {  	_ =	swait.ge [sflag:s13], $0x1400  }
0xa1: {  	[sflag:s13] =	ssyncset.done $0x0  }
0xa2: {  	[sflag:s13] =	ssyncadd.s32 $0xFFFFEC00  }
0xa3: {  	_ =	swait.ge [sflag:s13], $0x28  }
0xa4: {  	[sflag:s13] =	ssyncset.done $0x0  }
0xa5: {  	s11 =	simm.s32 $0x280;
	[sflag:s13] =	ssyncadd.s32 $0xFFFFFFD8  }
0xa6: {  	[tilespmem:s0], [sflag:$0x1] =	stream.indirect.gather [hbm4b:s1+s31], $0x80, s11, s31, $0xb8;
	[tilespmem:$0x1DF78] =	vst v63  }
0xa7: {  	_ =	swait.ge [sflag:s14], $0x1400  }
0xa8: {  	[sflag:s14] =	ssyncset.done $0x0  }
0xa9: {  	s18 =	simm.s32 $0x2180;
	[sflag:s14] =	ssyncadd.s32 $0xFFFFEC00  }
0xaa: {  	[spmem:s3] =	stream.indirect.scatter.add.f32 [tilespmem:s15], [sflag:$0x9], $0x80, s18, s31, $0xb8;
	[tilespmem:$0x1DF78] =	vst v63  }
0xab: {  	_ = 	snop  }
0xac: {  	[spmem:s4] =	stream.indirect.scatter.add.f32 [tilespmem:s25], [sflag:$0x9], $0x1, s18, s31, $0xb8;
	[tilespmem:$0x1DF78] =	vst v63  }
0xad: {  	_ =	swait.ge [sflag:s16], $0x1400  }
0xae: {  	[sflag:s16] =	ssyncset.done $0x0  }
0xaf: {  	[sflag:s16] =	ssyncadd.s32 $0xFFFFEC00  }
0xb0: {  	_ =	swait.ge [sflag:s16], $0x28  }
0xb1: {  	[sflag:s16] =	ssyncset.done $0x0  }
0xb2: {  	s19 =	simm.s32 $0x300;
	[sflag:s16] =	ssyncadd.s32 $0xFFFFFFD8  }
0xb3: {  	[tilespmem:s2], [sflag:$0x2] =	stream.indirect.gather [hbm4b:s1+s31], $0x80, s19, s31, $0xb8;
	[tilespmem:$0x1DF78] =	vst v63  }
0xb4: {  	_ =	swait.ge [sflag:s17], $0x1400  }
0xb5: {  	[sflag:s17] =	ssyncset.done $0x0  }
0xb6: {  	s26 =	simm.s32 $0x2200;
	[sflag:s17] =	ssyncadd.s32 $0xFFFFEC00  }
0xb7: {  	[spmem:s3] =	stream.indirect.scatter.add.f32 [tilespmem:s20], [sflag:$0xA], $0x80, s26, s31, $0xb8;
	[tilespmem:$0x1DF78] =	vst v63  }
0xb8: {  	_ = 	snop  }
0xb9: {  	[spmem:s4] =	stream.indirect.scatter.add.f32 [tilespmem:s25], [sflag:$0xA], $0x1, s26, s31, $0xb8;
	[tilespmem:$0x1DF78] =	vst v63  }
0xba: {  	_ =	swait.ge [sflag:s21], $0x1400  }
0xbb: {  	[sflag:s21] =	ssyncset.done $0x0  }
0xbc: {  	[sflag:s21] =	ssyncadd.s32 $0xFFFFEC00  }
0xbd: {  	_ =	swait.ge [sflag:s21], $0x28  }
0xbe: {  	[sflag:s21] =	ssyncset.done $0x0  }
0xbf: {  	s11 =	simm.s32 $0x380;
	[sflag:s21] =	ssyncadd.s32 $0xFFFFFFD8  }
0xc0: {  	[tilespmem:s9], [sflag:$0x3] =	stream.indirect.gather [hbm4b:s1+s31], $0x80, s11, s31, $0xb8;
	[tilespmem:$0x1DF78] =	vst v63  }
0xc1: {  	_ =	swait.ge [sflag:s10], $0x1400  }
0xc2: {  	[sflag:s10] =	ssyncset.done $0x0  }
0xc3: {  	s18 =	simm.s32 $0x2280;
	[sflag:s10] =	ssyncadd.s32 $0xFFFFEC00  }
0xc4: {  	[spmem:s3] =	stream.indirect.scatter.add.f32 [tilespmem:s0], [sflag:$0x6], $0x80, s18, s31, $0xb8;
	[tilespmem:$0x1DF78] =	vst v63  }
0xc5: {  	_ = 	snop  }
0xc6: {  	[spmem:s4] =	stream.indirect.scatter.add.f32 [tilespmem:s25], [sflag:$0x6], $0x1, s18, s31, $0xb8;
	[tilespmem:$0x1DF78] =	vst v63  }
0xc7: {  	_ =	swait.ge [sflag:s22], $0x1400  }
0xc8: {  	[sflag:s22] =	ssyncset.done $0x0  }
0xc9: {  	[sflag:s22] =	ssyncadd.s32 $0xFFFFEC00  }
0xca: {  	_ =	swait.ge [sflag:s22], $0x28  }
0xcb: {  	[sflag:s22] =	ssyncset.done $0x0  }
0xcc: {  	s19 =	simm.s32 $0x400;
	[sflag:s22] =	ssyncadd.s32 $0xFFFFFFD8  }
0xcd: {  	[tilespmem:s15], [sflag:$0x4] =	stream.indirect.gather [hbm4b:s1+s31], $0x80, s19, s31, $0xb8;
	[tilespmem:$0x1DF78] =	vst v63  }
0xce: {  	_ =	swait.ge [sflag:s23], $0x1400  }
0xcf: {  	[sflag:s23] =	ssyncset.done $0x0  }
0xd0: {  	s26 =	simm.s32 $0x2300;
	[sflag:s23] =	ssyncadd.s32 $0xFFFFEC00  }
0xd1: {  	[spmem:s3] =	stream.indirect.scatter.add.f32 [tilespmem:s2], [sflag:$0x7], $0x80, s26, s31, $0xb8;
	[tilespmem:$0x1DF78] =	vst v63  }
0xd2: {  	_ = 	snop  }
0xd3: {  	[spmem:s4] =	stream.indirect.scatter.add.f32 [tilespmem:s25], [sflag:$0x7], $0x1, s26, s31, $0xb8;
	[tilespmem:$0x1DF78] =	vst v63  }
0xd4: {  	_ =	swait.ge [sflag:s5], $0x1400  }
0xd5: {  	[sflag:s5] =	ssyncset.done $0x0  }
0xd6: {  	[sflag:s5] =	ssyncadd.s32 $0xFFFFEC00  }
0xd7: {  	_ =	swait.ge [sflag:s5], $0x28  }
0xd8: {  	[sflag:s5] =	ssyncset.done $0x0  }
0xd9: {  	s29 =	simm.s32 $0x480;
	s11 =	simm.s32 $0xA00;
	[sflag:s5] =	ssyncadd.s32 $0xFFFFFFD8  }
.LBB2_3:
0xda: {  	[tilespmem:s20], [sflag:$0x5] =	stream.indirect.gather [hbm4b:s1+s31], $0x80, s29, s31, $0xb8;
	[tilespmem:$0x1DF78] =	vst v63  }
0xdb: {  	s8 =	smov.u32 s11  }
0xdc: {  	p1 =	sne.s32 s11, $0x1E00;
	s11 =	sadd.s32 $0xA00, s11;
	_ =	swait.ge [sflag:s12], $0x1400  }
0xdd: {  	s29 =	sshra.s32 s8, $0x2;
	[sflag:s12] =	ssyncset.done $0x0  }
0xde: {  	s8 =	sadd.s32 $0x2100, s29;
	[sflag:s12] =	ssyncadd.s32 $0xFFFFEC00  }
0xdf: {  	[spmem:s3] =	stream.indirect.scatter.add.f32 [tilespmem:s9], [sflag:$0x8], $0x80, s8, s31, $0xb8;
	[tilespmem:$0x1DF78] =	vst v63  }
0xe0: {  	_ = 	snop  }
0xe1: {  	[spmem:s4] =	stream.indirect.scatter.add.f32 [tilespmem:s25], [sflag:$0x8], $0x1, s8, s31, $0xb8;
	[tilespmem:$0x1DF78] =	vst v63  }
0xe2: {  	_ =	swait.ge [sflag:s13], $0x1400  }
0xe3: {  	[sflag:s13] =	ssyncset.done $0x0  }
0xe4: {  	[sflag:s13] =	ssyncadd.s32 $0xFFFFEC00  }
0xe5: {  	_ =	swait.ge [sflag:s13], $0x28  }
0xe6: {  	[sflag:s13] =	ssyncset.done $0x0  }
0xe7: {  	s8 =	sadd.s32 $0x280, s29;
	[sflag:s13] =	ssyncadd.s32 $0xFFFFFFD8  }
0xe8: {  	[tilespmem:s0], [sflag:$0x1] =	stream.indirect.gather [hbm4b:s1+s31], $0x80, s8, s31, $0xb8;
	[tilespmem:$0x1DF78] =	vst v63  }
0xe9: {  	_ =	swait.ge [sflag:s14], $0x1400  }
0xea: {  	[sflag:s14] =	ssyncset.done $0x0  }
0xeb: {  	s8 =	sadd.s32 $0x2180, s29;
	[sflag:s14] =	ssyncadd.s32 $0xFFFFEC00  }
0xec: {  	[spmem:s3] =	stream.indirect.scatter.add.f32 [tilespmem:s15], [sflag:$0x9], $0x80, s8, s31, $0xb8;
	[tilespmem:$0x1DF78] =	vst v63  }
0xed: {  	_ = 	snop  }
0xee: {  	[spmem:s4] =	stream.indirect.scatter.add.f32 [tilespmem:s25], [sflag:$0x9], $0x1, s8, s31, $0xb8;
	[tilespmem:$0x1DF78] =	vst v63  }
0xef: {  	_ =	swait.ge [sflag:s16], $0x1400  }
0xf0: {  	[sflag:s16] =	ssyncset.done $0x0  }
0xf1: {  	[sflag:s16] =	ssyncadd.s32 $0xFFFFEC00  }
0xf2: {  	_ =	swait.ge [sflag:s16], $0x28  }
0xf3: {  	[sflag:s16] =	ssyncset.done $0x0  }
0xf4: {  	s8 =	sadd.s32 $0x300, s29;
	[sflag:s16] =	ssyncadd.s32 $0xFFFFFFD8  }
0xf5: {  	[tilespmem:s2], [sflag:$0x2] =	stream.indirect.gather [hbm4b:s1+s31], $0x80, s8, s31, $0xb8;
	[tilespmem:$0x1DF78] =	vst v63  }
0xf6: {  	_ =	swait.ge [sflag:s17], $0x1400  }
0xf7: {  	[sflag:s17] =	ssyncset.done $0x0  }
0xf8: {  	s8 =	sadd.s32 $0x2200, s29;
	[sflag:s17] =	ssyncadd.s32 $0xFFFFEC00  }
0xf9: {  	[spmem:s3] =	stream.indirect.scatter.add.f32 [tilespmem:s20], [sflag:$0xA], $0x80, s8, s31, $0xb8;
	[tilespmem:$0x1DF78] =	vst v63  }
0xfa: {  	_ = 	snop  }
0xfb: {  	[spmem:s4] =	stream.indirect.scatter.add.f32 [tilespmem:s25], [sflag:$0xA], $0x1, s8, s31, $0xb8;
	[tilespmem:$0x1DF78] =	vst v63  }
0xfc: {  	_ =	swait.ge [sflag:s21], $0x1400  }
0xfd: {  	[sflag:s21] =	ssyncset.done $0x0  }
0xfe: {  	[sflag:s21] =	ssyncadd.s32 $0xFFFFEC00  }
0xff: {  	_ =	swait.ge [sflag:s21], $0x28  }
0x100: {  	[sflag:s21] =	ssyncset.done $0x0  }
0x101: {  	s8 =	sadd.s32 $0x380, s29;
	[sflag:s21] =	ssyncadd.s32 $0xFFFFFFD8  }
0x102: {  	[tilespmem:s9], [sflag:$0x3] =	stream.indirect.gather [hbm4b:s1+s31], $0x80, s8, s31, $0xb8;
	[tilespmem:$0x1DF78] =	vst v63  }
0x103: {  	_ =	swait.ge [sflag:s10], $0x1400  }
0x104: {  	[sflag:s10] =	ssyncset.done $0x0  }
0x105: {  	s8 =	sadd.s32 $0x2280, s29;
	[sflag:s10] =	ssyncadd.s32 $0xFFFFEC00  }
0x106: {  	[spmem:s3] =	stream.indirect.scatter.add.f32 [tilespmem:s0], [sflag:$0x6], $0x80, s8, s31, $0xb8;
	[tilespmem:$0x1DF78] =	vst v63  }
0x107: {  	_ = 	snop  }
0x108: {  	[spmem:s4] =	stream.indirect.scatter.add.f32 [tilespmem:s25], [sflag:$0x6], $0x1, s8, s31, $0xb8;
	[tilespmem:$0x1DF78] =	vst v63  }
0x109: {  	_ =	swait.ge [sflag:s22], $0x1400  }
0x10a: {  	[sflag:s22] =	ssyncset.done $0x0  }
0x10b: {  	[sflag:s22] =	ssyncadd.s32 $0xFFFFEC00  }
0x10c: {  	_ =	swait.ge [sflag:s22], $0x28  }
0x10d: {  	[sflag:s22] =	ssyncset.done $0x0  }
0x10e: {  	s8 =	sadd.s32 $0x400, s29;
	[sflag:s22] =	ssyncadd.s32 $0xFFFFFFD8  }
0x10f: {  	[tilespmem:s15], [sflag:$0x4] =	stream.indirect.gather [hbm4b:s1+s31], $0x80, s8, s31, $0xb8;
	[tilespmem:$0x1DF78] =	vst v63  }
0x110: {  	_ =	swait.ge [sflag:s23], $0x1400  }
0x111: {  	[sflag:s23] =	ssyncset.done $0x0  }
0x112: {  	s8 =	sadd.s32 $0x2300, s29;
	[sflag:s23] =	ssyncadd.s32 $0xFFFFEC00  }
0x113: {  	[spmem:s3] =	stream.indirect.scatter.add.f32 [tilespmem:s2], [sflag:$0x7], $0x80, s8, s31, $0xb8;
	[tilespmem:$0x1DF78] =	vst v63  }
0x114: {  	_ = 	snop  }
0x115: {  	[spmem:s4] =	stream.indirect.scatter.add.f32 [tilespmem:s25], [sflag:$0x7], $0x1, s8, s31, $0xb8;
	[tilespmem:$0x1DF78] =	vst v63  }
0x116: {  	_ =	swait.ge [sflag:s5], $0x1400  }
.Ltmp2:
0x117: {  	[sflag:s5] =	ssyncset.done $0x0;
	(pc) =	sbr.rel @p1 .LBB2_3-.Ltmp2, $4  }
0x118: {  	[sflag:s5] =	ssyncadd.s32 $0xFFFFEC00  }
0x119: {  	_ =	swait.ge [sflag:s5], $0x28  }
0x11a: {  	[sflag:s5] =	ssyncset.done $0x0  }
0x11b: {  	s29 =	sadd.s32 $0x480, s29;
	[sflag:s5] =	ssyncadd.s32 $0xFFFFFFD8  }
0x11c: {  	[tilespmem:s20], [sflag:$0x5] =	stream.indirect.gather [hbm4b:s1+s31], $0x80, s29, s31, $0xb8;
	[tilespmem:$0x1DF78] =	vst v63  }
0x11d: {  	_ =	swait.ge [sflag:s28], $0xC80  }
0x11e: {  	[sflag:s28] =	ssyncset.done $0x0  }
0x11f: {  	[sflag:s28] =	ssyncadd.s32 $0xFFFFF380  }
0x120: {  	_ =	swait.ge [sflag:s28], $0xC80  }
0x121: {  	[sflag:s28] =	ssyncset.done $0x0  }
0x122: {  	[sflag:s28] =	ssyncadd.s32 $0xFFFFF380  }
0x123: {  	_ =	swait.ge [sflag:s12], $0x1400  }
0x124: {  	[sflag:s12] =	ssyncset.done $0x0  }
0x125: {  	s8 =	simm.s32 $0x2B00;
	[sflag:s12] =	ssyncadd.s32 $0xFFFFEC00  }
0x126: {  	[spmem:s3] =	stream.indirect.scatter.add.f32 [tilespmem:s9], [sflag:$0x8], $0x80, s8, s31, $0xb8;
	[tilespmem:$0x1DF78] =	vst v63  }
0x127: {  	_ = 	snop  }
0x128: {  	[spmem:s4] =	stream.indirect.scatter.add.f32 [tilespmem:s25], [sflag:$0x8], $0x1, s8, s31, $0xb8;
	[tilespmem:$0x1DF78] =	vst v63  }
0x129: {  	_ =	swait.ge [sflag:s13], $0x1400  }
0x12a: {  	[sflag:s13] =	ssyncset.done $0x0  }
0x12b: {  	[sflag:s13] =	ssyncadd.s32 $0xFFFFEC00  }
0x12c: {  	_ =	swait.ge [sflag:s13], $0x28  }
0x12d: {  	[sflag:s13] =	ssyncset.done $0x0  }
0x12e: {  	s18 =	simm.s32 $0x1000;
	[sflag:s13] =	ssyncadd.s32 $0xFFFFFFD8  }
0x12f: {  	[tilespmem:s0], [sflag:$0x1] =	stream.indirect.gather [hbm4b:s1+s31], $0x80, s18, s31, $0xb8;
	[tilespmem:$0x1DF78] =	vst v63  }
0x130: {  	_ =	swait.ge [sflag:s14], $0x1400  }
0x131: {  	[sflag:s14] =	ssyncset.done $0x0  }
0x132: {  	s19 =	simm.s32 $0x2B80;
	[sflag:s14] =	ssyncadd.s32 $0xFFFFEC00  }
0x133: {  	[spmem:s3] =	stream.indirect.scatter.add.f32 [tilespmem:s15], [sflag:$0x9], $0x80, s19, s31, $0xb8;
	[tilespmem:$0x1DF78] =	vst v63  }
0x134: {  	_ = 	snop  }
0x135: {  	[spmem:s4] =	stream.indirect.scatter.add.f32 [tilespmem:s25], [sflag:$0x9], $0x1, s19, s31, $0xb8;
	[tilespmem:$0x1DF78] =	vst v63  }
0x136: {  	_ =	swait.ge [sflag:s16], $0x1400  }
0x137: {  	[sflag:s16] =	ssyncset.done $0x0  }
0x138: {  	[sflag:s16] =	ssyncadd.s32 $0xFFFFEC00  }
0x139: {  	_ =	swait.ge [sflag:s16], $0x28  }
0x13a: {  	[sflag:s16] =	ssyncset.done $0x0  }
0x13b: {  	s26 =	simm.s32 $0x1080;
	[sflag:s16] =	ssyncadd.s32 $0xFFFFFFD8  }
0x13c: {  	[tilespmem:s2], [sflag:$0x2] =	stream.indirect.gather [hbm4b:s1+s31], $0x80, s26, s31, $0xb8;
	[tilespmem:$0x1DF78] =	vst v63  }
0x13d: {  	_ =	swait.ge [sflag:s17], $0x1400  }
0x13e: {  	[sflag:s17] =	ssyncset.done $0x0  }
0x13f: {  	s29 =	simm.s32 $0x2C00;
	[sflag:s17] =	ssyncadd.s32 $0xFFFFEC00  }
0x140: {  	[spmem:s3] =	stream.indirect.scatter.add.f32 [tilespmem:s20], [sflag:$0xA], $0x80, s29, s31, $0xb8;
	[tilespmem:$0x1DF78] =	vst v63  }
0x141: {  	_ = 	snop  }
0x142: {  	[spmem:s4] =	stream.indirect.scatter.add.f32 [tilespmem:s25], [sflag:$0xA], $0x1, s29, s31, $0xb8;
	[tilespmem:$0x1DF78] =	vst v63  }
0x143: {  	_ =	swait.ge [sflag:s21], $0x1400  }
0x144: {  	[sflag:s21] =	ssyncset.done $0x0  }
0x145: {  	[sflag:s21] =	ssyncadd.s32 $0xFFFFEC00  }
0x146: {  	_ =	swait.ge [sflag:s21], $0x28  }
0x147: {  	[sflag:s21] =	ssyncset.done $0x0  }
0x148: {  	s11 =	simm.s32 $0x1100;
	[sflag:s21] =	ssyncadd.s32 $0xFFFFFFD8  }
0x149: {  	[tilespmem:s9], [sflag:$0x3] =	stream.indirect.gather [hbm4b:s1+s31], $0x80, s11, s31, $0xb8;
	[tilespmem:$0x1DF78] =	vst v63  }
0x14a: {  	_ =	swait.ge [sflag:s10], $0x1400  }
0x14b: {  	[sflag:s10] =	ssyncset.done $0x0  }
0x14c: {  	s18 =	simm.s32 $0x3000;
	[sflag:s10] =	ssyncadd.s32 $0xFFFFEC00  }
0x14d: {  	[spmem:s3] =	stream.indirect.scatter.add.f32 [tilespmem:s0], [sflag:$0x6], $0x80, s18, s31, $0xb8;
	[tilespmem:$0x1DF78] =	vst v63  }
0x14e: {  	_ = 	snop  }
0x14f: {  	[spmem:s4] =	stream.indirect.scatter.add.f32 [tilespmem:s25], [sflag:$0x6], $0x1, s18, s31, $0xb8;
	[tilespmem:$0x1DF78] =	vst v63  }
0x150: {  	_ =	swait.ge [sflag:s22], $0x1400  }
0x151: {  	[sflag:s22] =	ssyncset.done $0x0  }
0x152: {  	[sflag:s22] =	ssyncadd.s32 $0xFFFFEC00  }
0x153: {  	_ =	swait.ge [sflag:s22], $0x28  }
0x154: {  	[sflag:s22] =	ssyncset.done $0x0  }
0x155: {  	s19 =	simm.s32 $0x1180;
	[sflag:s22] =	ssyncadd.s32 $0xFFFFFFD8  }
0x156: {  	[tilespmem:s15], [sflag:$0x4] =	stream.indirect.gather [hbm4b:s1+s31], $0x80, s19, s31, $0xb8;
	[tilespmem:$0x1DF78] =	vst v63  }
0x157: {  	_ =	swait.ge [sflag:s23], $0x1400  }
0x158: {  	[sflag:s23] =	ssyncset.done $0x0  }
0x159: {  	s29 =	simm.s32 $0x3080;
	[sflag:s23] =	ssyncadd.s32 $0xFFFFEC00  }
0x15a: {  	[spmem:s3] =	stream.indirect.scatter.add.f32 [tilespmem:s2], [sflag:$0x7], $0x80, s29, s31, $0xb8;
	[tilespmem:$0x1DF78] =	vst v63  }
0x15b: {  	_ = 	snop  }
0x15c: {  	[spmem:s4] =	stream.indirect.scatter.add.f32 [tilespmem:s25], [sflag:$0x7], $0x1, s29, s31, $0xb8;
	[tilespmem:$0x1DF78] =	vst v63  }
0x15d: {  	_ =	swait.ge [sflag:s5], $0x1400  }
0x15e: {  	[sflag:s5] =	ssyncset.done $0x0  }
0x15f: {  	[sflag:s5] =	ssyncadd.s32 $0xFFFFEC00  }
0x160: {  	_ =	swait.ge [sflag:s5], $0x28  }
0x161: {  	p1 =	seq.s32 s30, $0x4;
	[sflag:s5] =	ssyncset.done $0x0;
	s8 =	rddreg [dreg:$0x11]  }
0x162: {  	s11 =	simm.s32 $0x1200;
	[sflag:s5] =	ssyncadd.s32 $0xFFFFFFD8;
	s8 =	sadd.s32 @!p1 s24, s8  }
0x163: {  	[tilespmem:s20], [sflag:$0x5] =	stream.indirect.gather [hbm4b:s1+s31], $0x80, s11, s31, $0xb8;
	[tilespmem:$0x1DF78] =	vst v63  }
0x164: {  	s8 =	sshrl.u32 @!p1 s8, $0x3  }
0x165: {  	s18 =	simm.s32 @!p1 $0x0;
	s11 =	sadd.s32 @!p1 s6, s8  }
0x166: {  	[tilespmem:s18], [sflag:$0xB] =	stream.linear.gather @!p1 [hbm4b:s11+s18], $0xC80, $0x38;
	[tilespmem:$0x1DF78] =	vst v63  }
0x167: {  	s8 =	sadd.s32 @!p1 s7, s8;
	s11 =	simm.s32 @!p1 $0x2000  }
0x168: {  	[tilespmem:s11], [sflag:$0xB] =	stream.linear.gather @!p1 [hbm4b:s8+s18], $0xC80, $0x38;
	[tilespmem:$0x1DF78] =	vst v63  }
0x169: {  	_ =	swait.ge [sflag:s12], $0x1400  }
0x16a: {  	[sflag:s12] =	ssyncset.done $0x0  }
0x16b: {  	s18 =	simm.s32 $0x3100;
	[sflag:s12] =	ssyncadd.s32 $0xFFFFEC00  }
0x16c: {  	[spmem:s3] =	stream.indirect.scatter.add.f32 [tilespmem:s9], [sflag:$0x8], $0x80, s18, s31, $0xb8;
	[tilespmem:$0x1DF78] =	vst v63  }
0x16d: {  	_ = 	snop  }
0x16e: {  	[spmem:s4] =	stream.indirect.scatter.add.f32 [tilespmem:s25], [sflag:$0x8], $0x1, s18, s31, $0xb8;
	[tilespmem:$0x1DF78] =	vst v63  }
0x16f: {  	_ =	swait.ge [sflag:s13], $0x1400  }
0x170: {  	[sflag:s13] =	ssyncset.done $0x0  }
0x171: {  	[sflag:s13] =	ssyncadd.s32 $0xFFFFEC00  }
0x172: {  	_ =	swait.ge [sflag:s13], $0x28  }
0x173: {  	[sflag:s13] =	ssyncset.done $0x0  }
0x174: {  	s19 =	simm.s32 $0x1280;
	[sflag:s13] =	ssyncadd.s32 $0xFFFFFFD8  }
0x175: {  	[tilespmem:s0], [sflag:$0x1] =	stream.indirect.gather [hbm4b:s1+s31], $0x80, s19, s31, $0xb8;
	[tilespmem:$0x1DF78] =	vst v63  }
0x176: {  	_ =	swait.ge [sflag:s14], $0x1400  }
0x177: {  	[sflag:s14] =	ssyncset.done $0x0  }
0x178: {  	s24 =	simm.s32 $0x3180;
	[sflag:s14] =	ssyncadd.s32 $0xFFFFEC00  }
0x179: {  	[spmem:s3] =	stream.indirect.scatter.add.f32 [tilespmem:s15], [sflag:$0x9], $0x80, s24, s31, $0xb8;
	[tilespmem:$0x1DF78] =	vst v63  }
0x17a: {  	_ = 	snop  }
0x17b: {  	[spmem:s4] =	stream.indirect.scatter.add.f32 [tilespmem:s25], [sflag:$0x9], $0x1, s24, s31, $0xb8;
	[tilespmem:$0x1DF78] =	vst v63  }
0x17c: {  	_ =	swait.ge [sflag:s16], $0x1400  }
0x17d: {  	[sflag:s16] =	ssyncset.done $0x0  }
0x17e: {  	[sflag:s16] =	ssyncadd.s32 $0xFFFFEC00  }
0x17f: {  	_ =	swait.ge [sflag:s16], $0x28  }
0x180: {  	[sflag:s16] =	ssyncset.done $0x0  }
0x181: {  	s29 =	simm.s32 $0x1300;
	[sflag:s16] =	ssyncadd.s32 $0xFFFFFFD8  }
0x182: {  	[tilespmem:s2], [sflag:$0x2] =	stream.indirect.gather [hbm4b:s1+s31], $0x80, s29, s31, $0xb8;
	[tilespmem:$0x1DF78] =	vst v63  }
0x183: {  	_ =	swait.ge [sflag:s17], $0x1400  }
0x184: {  	[sflag:s17] =	ssyncset.done $0x0  }
0x185: {  	s11 =	simm.s32 $0x3200;
	[sflag:s17] =	ssyncadd.s32 $0xFFFFEC00  }
0x186: {  	[spmem:s3] =	stream.indirect.scatter.add.f32 [tilespmem:s20], [sflag:$0xA], $0x80, s11, s31, $0xb8;
	[tilespmem:$0x1DF78] =	vst v63  }
0x187: {  	_ = 	snop  }
0x188: {  	[spmem:s4] =	stream.indirect.scatter.add.f32 [tilespmem:s25], [sflag:$0xA], $0x1, s11, s31, $0xb8;
	[tilespmem:$0x1DF78] =	vst v63  }
0x189: {  	_ =	swait.ge [sflag:s21], $0x1400  }
0x18a: {  	[sflag:s21] =	ssyncset.done $0x0  }
0x18b: {  	[sflag:s21] =	ssyncadd.s32 $0xFFFFEC00  }
0x18c: {  	_ =	swait.ge [sflag:s21], $0x28  }
0x18d: {  	[sflag:s21] =	ssyncset.done $0x0  }
0x18e: {  	s18 =	simm.s32 $0x1380;
	[sflag:s21] =	ssyncadd.s32 $0xFFFFFFD8  }
0x18f: {  	[tilespmem:s9], [sflag:$0x3] =	stream.indirect.gather [hbm4b:s1+s31], $0x80, s18, s31, $0xb8;
	[tilespmem:$0x1DF78] =	vst v63  }
0x190: {  	_ =	swait.ge [sflag:s10], $0x1400  }
0x191: {  	[sflag:s10] =	ssyncset.done $0x0  }
0x192: {  	s19 =	simm.s32 $0x3280;
	[sflag:s10] =	ssyncadd.s32 $0xFFFFEC00  }
0x193: {  	[spmem:s3] =	stream.indirect.scatter.add.f32 [tilespmem:s0], [sflag:$0x6], $0x80, s19, s31, $0xb8;
	[tilespmem:$0x1DF78] =	vst v63  }
0x194: {  	_ = 	snop  }
0x195: {  	[spmem:s4] =	stream.indirect.scatter.add.f32 [tilespmem:s25], [sflag:$0x6], $0x1, s19, s31, $0xb8;
	[tilespmem:$0x1DF78] =	vst v63  }
0x196: {  	_ =	swait.ge [sflag:s22], $0x1400  }
0x197: {  	[sflag:s22] =	ssyncset.done $0x0  }
0x198: {  	[sflag:s22] =	ssyncadd.s32 $0xFFFFEC00  }
0x199: {  	_ =	swait.ge [sflag:s22], $0x28  }
0x19a: {  	[sflag:s22] =	ssyncset.done $0x0  }
0x19b: {  	s24 =	simm.s32 $0x1400;
	[sflag:s22] =	ssyncadd.s32 $0xFFFFFFD8  }
0x19c: {  	[tilespmem:s15], [sflag:$0x4] =	stream.indirect.gather [hbm4b:s1+s31], $0x80, s24, s31, $0xb8;
	[tilespmem:$0x1DF78] =	vst v63  }
0x19d: {  	_ =	swait.ge [sflag:s23], $0x1400  }
0x19e: {  	[sflag:s23] =	ssyncset.done $0x0  }
0x19f: {  	s29 =	simm.s32 $0x3300;
	[sflag:s23] =	ssyncadd.s32 $0xFFFFEC00  }
0x1a0: {  	[spmem:s3] =	stream.indirect.scatter.add.f32 [tilespmem:s2], [sflag:$0x7], $0x80, s29, s31, $0xb8;
	[tilespmem:$0x1DF78] =	vst v63  }
0x1a1: {  	_ = 	snop  }
0x1a2: {  	[spmem:s4] =	stream.indirect.scatter.add.f32 [tilespmem:s25], [sflag:$0x7], $0x1, s29, s31, $0xb8;
	[tilespmem:$0x1DF78] =	vst v63  }
0x1a3: {  	_ =	swait.ge [sflag:s5], $0x1400  }
0x1a4: {  	[sflag:s5] =	ssyncset.done $0x0  }
0x1a5: {  	[sflag:s5] =	ssyncadd.s32 $0xFFFFEC00  }
0x1a6: {  	_ =	swait.ge [sflag:s5], $0x28  }
0x1a7: {  	s26 =	simm.s32 $0x3000;
	[sflag:s5] =	ssyncset.done $0x0  }
0x1a8: {  	s11 =	simm.s32 $0xA00;
	s24 =	simm.s32 $0x1480;
	[sflag:s5] =	ssyncadd.s32 $0xFFFFFFD8  }
.LBB2_5:
0x1a9: {  	[tilespmem:s20], [sflag:$0x5] =	stream.indirect.gather [hbm4b:s1+s31], $0x80, s24, s31, $0xb8;
	[tilespmem:$0x1DF78] =	vst v63  }
0x1aa: {  	s8 =	smov.u32 s11  }
0x1ab: {  	p2 =	sne.s32 s11, $0x1E00;
	s11 =	sadd.s32 $0xA00, s11;
	_ =	swait.ge [sflag:s12], $0x1400  }
0x1ac: {  	s24 =	sshra.s32 s8, $0x2;
	[sflag:s12] =	ssyncset.done $0x0  }
0x1ad: {  	s8 =	sadd.s32 $0x3100, s24;
	[sflag:s12] =	ssyncadd.s32 $0xFFFFEC00  }
0x1ae: {  	[spmem:s3] =	stream.indirect.scatter.add.f32 [tilespmem:s9], [sflag:$0x8], $0x80, s8, s31, $0xb8;
	[tilespmem:$0x1DF78] =	vst v63  }
0x1af: {  	_ = 	snop  }
0x1b0: {  	[spmem:s4] =	stream.indirect.scatter.add.f32 [tilespmem:s25], [sflag:$0x8], $0x1, s8, s31, $0xb8;
	[tilespmem:$0x1DF78] =	vst v63  }
0x1b1: {  	_ =	swait.ge [sflag:s13], $0x1400  }
0x1b2: {  	[sflag:s13] =	ssyncset.done $0x0  }
0x1b3: {  	[sflag:s13] =	ssyncadd.s32 $0xFFFFEC00  }
0x1b4: {  	_ =	swait.ge [sflag:s13], $0x28  }
0x1b5: {  	[sflag:s13] =	ssyncset.done $0x0  }
0x1b6: {  	s8 =	sadd.s32 $0x1280, s24;
	[sflag:s13] =	ssyncadd.s32 $0xFFFFFFD8  }
0x1b7: {  	[tilespmem:s0], [sflag:$0x1] =	stream.indirect.gather [hbm4b:s1+s31], $0x80, s8, s31, $0xb8;
	[tilespmem:$0x1DF78] =	vst v63  }
0x1b8: {  	_ =	swait.ge [sflag:s14], $0x1400  }
0x1b9: {  	[sflag:s14] =	ssyncset.done $0x0  }
0x1ba: {  	s8 =	sadd.s32 $0x3180, s24;
	[sflag:s14] =	ssyncadd.s32 $0xFFFFEC00  }
0x1bb: {  	[spmem:s3] =	stream.indirect.scatter.add.f32 [tilespmem:s15], [sflag:$0x9], $0x80, s8, s31, $0xb8;
	[tilespmem:$0x1DF78] =	vst v63  }
0x1bc: {  	_ = 	snop  }
0x1bd: {  	[spmem:s4] =	stream.indirect.scatter.add.f32 [tilespmem:s25], [sflag:$0x9], $0x1, s8, s31, $0xb8;
	[tilespmem:$0x1DF78] =	vst v63  }
0x1be: {  	_ =	swait.ge [sflag:s16], $0x1400  }
0x1bf: {  	[sflag:s16] =	ssyncset.done $0x0  }
0x1c0: {  	[sflag:s16] =	ssyncadd.s32 $0xFFFFEC00  }
0x1c1: {  	_ =	swait.ge [sflag:s16], $0x28  }
0x1c2: {  	[sflag:s16] =	ssyncset.done $0x0  }
0x1c3: {  	s8 =	sadd.s32 $0x1300, s24;
	[sflag:s16] =	ssyncadd.s32 $0xFFFFFFD8  }
0x1c4: {  	[tilespmem:s2], [sflag:$0x2] =	stream.indirect.gather [hbm4b:s1+s31], $0x80, s8, s31, $0xb8;
	[tilespmem:$0x1DF78] =	vst v63  }
0x1c5: {  	_ =	swait.ge [sflag:s17], $0x1400  }
0x1c6: {  	[sflag:s17] =	ssyncset.done $0x0  }
0x1c7: {  	s8 =	sadd.s32 $0x3200, s24;
	[sflag:s17] =	ssyncadd.s32 $0xFFFFEC00  }
0x1c8: {  	[spmem:s3] =	stream.indirect.scatter.add.f32 [tilespmem:s20], [sflag:$0xA], $0x80, s8, s31, $0xb8;
	[tilespmem:$0x1DF78] =	vst v63  }
0x1c9: {  	_ = 	snop  }
0x1ca: {  	[spmem:s4] =	stream.indirect.scatter.add.f32 [tilespmem:s25], [sflag:$0xA], $0x1, s8, s31, $0xb8;
	[tilespmem:$0x1DF78] =	vst v63  }
0x1cb: {  	_ =	swait.ge [sflag:s21], $0x1400  }
0x1cc: {  	[sflag:s21] =	ssyncset.done $0x0  }
0x1cd: {  	[sflag:s21] =	ssyncadd.s32 $0xFFFFEC00  }
0x1ce: {  	_ =	swait.ge [sflag:s21], $0x28  }
0x1cf: {  	[sflag:s21] =	ssyncset.done $0x0  }
0x1d0: {  	s8 =	sadd.s32 $0x1380, s24;
	[sflag:s21] =	ssyncadd.s32 $0xFFFFFFD8  }
0x1d1: {  	[tilespmem:s9], [sflag:$0x3] =	stream.indirect.gather [hbm4b:s1+s31], $0x80, s8, s31, $0xb8;
	[tilespmem:$0x1DF78] =	vst v63  }
0x1d2: {  	_ =	swait.ge [sflag:s10], $0x1400  }
0x1d3: {  	[sflag:s10] =	ssyncset.done $0x0  }
0x1d4: {  	s8 =	sadd.s32 $0x3280, s24;
	[sflag:s10] =	ssyncadd.s32 $0xFFFFEC00  }
0x1d5: {  	[spmem:s3] =	stream.indirect.scatter.add.f32 [tilespmem:s0], [sflag:$0x6], $0x80, s8, s31, $0xb8;
	[tilespmem:$0x1DF78] =	vst v63  }
0x1d6: {  	_ = 	snop  }
0x1d7: {  	[spmem:s4] =	stream.indirect.scatter.add.f32 [tilespmem:s25], [sflag:$0x6], $0x1, s8, s31, $0xb8;
	[tilespmem:$0x1DF78] =	vst v63  }
0x1d8: {  	_ =	swait.ge [sflag:s22], $0x1400  }
0x1d9: {  	[sflag:s22] =	ssyncset.done $0x0  }
0x1da: {  	[sflag:s22] =	ssyncadd.s32 $0xFFFFEC00  }
0x1db: {  	_ =	swait.ge [sflag:s22], $0x28  }
0x1dc: {  	[sflag:s22] =	ssyncset.done $0x0  }
0x1dd: {  	s8 =	sadd.s32 $0x1400, s24;
	[sflag:s22] =	ssyncadd.s32 $0xFFFFFFD8  }
0x1de: {  	[tilespmem:s15], [sflag:$0x4] =	stream.indirect.gather [hbm4b:s1+s31], $0x80, s8, s31, $0xb8;
	[tilespmem:$0x1DF78] =	vst v63  }
0x1df: {  	_ =	swait.ge [sflag:s23], $0x1400  }
0x1e0: {  	[sflag:s23] =	ssyncset.done $0x0  }
0x1e1: {  	s8 =	sadd.s32 $0x3300, s24;
	[sflag:s23] =	ssyncadd.s32 $0xFFFFEC00  }
0x1e2: {  	[spmem:s3] =	stream.indirect.scatter.add.f32 [tilespmem:s2], [sflag:$0x7], $0x80, s8, s31, $0xb8;
	[tilespmem:$0x1DF78] =	vst v63  }
0x1e3: {  	_ = 	snop  }
0x1e4: {  	[spmem:s4] =	stream.indirect.scatter.add.f32 [tilespmem:s25], [sflag:$0x7], $0x1, s8, s31, $0xb8;
	[tilespmem:$0x1DF78] =	vst v63  }
0x1e5: {  	_ =	swait.ge [sflag:s5], $0x1400  }
.Ltmp3:
0x1e6: {  	[sflag:s5] =	ssyncset.done $0x0;
	(pc) =	sbr.rel @p2 .LBB2_5-.Ltmp3, $4  }
0x1e7: {  	[sflag:s5] =	ssyncadd.s32 $0xFFFFEC00  }
0x1e8: {  	_ =	swait.ge [sflag:s5], $0x28  }
0x1e9: {  	[sflag:s5] =	ssyncset.done $0x0  }
0x1ea: {  	s24 =	sadd.s32 $0x1480, s24;
	[sflag:s5] =	ssyncadd.s32 $0xFFFFFFD8  }
0x1eb: {  	[tilespmem:s20], [sflag:$0x5] =	stream.indirect.gather [hbm4b:s1+s31], $0x80, s24, s31, $0xb8;
	[tilespmem:$0x1DF78] =	vst v63  }
0x1ec: {  	s8 =	simm.s32 @!p1 $0xB  }
0x1ed: {  	_ =	swait.ge @!p1 [sflag:s8], $0xC80  }
0x1ee: {  	[sflag:s8] =	ssyncset.done @!p1 $0x0  }
0x1ef: {  	[sflag:s8] =	ssyncadd.s32 @!p1 $0xFFFFF380  }
0x1f0: {  	_ =	swait.ge @!p1 [sflag:s8], $0xC80  }
0x1f1: {  	[sflag:s8] =	ssyncset.done @!p1 $0x0  }
0x1f2: {  	[sflag:s8] =	ssyncadd.s32 @!p1 $0xFFFFF380  }
0x1f3: {  	_ =	swait.ge [sflag:s12], $0x1400  }
0x1f4: {  	[sflag:s12] =	ssyncset.done $0x0  }
0x1f5: {  	s19 =	simm.s32 $0x3B00;
	[sflag:s12] =	ssyncadd.s32 $0xFFFFEC00  }
0x1f6: {  	[spmem:s3] =	stream.indirect.scatter.add.f32 [tilespmem:s9], [sflag:$0x8], $0x80, s19, s31, $0xb8;
	[tilespmem:$0x1DF78] =	vst v63  }
0x1f7: {  	_ = 	snop  }
0x1f8: {  	[spmem:s4] =	stream.indirect.scatter.add.f32 [tilespmem:s25], [sflag:$0x8], $0x1, s19, s31, $0xb8;
	[tilespmem:$0x1DF78] =	vst v63  }
0x1f9: {  	_ =	swait.ge [sflag:s13], $0x1400  }
0x1fa: {  	[sflag:s13] =	ssyncset.done $0x0  }
0x1fb: {  	[sflag:s13] =	ssyncadd.s32 $0xFFFFEC00  }
0x1fc: {  	_ =	swait.ge [sflag:s13], $0x28  }
0x1fd: {  	s11 =	simm.s32 @!p1 $0x0;
	[sflag:s13] =	ssyncset.done $0x0  }
0x1fe: {  	s18 =	simm.s32 @!p1 $0x4000;
	s8 =	simm.s32 @!p1 $0x28;
	[sflag:s13] =	ssyncadd.s32 $0xFFFFFFD8  }
0x1ff: {  	[tilespmem:s18], [sflag:$0x1] =	stream.indirect.gather @!p1 [hbm4b:s1+s8], $0x80, s11, s8, $0xb8;
	[tilespmem:$0x1DF78] =	vst v63  }
0x200: {  	_ =	swait.ge [sflag:s14], $0x1400  }
0x201: {  	[sflag:s14] =	ssyncset.done $0x0  }
0x202: {  	s24 =	simm.s32 $0x3B80;
	[sflag:s14] =	ssyncadd.s32 $0xFFFFEC00  }
0x203: {  	[spmem:s3] =	stream.indirect.scatter.add.f32 [tilespmem:s15], [sflag:$0x9], $0x80, s24, s31, $0xb8;
	[tilespmem:$0x1DF78] =	vst v63  }
0x204: {  	_ = 	snop  }
0x205: {  	[spmem:s4] =	stream.indirect.scatter.add.f32 [tilespmem:s25], [sflag:$0x9], $0x1, s24, s31, $0xb8;
	[tilespmem:$0x1DF78] =	vst v63  }
0x206: {  	_ =	swait.ge [sflag:s16], $0x1400  }
0x207: {  	[sflag:s16] =	ssyncset.done $0x0  }
0x208: {  	[sflag:s16] =	ssyncadd.s32 $0xFFFFEC00  }
0x209: {  	_ =	swait.ge [sflag:s16], $0x28  }
0x20a: {  	[sflag:s16] =	ssyncset.done $0x0  }
0x20b: {  	s11 =	simm.s32 @!p1 $0x80;
	s18 =	simm.s32 @!p1 $0x5400;
	[sflag:s16] =	ssyncadd.s32 $0xFFFFFFD8  }
0x20c: {  	[tilespmem:s18], [sflag:$0x2] =	stream.indirect.gather @!p1 [hbm4b:s1+s8], $0x80, s11, s8, $0xb8;
	[tilespmem:$0x1DF78] =	vst v63  }
0x20d: {  	_ =	swait.ge [sflag:s17], $0x1400  }
0x20e: {  	[sflag:s17] =	ssyncset.done $0x0  }
0x20f: {  	s29 =	simm.s32 $0x3C00;
	[sflag:s17] =	ssyncadd.s32 $0xFFFFEC00  }
0x210: {  	[spmem:s3] =	stream.indirect.scatter.add.f32 [tilespmem:s20], [sflag:$0xA], $0x80, s29, s31, $0xb8;
	[tilespmem:$0x1DF78] =	vst v63  }
0x211: {  	_ = 	snop  }
0x212: {  	[spmem:s4] =	stream.indirect.scatter.add.f32 [tilespmem:s25], [sflag:$0xA], $0x1, s29, s31, $0xb8;
	[tilespmem:$0x1DF78] =	vst v63  }
0x213: {  	_ =	swait.ge [sflag:s21], $0x1400  }
.Ltmp4:
0x214: {  	[sflag:s21] =	ssyncset.done $0x0;
	(pc) =	sbr.rel @p1 .LBB2_8-.Ltmp4, $4  }
0x215: {  	[sflag:s21] =	ssyncadd.s32 $0xFFFFEC00  }
0x216: {  	_ =	swait.ge [sflag:s21], $0x28  }
0x217: {  	[sflag:s21] =	ssyncset.done $0x0  }
0x218: {  	[sflag:s21] =	ssyncadd.s32 $0xFFFFFFD8  }
.Ltmp5:
0x219: {  	(pc) =	sbr.rel .LBB2_2-.Ltmp5, $3  }
0x21a: {  	_ =	sdelay $0x1  }
0x21b: {  	s8 =	simm.s32 $0x100;
	s30 =	sadd.s32 $0x1, s30  }
0x21c: {  	[tilespmem:s9], [sflag:$0x3] =	stream.indirect.gather [hbm4b:s1+s31], $0x80, s8, s31, $0xb8;
	[tilespmem:$0x1DF78] =	vst v63  }
.LBB2_9:
0x21d: {  	_ =	sfence.sel $0x180000  }
0x21e: {  	[bflag:$0x0] =	sbarrier.arrive $0xFFFF  }
0x21f: {  	_ =	strace $0x90000047  }
0x220: {  	[bflag:$0x2] =	sbarrier.arrive $0xFFFF  }
0x221: {  	s0 =	rddreg [dreg:$0x5]  }
0x222: {  	s0 =	sadd.s32 @!p0 $0x100000, s0  }
0x223: {  	[sflag:s0] =	ssyncadd.tile.s32 @!p0 $0x1;
	_ =	shalt  }
.Lfunc_end2:
_tile_overlayer_lowered:
.L_overlay_start_2:
0x224: {  	(tag) =	ssettag $0x2  }
0x225: {  	s0 =	rddreg [dreg:$0x0];
	s2 =	stileid.u32  }
0x226: {  	s1 =	rddreg [dreg:$0x1];
	p0 =	sne.s32 s2, $0x0  }
0x227: {  	s3 =	rddreg [dreg:$0x2];
	[bflag:$0x3] =	sbarrier.arrive $0xFFFF;
	s2 =	simm.s32 @!p0 $0x1C0D  }
0x228: {  	[timem:s3], [sflag:s2] =	dma.local @!p0 [hbm:s0], s1  }
0x229: {  	s0 =	simm.s32 @!p0 $0xD  }
0x22a: {  	_ =	swait.ge @!p0 [sflag:s0], s1  }
0x22b: {  	s1 =	ssub.s32 @!p0 $0x0, s1;
	[sflag:s0] =	ssyncset.done @!p0 $0x0  }
0x22c: {  	[sflag:s0] =	ssyncadd.s32 @!p0 s1  }
0x22d: {  	[bflag:$0x3] =	sbarrier.arrive $0xFFFF  }
0x22e: {  	_ =	shalt  }

</sc_bundles>
